<compile_context>
chip_gen: v7x
topology: tpu7x:2x2x1
jax: 0.10.2.dev20260603
libtpu: 0.0.44.dev20260713+nightly
codegen_flags: <defaults>
</compile_context>

<pallas_src>
import jax
import jax.numpy as jnp
from jax.experimental import pallas as pl
from jax.experimental.pallas import tpu as pltpu
from jax.experimental.pallas import tpu_sc as plsc

MAX_SPAN_WIDTH = 20
TOP_SPAN_RATIO = 0.4
WIDTH_DIM = 20

MM_BM = 512
CB_BM = 512


def _dot1(x, w):
    return jax.lax.dot_general(
        x.astype(jnp.bfloat16), w.astype(jnp.bfloat16),
        (((1,), (0,)), ((), ())), preferred_element_type=jnp.float32)


def _matmul_body(x_ref, w_ref, oa_ref, ob_ref):
    res = _dot1(x_ref[...], w_ref[...])
    j = pl.program_id(1)

    @pl.when(j == 0)
    def _():
        oa_ref[...] = res

    @pl.when(j == 1)
    def _():
        ob_ref[...] = res


def _combine_body(a_ref, b0_ref, b1_ref, swe_ref, w1w_ref, b1r_ref,
                  swpe_ref, ww1_ref, wb1_ref, ww2_ref, wb2_ref,
                  w2_ref, b2_ref, o_ref):
    ms = a_ref.shape[1]
    a = a_ref[...]
    bcat = jnp.concatenate([b0_ref[...], b1_ref[...]], axis=0)
    c = _dot1(swe_ref[...], w1w_ref[...]) + b1r_ref[...]
    wh = jnp.maximum(_dot1(swpe_ref[...], ww1_ref[...]) + wb1_ref[...], 0.0)
    wsc = _dot1(wh, ww2_ref[...])
    w2 = w2_ref[...].astype(jnp.bfloat16).astype(jnp.float32)
    bias = b2_ref[0, 0] + wb2_ref[0, 0]
    cols = []
    for w in range(MAX_SPAN_WIDTH):
        bw = jax.lax.slice(bcat, (w, 0), (w + CB_BM, ms))
        t = jnp.maximum(a + bw + c[w:w + 1, :], 0.0)
        t = t.astype(jnp.bfloat16).astype(jnp.float32)
        col = jnp.sum(t * w2, axis=1, keepdims=True) + (wsc[w, 0] + bias)
        cols.append(col)
    o_ref[...] = jnp.concatenate(cols, axis=1)


def _compute_logits(encoded_doc, mention_W1, mention_b1, mention_W2,
                    mention_b2, span_width_emb, span_width_prior_emb,
                    width_W1, width_b1, width_W2, width_b2):
    n, h = encoded_doc.shape
    msize = mention_W1.shape[1]

    amat, bmat = pl.pallas_call(
        _matmul_body,
        grid=(n // MM_BM, 2),
        in_specs=[
            pl.BlockSpec((MM_BM, h), lambda i, j: (i, 0)),
            pl.BlockSpec((h, msize), lambda i, j: (j, 0)),
        ],
        out_specs=[
            pl.BlockSpec((MM_BM, msize), lambda i, j: (i, 0)),
            pl.BlockSpec((MM_BM, msize), lambda i, j: (i, 0)),
        ],
        out_shape=[jax.ShapeDtypeStruct((n, msize), jnp.float32),
                   jax.ShapeDtypeStruct((n, msize), jnp.float32)],
    )(encoded_doc, mention_W1)

    nblk = n // CB_BM
    full = lambda r, c: pl.BlockSpec((r, c), lambda m: (0, 0))
    logits = pl.pallas_call(
        _combine_body,
        grid=(nblk,),
        in_specs=[
            pl.BlockSpec((CB_BM, msize), lambda m: (m, 0)),
            pl.BlockSpec((CB_BM, msize), lambda m: (m, 0)),
            pl.BlockSpec((CB_BM, msize),
                         lambda m: (jnp.minimum(m + 1, nblk - 1), 0)),
            full(MAX_SPAN_WIDTH, WIDTH_DIM),
            full(WIDTH_DIM, msize),
            full(1, msize),
            full(MAX_SPAN_WIDTH, WIDTH_DIM),
            full(WIDTH_DIM, msize),
            full(1, msize),
            full(msize, 1),
            full(1, 1),
            full(1, msize),
            full(1, 1),
        ],
        out_specs=pl.BlockSpec((CB_BM, MAX_SPAN_WIDTH), lambda m: (m, 0)),
        out_shape=jax.ShapeDtypeStruct((n, MAX_SPAN_WIDTH), jnp.float32),
    )(amat, bmat, bmat,
      span_width_emb, mention_W1[2 * h:],
      mention_b1.reshape(1, msize),
      span_width_prior_emb, width_W1,
      width_b1.reshape(1, msize),
      width_W2, width_b2.reshape(1, 1),
      mention_W2.reshape(1, msize), mention_b2.reshape(1, 1))
    return logits


N_WORDS = 4096
NSEL = N_WORDS * MAX_SPAN_WIDTH
K = int(TOP_SPAN_RATIO * N_WORDS)
NT = 16
PT = NSEL // NT
NV = PT // 16
KP = 1664
NJ = KP // 16
IPT = KP // NT
_INV20 = 0.05


def _sortable(x):
    u = plsc.bitcast(x, jnp.uint32)
    neg = (u >> jnp.uint32(31)) == jnp.uint32(1)
    xm = jnp.where(neg, jnp.uint32(0xFFFFFFFF), jnp.uint32(0x80000000))
    return u ^ xm


def _div20(g):
    return (g.astype(jnp.float32) * jnp.float32(_INV20)).astype(jnp.int32)


def _zero(ref, nvec, dtype):
    def zb(j, carry):
        ref[pl.ds(j * 16, 16)] = jnp.zeros((16,), dtype)
        return carry
    jax.lax.fori_loop(0, nvec, zb, 0)


def _sc_body(logits_hbm, sent_hbm, out_s, out_e, out_v,
             vals, keys, smw, hist, histg, cnts16, cntsall,
             lsel_v, lsel_i, acc_v, acc_i, tmp_v, tmp_i, big_f, big_i,
             ssv, keysel, startv, endv, outs_s, outs_e, outs_v,
             sh_hist, sh_cnt, sh_selv, sh_seli, sh_os, sh_oe, sh_ov):
    tid = jax.lax.axis_index("s")
    base_g = tid * PT
    lane = jax.lax.iota(jnp.int32, 16)

    pltpu.sync_copy(logits_hbm.at[pl.ds(base_g, PT)], vals)
    pltpu.sync_copy(sent_hbm.at[pl.ds(tid * (N_WORDS // NT), 384)], smw)

    def mask_body(v, carry):
        off = v * 16
        g = base_g + off + lane
        s = _div20(g)
        w = g - s * 20
        e = s + w
        sl = s - tid * (N_WORDS // NT)
        el = jnp.minimum(e, N_WORDS - 1) - tid * (N_WORDS // NT)
        sv = plsc.load_gather(smw, [sl])
        ev = plsc.load_gather(smw, [el])
        valid = (e <= N_WORDS - 1) & (sv == ev)
        x = jnp.where(valid, vals[pl.ds(off, 16)], jnp.float32(-jnp.inf))
        vals[pl.ds(off, 16)] = x
        keys[pl.ds(off, 16)] = _sortable(x)
        return carry
    jax.lax.fori_loop(0, NV, mask_body, 0)

    need = jnp.int32(K)
    prefix = jnp.uint32(0)
    ones16 = jnp.ones((16,), jnp.int32)
    for r in range(4):
        sh = 24 - 8 * r
        _zero(hist, 16, jnp.int32)

        def hist_body(v, carry, _sh=sh, _r=r, _prefix=prefix):
            kk = keys[pl.ds(v * 16, 16)]
            b = ((kk >> jnp.uint32(_sh)) & jnp.uint32(0xFF)).astype(jnp.int32)
            if _r == 0:
                m = jnp.ones((16,), jnp.bool_)
            else:
                m = (kk >> jnp.uint32(_sh + 8)) == (_prefix >> jnp.uint32(_sh + 8))
            plsc.addupdate_scatter(hist, [b], ones16, mask=m)
            return carry
        jax.lax.fori_loop(0, NV, hist_body, 0)

        pltpu.sync_copy(hist, sh_hist.at[r, pl.ds(tid * 256, 256)])
        plsc.subcore_barrier()
        pltpu.sync_copy(sh_hist.at[r], histg)

        def sum_body(j, carry):
            acc = jnp.zeros((16,), jnp.int32)
            def tbody(t, a):
                return a + histg[pl.ds(t * 256 + j * 16, 16)]
            acc = jax.lax.fori_loop(0, NT, tbody, acc)
            hist[pl.ds(j * 16, 16)] = acc
            return carry
        jax.lax.fori_loop(0, 16, sum_body, 0)

        def scan_body(i, carry):
            acc, bstar, above = carry
            b = 255 - i
            h = plsc.load_gather(hist, [jnp.full((16,), b, jnp.int32)])[0]
            hit = (acc < need) & (acc + h >= need)
            bstar = jnp.where(hit, b, bstar)
            above = jnp.where(hit, acc, above)
            return (acc + h, bstar, above)
        _, bstar, above = jax.lax.fori_loop(
            0, 256, scan_body, (jnp.int32(0), jnp.int32(0), jnp.int32(0)))
        need = need - above
        prefix = prefix | (bstar.astype(jnp.uint32) << jnp.uint32(sh))
    kstar = prefix
    need_eq = need

    def cnt_body(v, carry):
        cgt, ceq = carry
        kk = keys[pl.ds(v * 16, 16)]
        cgt = cgt + jnp.where(kk > kstar, 1, 0)
        ceq = ceq + jnp.where(kk == kstar, 1, 0)
        return (cgt, ceq)
    cgt_v, ceq_v = jax.lax.fori_loop(
        0, NV, cnt_body, (jnp.zeros((16,), jnp.int32), jnp.zeros((16,), jnp.int32)))
    my_cgt = jnp.sum(cgt_v)
    my_ceq = jnp.sum(ceq_v)
    cnts16[pl.ds(0, 16)] = jnp.where(
        lane == 0, my_cgt, jnp.where(lane == 1, my_ceq, 0))
    pltpu.sync_copy(cnts16, sh_cnt.at[pl.ds(tid * 16, 16)])
    _zero(lsel_v, NJ, jnp.float32)
    _zero(lsel_i, NJ, jnp.int32)
    plsc.subcore_barrier()
    pltpu.sync_copy(sh_cnt, cntsall)

    def pfx_body(t2, carry):
        eqb, basep, my_take = carry
        r0 = jnp.full((16,), t2 * 16, jnp.int32)
        cgt_u = plsc.load_gather(cntsall, [r0])[0]
        ceq_u = plsc.load_gather(cntsall, [r0 + 1])[0]
        take_u = jnp.clip(need_eq - eqb, 0, ceq_u)
        basep = basep + jnp.where(t2 < tid, cgt_u + take_u, 0)
        my_take = jnp.where(t2 == tid, take_u, my_take)
        return (eqb + ceq_u, basep, my_take)
    _, my_base, my_take = jax.lax.fori_loop(
        0, NT, pfx_body, (jnp.int32(0), jnp.int32(0), jnp.int32(0)))

    def sel_body(v, carry):
        eqc, posc = carry
        off = v * 16
        kk = keys[pl.ds(off, 16)]
        x = vals[pl.ds(off, 16)]
        g = base_g + off + lane
        mgt = kk > kstar
        meq = kk == kstar
        eqp = plsc.cumsum(jnp.where(meq, 1, 0))
        seleq = meq & ((eqc + eqp - 1) < my_take)
        sel = mgt | seleq
        sv = jnp.where(sel, 1, 0)
        sp = plsc.cumsum(sv)
        pos = posc + sp - 1
        plsc.store_scatter(lsel_v, [pos], x, mask=sel)
        plsc.store_scatter(lsel_i, [pos], g, mask=sel)
        return (eqc + jnp.sum(jnp.where(meq, 1, 0)), posc + jnp.sum(sv))
    jax.lax.fori_loop(0, NV, sel_body, (jnp.int32(0), my_base))

    pltpu.sync_copy(lsel_v, sh_selv.at[pl.ds(tid * KP, KP)])
    pltpu.sync_copy(lsel_i, sh_seli.at[pl.ds(tid * KP, KP)])
    plsc.subcore_barrier()

    pltpu.sync_copy(sh_selv, big_f)
    pltpu.sync_copy(sh_seli, big_i)

    def merge_body(j, carry):
        av = jnp.zeros((16,), jnp.float32)
        ai = jnp.zeros((16,), jnp.int32)
        def add_body(t, c2):
            av2, ai2 = c2
            ds = pl.ds(t * KP + j * 16, 16)
            return (av2 + big_f[ds], ai2 + big_i[ds])
        av, ai = jax.lax.fori_loop(0, NT, add_body, (av, ai))
        acc_v[pl.ds(j * 16, 16)] = av
        acc_i[pl.ds(j * 16, 16)] = ai
        return carry
    jax.lax.fori_loop(0, NJ, merge_body, 0)

    def prep_body(j, carry):
        ds = pl.ds(j * 16, 16)
        iv = acc_i[ds]
        s = _div20(iv)
        w = iv - s * 20
        e = s + w
        jpos = j * 16 + lane
        ss = s.astype(jnp.float32) + jnp.float32(1e-5) * e.astype(jnp.float32)
        ssv[ds] = jnp.where(jpos < K, ss, jnp.float32(jnp.inf))
        keysel[ds] = plsc.bitcast(
            _sortable(acc_v[ds]) ^ jnp.uint32(0x80000000), jnp.int32)
        startv[ds] = s
        endv[ds] = e
        return carry
    jax.lax.fori_loop(0, NJ, prep_body, 0)

    _zero(outs_s, NJ, jnp.int32)
    _zero(outs_e, NJ, jnp.int32)
    _zero(outs_v, NJ, jnp.float32)

    def rank_body(ii, carry):
        i = tid * IPT + ii
        fi = jnp.full((16,), i, jnp.int32)
        ss_i = plsc.load_gather(ssv, [fi])
        key_i = plsc.load_gather(keysel, [fi])
        idx_i = plsc.load_gather(acc_i, [fi])

        def cmp_body(j, cnt):
            ds = pl.ds(j * 16, 16)
            ssj = ssv[ds]
            kj = keysel[ds]
            ij = acc_i[ds]
            less = (ssj < ss_i) | (
                (ssj == ss_i) & ((kj > key_i) | ((kj == key_i) & (ij < idx_i))))
            return cnt + jnp.where(less, 1, 0)
        cnt = jax.lax.fori_loop(0, NJ, cmp_body, jnp.zeros((16,), jnp.int32))
        rank = jnp.sum(cnt)

        wmask = (lane == 0) & (i < K)
        rv = jnp.full((16,), rank, jnp.int32)
        plsc.store_scatter(outs_s, [rv], plsc.load_gather(startv, [fi]),
                           mask=wmask)
        plsc.store_scatter(outs_e, [rv], plsc.load_gather(endv, [fi]),
                           mask=wmask)
        plsc.store_scatter(outs_v, [rv], plsc.load_gather(acc_v, [fi]),
                           mask=wmask)
        return carry
    jax.lax.fori_loop(0, IPT, rank_body, 0)

    pltpu.sync_copy(outs_s, sh_os.at[pl.ds(tid * KP, KP)])
    pltpu.sync_copy(outs_e, sh_oe.at[pl.ds(tid * KP, KP)])
    pltpu.sync_copy(outs_v, sh_ov.at[pl.ds(tid * KP, KP)])
    plsc.subcore_barrier()

    @pl.when(tid == 0)
    def _():
        def rowsum_i(big, dst):
            def rs_body(j, carry):
                ai = jnp.zeros((16,), jnp.int32)
                def add2(t, a):
                    return a + big[pl.ds(t * KP + j * 16, 16)]
                ai = jax.lax.fori_loop(0, NT, add2, ai)
                dst[pl.ds(j * 16, 16)] = ai
                return carry
            jax.lax.fori_loop(0, NJ, rs_body, 0)

        pltpu.sync_copy(sh_os, big_i)
        rowsum_i(big_i, startv)
        pltpu.sync_copy(startv, out_s)
        pltpu.sync_copy(sh_oe, big_i)
        rowsum_i(big_i, endv)
        pltpu.sync_copy(endv, out_e)
        pltpu.sync_copy(sh_ov, big_f)

        def rs_f(j, carry):
            af = jnp.zeros((16,), jnp.float32)
            def add3(t, a):
                return a + big_f[pl.ds(t * KP + j * 16, 16)]
            af = jax.lax.fori_loop(0, NT, add3, af)
            tmp_v[pl.ds(j * 16, 16)] = af
            return carry
        jax.lax.fori_loop(0, NJ, rs_f, 0)
        pltpu.sync_copy(tmp_v, out_v)


def _topk_sc(flat_logits, sent_padded):
    mesh = plsc.VectorSubcoreMesh(core_axis_name="c", subcore_axis_name="s",
                                  num_cores=1)
    f = pl.kernel(
        _sc_body,
        out_type=[jax.ShapeDtypeStruct((KP,), jnp.int32),
                  jax.ShapeDtypeStruct((KP,), jnp.int32),
                  jax.ShapeDtypeStruct((KP,), jnp.float32)],
        mesh=mesh,
        compiler_params=pltpu.CompilerParams(needs_layout_passes=False),
        scratch_types=[
            pltpu.VMEM((PT,), jnp.float32),
            pltpu.VMEM((PT,), jnp.uint32),
            pltpu.VMEM((384,), jnp.int32),
            pltpu.VMEM((256,), jnp.int32),
            pltpu.VMEM((NT * 256,), jnp.int32),
            pltpu.VMEM((16,), jnp.int32),
            pltpu.VMEM((NT * 16,), jnp.int32),
            pltpu.VMEM((KP,), jnp.float32),
            pltpu.VMEM((KP,), jnp.int32),
            pltpu.VMEM((KP,), jnp.float32),
            pltpu.VMEM((KP,), jnp.int32),
            pltpu.VMEM((KP,), jnp.float32),
            pltpu.VMEM((KP,), jnp.int32),
            pltpu.VMEM((NT * KP,), jnp.float32),
            pltpu.VMEM((NT * KP,), jnp.int32),
            pltpu.VMEM((KP,), jnp.float32),
            pltpu.VMEM((KP,), jnp.int32),
            pltpu.VMEM((KP,), jnp.int32),
            pltpu.VMEM((KP,), jnp.int32),
            pltpu.VMEM((KP,), jnp.int32),
            pltpu.VMEM((KP,), jnp.int32),
            pltpu.VMEM((KP,), jnp.float32),
            pltpu.VMEM_SHARED((4, NT * 256), jnp.int32),
            pltpu.VMEM_SHARED((NT * 16,), jnp.int32),
            pltpu.VMEM_SHARED((NT * KP,), jnp.float32),
            pltpu.VMEM_SHARED((NT * KP,), jnp.int32),
            pltpu.VMEM_SHARED((NT * KP,), jnp.int32),
            pltpu.VMEM_SHARED((NT * KP,), jnp.int32),
            pltpu.VMEM_SHARED((NT * KP,), jnp.float32),
        ],
    )
    return f(flat_logits, sent_padded)


def kernel(encoded_doc, sentence_map, span_width_emb, span_width_prior_emb,
           mention_W1, mention_b1, mention_W2, mention_b2,
           width_W1, width_b1, width_W2, width_b2):
    logits = _compute_logits(encoded_doc, mention_W1, mention_b1, mention_W2,
                             mention_b2, span_width_emb, span_width_prior_emb,
                             width_W1, width_b1, width_W2, width_b2)
    sent_padded = jnp.pad(sentence_map.astype(jnp.int32), (0, 128), mode="edge")
    os_, oe_, ov_ = _topk_sc(logits.reshape(-1), sent_padded)
    return os_[:K], oe_[:K], ov_[:K]

# --- scband reference (transcript-rebuilt; emitter-appended) ---
"""Pipeline reference for scband-base-controller-35785667510872 (READ-ONLY COPY).

The authoritative reference and input builder live on the scoring server;
editing this copy changes nothing except your own understanding.
"""

import jax, jax.numpy as jnp
import numpy as np

MAX_SPAN_WIDTH = 20
TOP_SPAN_RATIO = 0.4
NUM_WORDS = 4096
HSIZE = 1024
MLP_SIZE = 1000
WIDTH_EMB_DIM = 20


def setup_inputs(seed: int = 0) -> dict:
    key = jax.random.key(seed)
    ks = jax.random.split(key, 12)
    span_in = 2 * HSIZE + WIDTH_EMB_DIM
    inp = {}
    inp['encoded_doc'] = jax.random.normal(ks[0], (NUM_WORDS, HSIZE), dtype=jnp.float32)
    inp['sentence_map'] = jnp.sort(jax.random.randint(ks[1], (NUM_WORDS,), 0, 200, dtype=jnp.int64))
    inp['span_width_emb'] = jax.random.normal(ks[2], (MAX_SPAN_WIDTH, WIDTH_EMB_DIM), dtype=jnp.float32) * 0.02
    inp['span_width_prior_emb'] = jax.random.normal(ks[3], (MAX_SPAN_WIDTH, WIDTH_EMB_DIM), dtype=jnp.float32) * 0.02
    inp['mention_W1'] = jax.random.normal(ks[4], (span_in, MLP_SIZE), dtype=jnp.float32) * 0.02
    inp['mention_b1'] = jnp.zeros((MLP_SIZE,), dtype=jnp.float32)
    inp['mention_W2'] = jax.random.normal(ks[5], (MLP_SIZE, 1), dtype=jnp.float32) * 0.02
    inp['mention_b2'] = jnp.zeros((1,), dtype=jnp.float32)
    inp['width_W1'] = jax.random.normal(ks[6], (WIDTH_EMB_DIM, MLP_SIZE), dtype=jnp.float32) * 0.02
    inp['width_b1'] = jnp.zeros((MLP_SIZE,), dtype=jnp.float32)
    inp['width_W2'] = jax.random.normal(ks[7], (MLP_SIZE, 1), dtype=jnp.float32) * 0.02
    inp['width_b2'] = jnp.zeros((1,), dtype=jnp.float32)
    return inp


def _mlp(x, W1, b1, W2, b2):
    # MLP(input, hidden, output=1, num_hidden_layers=1): Linear -> ReLU -> (dropout=identity in eval) -> Linear
    h = jax.nn.relu(x @ W1 + b1)
    return h @ W2 + b2


def reference(encoded_doc, sentence_map, span_width_emb, span_width_prior_emb,
              mention_W1, mention_b1, mention_W2, mention_b2,
              width_W1, width_b1, width_W2, width_b2):
    num_words = encoded_doc.shape[0]
    # candidate span enumeration (get_pred_mentions)
    cand_starts = jnp.tile(jnp.arange(num_words)[:, None], (1, MAX_SPAN_WIDTH))
    cand_ends = cand_starts + jnp.arange(MAX_SPAN_WIDTH)[None, :]
    cand_start_sent = sentence_map[cand_starts]
    corr_cand_ends = jnp.minimum(cand_ends, num_words - 1)
    cand_end_sent = sentence_map[corr_cand_ends]
    constraint1 = cand_ends < num_words
    constraint2 = cand_start_sent == cand_end_sent
    flat_mask = (constraint1 & constraint2).reshape(-1)
    flat_starts = cand_starts.reshape(-1)
    flat_ends = cand_ends.reshape(-1)
    safe_ends = corr_cand_ends.reshape(-1)
    # span embeddings (endpoint) + width embedding
    widths = flat_ends - flat_starts
    span_embs = jnp.concatenate([
        jnp.take(encoded_doc, flat_starts, axis=0),
        jnp.take(encoded_doc, safe_ends, axis=0),
        jnp.take(span_width_emb, widths, axis=0),
    ], axis=1)
    # mention scores
    mention_logits = jnp.squeeze(_mlp(span_embs, mention_W1, mention_b1, mention_W2, mention_b2), axis=-1)
    width_scores = jnp.squeeze(_mlp(jnp.take(span_width_prior_emb, widths, axis=0), width_W1, width_b1, width_W2, width_b2), axis=-1)
    mention_logits = mention_logits + width_scores
    mention_logits = jnp.where(flat_mask, mention_logits, -jnp.inf)
    # top-k span pruning
    k = int(TOP_SPAN_RATIO * num_words)
    topk_scores, topk_indices = jax.lax.top_k(mention_logits, k)
    topk_starts = jnp.take(flat_starts, topk_indices)
    topk_ends = jnp.take(flat_ends, topk_indices)
    # sort by position (start + 1e-5 * end)
    sort_scores = topk_starts.astype(jnp.float32) + 1e-05 * topk_ends.astype(jnp.float32)
    sorted_indices = jnp.argsort(sort_scores)
    return (jnp.take(topk_starts, sorted_indices),
            jnp.take(topk_ends, sorted_indices),
            jnp.take(topk_scores, sorted_indices))

if __name__ == "__main__":
    import jax
    _d = setup_inputs()
    print(jax.jit(kernel)(*tuple(_d.values())))

</pallas_src>

<mosaic_0001>
#map = affine_map<(d0, d1) -> (0)>
module attributes {stable_mosaic.version = 14 : i64} {
  func.func @_sc_body(%arg0: i32, %arg1: i32, %arg2: memref<81920xf32, #tpu.memory_space<hbm>>, %arg3: memref<4224xi32, #tpu.memory_space<hbm>>, %arg4: memref<1664xi32, #tpu.memory_space<hbm>>, %arg5: memref<1664xi32, #tpu.memory_space<hbm>>, %arg6: memref<1664xf32, #tpu.memory_space<hbm>>, %arg7: memref<5120xf32, #tpu.memory_space<vmem>>, %arg8: memref<5120xi32, #tpu.memory_space<vmem>>, %arg9: memref<384xi32, #tpu.memory_space<vmem>>, %arg10: memref<256xi32, #tpu.memory_space<vmem>>, %arg11: memref<4096xi32, #tpu.memory_space<vmem>>, %arg12: memref<16xi32, #tpu.memory_space<vmem>>, %arg13: memref<256xi32, #tpu.memory_space<vmem>>, %arg14: memref<1664xf32, #tpu.memory_space<vmem>>, %arg15: memref<1664xi32, #tpu.memory_space<vmem>>, %arg16: memref<1664xf32, #tpu.memory_space<vmem>>, %arg17: memref<1664xi32, #tpu.memory_space<vmem>>, %arg18: memref<1664xf32, #tpu.memory_space<vmem>>, %arg19: memref<1664xi32, #tpu.memory_space<vmem>>, %arg20: memref<26624xf32, #tpu.memory_space<vmem>>, %arg21: memref<26624xi32, #tpu.memory_space<vmem>>, %arg22: memref<1664xf32, #tpu.memory_space<vmem>>, %arg23: memref<1664xi32, #tpu.memory_space<vmem>>, %arg24: memref<1664xi32, #tpu.memory_space<vmem>>, %arg25: memref<1664xi32, #tpu.memory_space<vmem>>, %arg26: memref<1664xi32, #tpu.memory_space<vmem>>, %arg27: memref<1664xi32, #tpu.memory_space<vmem>>, %arg28: memref<1664xf32, #tpu.memory_space<vmem>>, %arg29: memref<4x4096xi32, #tpu.memory_space<vmem_shared>>, %arg30: memref<256xi32, #tpu.memory_space<vmem_shared>>, %arg31: memref<26624xf32, #tpu.memory_space<vmem_shared>>, %arg32: memref<26624xi32, #tpu.memory_space<vmem_shared>>, %arg33: memref<26624xi32, #tpu.memory_space<vmem_shared>>, %arg34: memref<26624xi32, #tpu.memory_space<vmem_shared>>, %arg35: memref<26624xf32, #tpu.memory_space<vmem_shared>>) attributes {dimension_semantics = [#tpu.dimension_semantics<core_parallel>, #tpu.dimension_semantics<subcore_parallel>], iteration_bounds = array<i64: 1, 16>, scalar_prefetch = 0 : i64, scratch_operands = 29 : i64, tpu.core_type = #tpu.core_type<sc_vector_subcore>, window_params = [{transform_indices = #map}, {transform_indices = #map}, {transform_indices = #map}, {transform_indices = #map}, {transform_indices = #map}]} {
    %mul3A = arith.constant 5120 : i32
    %mul3A_0 = arith.muli %arg1, %mul3A : i32
    %iota3A = tpu.iota {dimensions = array<i32: 0>} : vector<16xi32>
    "tpu.region"() ({
      %run_scoped3A_260 = tpu.sem_alloc : memref<!tpu.dma_semaphore, #tpu.memory_space<semaphore_mem>>
      %dma_start3A = tpu.memref_slice %arg2[%mul3A_0] : memref<81920xf32, #tpu.memory_space<hbm>> -> memref<5120xf32, #tpu.memory_space<hbm>>
      %dma_start3A_261 = tpu.memref_slice %arg2[%mul3A_0] : memref<81920xf32, #tpu.memory_space<hbm>> -> memref<5120xf32, #tpu.memory_space<hbm>>
      tpu.enqueue_dma source(%dma_start3A_261 : memref<5120xf32, #tpu.memory_space<hbm>>) target(%arg7 : memref<5120xf32, #tpu.memory_space<vmem>>) target_semaphore(%run_scoped3A_260 : memref<!tpu.dma_semaphore, #tpu.memory_space<semaphore_mem>>)
      %dma_wait3A = tpu.memref_slice %arg2[%mul3A_0] : memref<81920xf32, #tpu.memory_space<hbm>> -> memref<5120xf32, #tpu.memory_space<hbm>>
      %dma_wait3A_262 = tpu.memref_slice %arg2[%mul3A_0] : memref<81920xf32, #tpu.memory_space<hbm>> -> memref<5120xf32, #tpu.memory_space<hbm>>
      tpu.wait_dma2 semaphore(%run_scoped3A_260 : memref<!tpu.dma_semaphore, #tpu.memory_space<semaphore_mem>>) src(%dma_wait3A_262 : memref<5120xf32, #tpu.memory_space<hbm>>) dst(%arg7 : memref<5120xf32, #tpu.memory_space<vmem>>)
      tpu.yield
    }) : () -> ()
    %mul3A_1 = arith.constant 256 : i32
    %mul3A_2 = arith.muli %arg1, %mul3A_1 : i32
    "tpu.region"() ({
      %run_scoped3A_260 = tpu.sem_alloc : memref<!tpu.dma_semaphore, #tpu.memory_space<semaphore_mem>>
      %dma_start3A = tpu.memref_slice %arg3[%mul3A_2] : memref<4224xi32, #tpu.memory_space<hbm>> -> memref<384xi32, #tpu.memory_space<hbm>>
      %dma_start3A_261 = tpu.memref_slice %arg3[%mul3A_2] : memref<4224xi32, #tpu.memory_space<hbm>> -> memref<384xi32, #tpu.memory_space<hbm>>
      tpu.enqueue_dma source(%dma_start3A_261 : memref<384xi32, #tpu.memory_space<hbm>>) target(%arg9 : memref<384xi32, #tpu.memory_space<vmem>>) target_semaphore(%run_scoped3A_260 : memref<!tpu.dma_semaphore, #tpu.memory_space<semaphore_mem>>)
      %dma_wait3A = tpu.memref_slice %arg3[%mul3A_2] : memref<4224xi32, #tpu.memory_space<hbm>> -> memref<384xi32, #tpu.memory_space<hbm>>
      %dma_wait3A_262 = tpu.memref_slice %arg3[%mul3A_2] : memref<4224xi32, #tpu.memory_space<hbm>> -> memref<384xi32, #tpu.memory_space<hbm>>
      tpu.wait_dma2 semaphore(%run_scoped3A_260 : memref<!tpu.dma_semaphore, #tpu.memory_space<semaphore_mem>>) src(%dma_wait3A_262 : memref<384xi32, #tpu.memory_space<hbm>>) dst(%arg9 : memref<384xi32, #tpu.memory_space<vmem>>)
      tpu.yield
    }) : () -> ()
    %scan3A = arith.constant 0 : i32
    %scan3A_3 = arith.constant 0 : i32
    %scan3A_4 = arith.constant 320 : i32
    %scan3A_5 = arith.addi %scan3A_3, %scan3A_4 : i32
    %scan3A_6 = arith.constant 1 : i32
    scf.for %scan3A_260 = %scan3A_3 to %scan3A_5 step %scan3A_6  : i32 {
      %mul3A_261 = arith.constant 16 : i32
      %mul3A_262 = arith.muli %scan3A_260, %mul3A_261 : i32
      %add3A = arith.addi %mul3A_0, %mul3A_262 : i32
      %add3A_263 = vector.broadcast %add3A : i32 to vector<16xi32>
      %add3A_264 = arith.addi %add3A_263, %iota3A : vector<16xi32>
      %convert_element_type3A_265 = arith.sitofp %add3A_264 : vector<16xi32> to vector<16xf32>
      %mul3A_266 = arith.constant 5.000000e-02 : f32
      %mul3A_267 = vector.broadcast %mul3A_266 : f32 to vector<16xf32>
      %mul3A_268 = arith.mulf %convert_element_type3A_265, %mul3A_267 : vector<16xf32>
      %convert_element_type3A_269 = arith.fptosi %mul3A_268 : vector<16xf32> to vector<16xi32>
      %mul3A_270 = arith.constant 20 : i32
      %mul3A_271 = vector.broadcast %mul3A_270 : i32 to vector<16xi32>
      %mul3A_272 = arith.muli %convert_element_type3A_269, %mul3A_271 : vector<16xi32>
      %sub3A_273 = arith.subi %add3A_264, %mul3A_272 : vector<16xi32>
      %add3A_274 = arith.addi %convert_element_type3A_269, %sub3A_273 : vector<16xi32>
      %mul3A_275 = arith.constant 256 : i32
      %mul3A_276 = arith.muli %arg1, %mul3A_275 : i32
      %sub3A_277 = vector.broadcast %mul3A_276 : i32 to vector<16xi32>
      %sub3A_278 = arith.subi %convert_element_type3A_269, %sub3A_277 : vector<16xi32>
      %min3A = arith.constant 4095 : i32
      %min3A_279 = vector.broadcast %min3A : i32 to vector<16xi32>
      %min3A_280 = arith.minsi %add3A_274, %min3A_279 : vector<16xi32>
      %mul3A_281 = arith.constant 256 : i32
      %mul3A_282 = arith.muli %arg1, %mul3A_281 : i32
      %sub3A_283 = vector.broadcast %mul3A_282 : i32 to vector<16xi32>
      %sub3A_284 = arith.subi %min3A_280, %sub3A_283 : vector<16xi32>
      %gather3A = tpu.vector_load_idx %arg9[%sub3A_278] : memref<384xi32, #tpu.memory_space<vmem>>[vector<16xi32>], vector<16xi32>,
      %gather3A_285 = tpu.vector_load_idx %arg9[%sub3A_284] : memref<384xi32, #tpu.memory_space<vmem>>[vector<16xi32>], vector<16xi32>,
      %le3A = arith.constant 4095 : i32
      %le3A_286 = vector.broadcast %le3A : i32 to vector<16xi32>
      %le3A_287 = arith.cmpi sle, %add3A_274, %le3A_286 : vector<16xi32>
      %eq3A_288 = arith.cmpi eq, %gather3A, %gather3A_285 : vector<16xi32>
      %and3A = arith.andi %le3A_287, %eq3A_288 : vector<16xi1>
      %get3A = arith.index_cast %mul3A_262 : i32 to index
      %get3A_289 = tpu.vector_load %arg7[%get3A] {strides = array<i32>} : memref<5120xf32, #tpu.memory_space<vmem>>, vector<16xf32>,
      %jit3A_290 = arith.constant 0xFF800000 : f32
      %broadcast_in_dim3A_291 = vector.broadcast %jit3A_290 : f32 to vector<16xf32>
      %select_n3A_292 = arith.select %and3A, %get3A_289, %broadcast_in_dim3A_291 : vector<16xi1>, vector<16xf32>
      %swap3A_293 = arith.index_cast %mul3A_262 : i32 to index
      %swap3A_294 = tpu.vector_load %arg7[%swap3A_293] {strides = array<i32>} : memref<5120xf32, #tpu.memory_space<vmem>>, vector<16xf32>,
      tpu.vector_store %arg7[%swap3A_293], %select_n3A_292 {strides = array<i32>} : memref<5120xf32, #tpu.memory_space<vmem>>, vector<16xf32>,
      %bitcast3A = vector.bitcast %select_n3A_292 : vector<16xf32> to vector<16xi32>
      %shift_right_logical3A = arith.constant 31 : i32
      %shift_right_logical3A_295 = vector.broadcast %shift_right_logical3A : i32 to vector<16xi32>
      %shift_right_logical3A_296 = arith.shrui %bitcast3A, %shift_right_logical3A_295 : vector<16xi32>
      %eq3A_297 = arith.constant 1 : i32
      %eq3A_298 = vector.broadcast %eq3A_297 : i32 to vector<16xi32>
      %eq3A_299 = arith.cmpi eq, %shift_right_logical3A_296, %eq3A_298 : vector<16xi32>
      %jit3A_300 = arith.constant -1 : i32
      %jit3A_301 = arith.constant -2147483648 : i32
      %broadcast_in_dim3A_302 = vector.broadcast %jit3A_300 : i32 to vector<16xi32>
      %broadcast_in_dim3A_303 = vector.broadcast %jit3A_301 : i32 to vector<16xi32>
      %select_n3A_304 = arith.select %eq3A_299, %broadcast_in_dim3A_302, %broadcast_in_dim3A_303 : vector<16xi1>, vector<16xi32>
      %xor3A = arith.xori %bitcast3A, %select_n3A_304 : vector<16xi32>
      %swap3A_305 = arith.index_cast %mul3A_262 : i32 to index
      %swap3A_306 = tpu.vector_load %arg8[%swap3A_305] {strides = array<i32>} : memref<5120xi32, #tpu.memory_space<vmem>>, vector<16xi32>,
      tpu.vector_store %arg8[%swap3A_305], %xor3A {strides = array<i32>} : memref<5120xi32, #tpu.memory_space<vmem>>, vector<16xi32>,
    }
    %scan3A_7 = arith.constant 320 : i32
    %broadcast_in_dim3A = arith.constant 1 : i32
    %broadcast_in_dim3A_8 = vector.broadcast %broadcast_in_dim3A : i32 to vector<16xi32>
    %scan3A_9 = arith.constant 0 : i32
    %scan3A_10 = arith.constant 0 : i32
    %scan3A_11 = arith.constant 16 : i32
    %scan3A_12 = arith.addi %scan3A_10, %scan3A_11 : i32
    %scan3A_13 = arith.constant 1 : i32
    scf.for %scan3A_260 = %scan3A_10 to %scan3A_12 step %scan3A_13  : i32 {
      %broadcast_in_dim3A_261 = arith.constant 0 : i32
      %broadcast_in_dim3A_262 = vector.broadcast %broadcast_in_dim3A_261 : i32 to vector<16xi32>
      %mul3A_263 = arith.constant 16 : i32
      %mul3A_264 = arith.muli %scan3A_260, %mul3A_263 : i32
      %swap3A_265 = arith.index_cast %mul3A_264 : i32 to index
      %swap3A_266 = tpu.vector_load %arg10[%swap3A_265] {strides = array<i32>} : memref<256xi32, #tpu.memory_space<vmem>>, vector<16xi32>,
      tpu.vector_store %arg10[%swap3A_265], %broadcast_in_dim3A_262 {strides = array<i32>} : memref<256xi32, #tpu.memory_space<vmem>>, vector<16xi32>,
    }
    %scan3A_14 = arith.constant 16 : i32
    %scan3A_15 = arith.constant 0 : i32
    %scan3A_16 = arith.constant 0 : i32
    %scan3A_17 = arith.constant 320 : i32
    %scan3A_18 = arith.addi %scan3A_16, %scan3A_17 : i32
    %scan3A_19 = arith.constant 1 : i32
    scf.for %scan3A_260 = %scan3A_16 to %scan3A_18 step %scan3A_19  : i32 {
      %mul3A_261 = arith.constant 16 : i32
      %mul3A_262 = arith.muli %scan3A_260, %mul3A_261 : i32
      %get3A = arith.index_cast %mul3A_262 : i32 to index
      %get3A_263 = tpu.vector_load %arg8[%get3A] {strides = array<i32>} : memref<5120xi32, #tpu.memory_space<vmem>>, vector<16xi32>,
      %shift_right_logical3A = arith.constant 24 : i32
      %shift_right_logical3A_264 = vector.broadcast %shift_right_logical3A : i32 to vector<16xi32>
      %shift_right_logical3A_265 = arith.shrui %get3A_263, %shift_right_logical3A_264 : vector<16xi32>
      %and3A = arith.constant 255 : i32
      %and3A_266 = vector.broadcast %and3A : i32 to vector<16xi32>
      %and3A_267 = arith.andi %shift_right_logical3A_265, %and3A_266 : vector<16xi32>
      %broadcast_in_dim3A_268 = arith.constant true
      %broadcast_in_dim3A_269 = vector.broadcast %broadcast_in_dim3A_268 : i1 to vector<16xi1>
      tpu.vector_store_idx %arg10[%and3A_267], %broadcast_in_dim3A_8 masked %broadcast_in_dim3A_269 {add = true} : memref<256xi32, #tpu.memory_space<vmem>>[vector<16xi32>], vector<16xi32>, vector<16xi1>
    }
    %scan3A_20 = arith.constant 320 : i32
    %mul3A_21 = arith.constant 256 : i32
    %mul3A_22 = arith.muli %arg1, %mul3A_21 : i32
    %run_scoped3A = arith.constant 0 : i32
    "tpu.region"() ({
      %run_scoped3A_260 = tpu.sem_alloc : memref<!tpu.dma_semaphore, #tpu.memory_space<semaphore_mem>>
      %dma_start3A = tpu.memref_slice %arg29[%run_scoped3A, %mul3A_22] : memref<4x4096xi32, #tpu.memory_space<vmem_shared>> -> memref<1x256xi32, #tpu.memory_space<vmem_shared>>
      %dma_start3A_261 = tpu.memref_squeeze %dma_start3A : memref<1x256xi32, #tpu.memory_space<vmem_shared>> -> memref<256xi32, #tpu.memory_space<vmem_shared>>
      %dma_start3A_262 = tpu.memref_slice %arg29[%run_scoped3A, %mul3A_22] : memref<4x4096xi32, #tpu.memory_space<vmem_shared>> -> memref<1x256xi32, #tpu.memory_space<vmem_shared>>
      %dma_start3A_263 = tpu.memref_squeeze %dma_start3A_262 : memref<1x256xi32, #tpu.memory_space<vmem_shared>> -> memref<256xi32, #tpu.memory_space<vmem_shared>>
      tpu.enqueue_dma source(%arg10 : memref<256xi32, #tpu.memory_space<vmem>>) target(%dma_start3A_263 : memref<256xi32, #tpu.memory_space<vmem_shared>>) target_semaphore(%run_scoped3A_260 : memref<!tpu.dma_semaphore, #tpu.memory_space<semaphore_mem>>)
      %dma_wait3A = tpu.memref_slice %arg29[%run_scoped3A, %mul3A_22] : memref<4x4096xi32, #tpu.memory_space<vmem_shared>> -> memref<1x256xi32, #tpu.memory_space<vmem_shared>>
      %dma_wait3A_264 = tpu.memref_squeeze %dma_wait3A : memref<1x256xi32, #tpu.memory_space<vmem_shared>> -> memref<256xi32, #tpu.memory_space<vmem_shared>>
      %dma_wait3A_265 = tpu.memref_slice %arg29[%run_scoped3A, %mul3A_22] : memref<4x4096xi32, #tpu.memory_space<vmem_shared>> -> memref<1x256xi32, #tpu.memory_space<vmem_shared>>
      %dma_wait3A_266 = tpu.memref_squeeze %dma_wait3A_265 : memref<1x256xi32, #tpu.memory_space<vmem_shared>> -> memref<256xi32, #tpu.memory_space<vmem_shared>>
      tpu.wait_dma2 semaphore(%run_scoped3A_260 : memref<!tpu.dma_semaphore, #tpu.memory_space<semaphore_mem>>) src(%arg10 : memref<256xi32, #tpu.memory_space<vmem>>) dst(%dma_wait3A_266 : memref<256xi32, #tpu.memory_space<vmem_shared>>)
      tpu.yield
    }) : () -> ()
    %barrier3A = arith.constant 0 : index
    tpu.barrier barrier_id(%barrier3A)
    %run_scoped3A_23 = arith.constant 0 : i32
    "tpu.region"() ({
      %run_scoped3A_260 = tpu.sem_alloc : memref<!tpu.dma_semaphore, #tpu.memory_space<semaphore_mem>>
      %dma_start3A = arith.constant 0 : i32
      %dma_start3A_261 = tpu.memref_slice %arg29[%run_scoped3A_23, %dma_start3A] : memref<4x4096xi32, #tpu.memory_space<vmem_shared>> -> memref<1x4096xi32, #tpu.memory_space<vmem_shared>>
      %dma_start3A_262 = tpu.memref_squeeze %dma_start3A_261 : memref<1x4096xi32, #tpu.memory_space<vmem_shared>> -> memref<4096xi32, #tpu.memory_space<vmem_shared>>
      %dma_start3A_263 = arith.constant 0 : i32
      %dma_start3A_264 = tpu.memref_slice %arg29[%run_scoped3A_23, %dma_start3A_263] : memref<4x4096xi32, #tpu.memory_space<vmem_shared>> -> memref<1x4096xi32, #tpu.memory_space<vmem_shared>>
      %dma_start3A_265 = tpu.memref_squeeze %dma_start3A_264 : memref<1x4096xi32, #tpu.memory_space<vmem_shared>> -> memref<4096xi32, #tpu.memory_space<vmem_shared>>
      tpu.enqueue_dma source(%dma_start3A_265 : memref<4096xi32, #tpu.memory_space<vmem_shared>>) target(%arg11 : memref<4096xi32, #tpu.memory_space<vmem>>) target_semaphore(%run_scoped3A_260 : memref<!tpu.dma_semaphore, #tpu.memory_space<semaphore_mem>>)
      %dma_wait3A = arith.constant 0 : i32
      %dma_wait3A_266 = tpu.memref_slice %arg29[%run_scoped3A_23, %dma_wait3A] : memref<4x4096xi32, #tpu.memory_space<vmem_shared>> -> memref<1x4096xi32, #tpu.memory_space<vmem_shared>>
      %dma_wait3A_267 = tpu.memref_squeeze %dma_wait3A_266 : memref<1x4096xi32, #tpu.memory_space<vmem_shared>> -> memref<4096xi32, #tpu.memory_space<vmem_shared>>
      %dma_wait3A_268 = arith.constant 0 : i32
      %dma_wait3A_269 = tpu.memref_slice %arg29[%run_scoped3A_23, %dma_wait3A_268] : memref<4x4096xi32, #tpu.memory_space<vmem_shared>> -> memref<1x4096xi32, #tpu.memory_space<vmem_shared>>
      %dma_wait3A_270 = tpu.memref_squeeze %dma_wait3A_269 : memref<1x4096xi32, #tpu.memory_space<vmem_shared>> -> memref<4096xi32, #tpu.memory_space<vmem_shared>>
      tpu.wait_dma2 semaphore(%run_scoped3A_260 : memref<!tpu.dma_semaphore, #tpu.memory_space<semaphore_mem>>) src(%dma_wait3A_270 : memref<4096xi32, #tpu.memory_space<vmem_shared>>) dst(%arg11 : memref<4096xi32, #tpu.memory_space<vmem>>)
      tpu.yield
    }) : () -> ()
    %scan3A_24 = arith.constant 0 : i32
    %scan3A_25 = arith.constant 0 : i32
    %scan3A_26 = arith.constant 16 : i32
    %scan3A_27 = arith.addi %scan3A_25, %scan3A_26 : i32
    %scan3A_28 = arith.constant 1 : i32
    scf.for %scan3A_260 = %scan3A_25 to %scan3A_27 step %scan3A_28  : i32 {
      %broadcast_in_dim3A_261 = arith.constant 0 : i32
      %broadcast_in_dim3A_262 = vector.broadcast %broadcast_in_dim3A_261 : i32 to vector<16xi32>
      %scan3A_263 = arith.constant 0 : i32
      %scan3A_264 = arith.constant 16 : i32
      %scan3A_265 = arith.addi %scan3A_263, %scan3A_264 : i32
      %scan3A_266 = arith.constant 1 : i32
      %scan3A_267 = scf.for %scan3A_273 = %scan3A_263 to %scan3A_265 step %scan3A_266 iter_args(%scan3A_274 = %broadcast_in_dim3A_262) -> (vector<16xi32>)  : i32 {
        %mul3A_275 = arith.constant 256 : i32
        %mul3A_276 = arith.muli %scan3A_273, %mul3A_275 : i32
        %mul3A_277 = arith.constant 16 : i32
        %mul3A_278 = arith.muli %scan3A_260, %mul3A_277 : i32
        %add3A = arith.addi %mul3A_276, %mul3A_278 : i32
        %get3A = arith.index_cast %add3A : i32 to index
        %get3A_279 = tpu.vector_load %arg11[%get3A] {strides = array<i32>} : memref<4096xi32, #tpu.memory_space<vmem>>, vector<16xi32>,
        %add3A_280 = arith.addi %scan3A_274, %get3A_279 : vector<16xi32>
        scf.yield %add3A_280 : vector<16xi32>
      }
      %scan3A_268 = arith.constant 16 : i32
      %mul3A_269 = arith.constant 16 : i32
      %mul3A_270 = arith.muli %scan3A_260, %mul3A_269 : i32
      %swap3A_271 = arith.index_cast %mul3A_270 : i32 to index
      %swap3A_272 = tpu.vector_load %arg10[%swap3A_271] {strides = array<i32>} : memref<256xi32, #tpu.memory_space<vmem>>, vector<16xi32>,
      tpu.vector_store %arg10[%swap3A_271], %scan3A_267 {strides = array<i32>} : memref<256xi32, #tpu.memory_space<vmem>>, vector<16xi32>,
    }
    %scan3A_29 = arith.constant 16 : i32
    %scan3A_30 = arith.constant 1638 : i32
    %scan3A_31 = arith.constant 0 : i32
    %scan3A_32 = arith.constant 0 : i32
    %scan3A_33 = arith.constant 0 : i32
    %scan3A_34 = arith.constant 0 : i32
    %scan3A_35 = arith.constant 256 : i32
    %scan3A_36 = arith.addi %scan3A_34, %scan3A_35 : i32
    %scan3A_37 = arith.constant 1 : i32
    %scan3A_38:3 = scf.for %scan3A_260 = %scan3A_34 to %scan3A_36 step %scan3A_37 iter_args(%scan3A_261 = %scan3A_31, %scan3A_262 = %scan3A_32, %scan3A_263 = %scan3A_33) -> (i32, i32, i32)  : i32 {
      %sub3A_264 = arith.constant 255 : i32
      %sub3A_265 = arith.subi %sub3A_264, %scan3A_260 : i32
      %broadcast_in_dim3A_266 = vector.broadcast %sub3A_265 : i32 to vector<16xi32>
      %gather3A = tpu.vector_load_idx %arg10[%broadcast_in_dim3A_266] : memref<256xi32, #tpu.memory_space<vmem>>[vector<16xi32>], vector<16xi32>,
      %slice3A = vector.extract_strided_slice %gather3A {offsets = [0], sizes = [1], strides = [1]} : vector<16xi32> to vector<1xi32>
      %squeeze3A = vector.extract %slice3A[0] : i32 from vector<1xi32>
      %lt3A = arith.cmpi slt, %scan3A_261, %scan3A_30 : i32
      %add3A = arith.addi %scan3A_261, %squeeze3A : i32
      %ge3A = arith.cmpi sge, %add3A, %scan3A_30 : i32
      %and3A = arith.andi %lt3A, %ge3A : i1
      %select_n3A_267 = arith.select %and3A, %sub3A_265, %scan3A_262 : i32
      %select_n3A_268 = arith.select %and3A, %scan3A_261, %scan3A_263 : i32
      %add3A_269 = arith.addi %scan3A_261, %squeeze3A : i32
      scf.yield %add3A_269, %select_n3A_267, %select_n3A_268 : i32, i32, i32
    }
    %scan3A_39 = arith.constant 256 : i32
    %sub3A = arith.constant 1638 : i32
    %sub3A_40 = arith.subi %sub3A, %scan3A_38#2 : i32
    %shift_left3A = arith.constant 24 : i32
    %shift_left3A_41 = arith.shli %scan3A_38#1, %shift_left3A : i32
    %or3A = arith.constant 0 : i32
    %or3A_42 = arith.ori %or3A, %shift_left3A_41 : i32
    %scan3A_43 = arith.constant 0 : i32
    %scan3A_44 = arith.constant 0 : i32
    %scan3A_45 = arith.constant 16 : i32
    %scan3A_46 = arith.addi %scan3A_44, %scan3A_45 : i32
    %scan3A_47 = arith.constant 1 : i32
    scf.for %scan3A_260 = %scan3A_44 to %scan3A_46 step %scan3A_47  : i32 {
      %broadcast_in_dim3A_261 = arith.constant 0 : i32
      %broadcast_in_dim3A_262 = vector.broadcast %broadcast_in_dim3A_261 : i32 to vector<16xi32>
      %mul3A_263 = arith.constant 16 : i32
      %mul3A_264 = arith.muli %scan3A_260, %mul3A_263 : i32
      %swap3A_265 = arith.index_cast %mul3A_264 : i32 to index
      %swap3A_266 = tpu.vector_load %arg10[%swap3A_265] {strides = array<i32>} : memref<256xi32, #tpu.memory_space<vmem>>, vector<16xi32>,
      tpu.vector_store %arg10[%swap3A_265], %broadcast_in_dim3A_262 {strides = array<i32>} : memref<256xi32, #tpu.memory_space<vmem>>, vector<16xi32>,
    }
    %scan3A_48 = arith.constant 16 : i32
    %scan3A_49 = arith.constant 0 : i32
    %scan3A_50 = arith.constant 0 : i32
    %scan3A_51 = arith.constant 320 : i32
    %scan3A_52 = arith.addi %scan3A_50, %scan3A_51 : i32
    %scan3A_53 = arith.constant 1 : i32
    scf.for %scan3A_260 = %scan3A_50 to %scan3A_52 step %scan3A_53  : i32 {
      %mul3A_261 = arith.constant 16 : i32
      %mul3A_262 = arith.muli %scan3A_260, %mul3A_261 : i32
      %get3A = arith.index_cast %mul3A_262 : i32 to index
      %get3A_263 = tpu.vector_load %arg8[%get3A] {strides = array<i32>} : memref<5120xi32, #tpu.memory_space<vmem>>, vector<16xi32>,
      %shift_right_logical3A = arith.constant 16 : i32
      %shift_right_logical3A_264 = vector.broadcast %shift_right_logical3A : i32 to vector<16xi32>
      %shift_right_logical3A_265 = arith.shrui %get3A_263, %shift_right_logical3A_264 : vector<16xi32>
      %and3A = arith.constant 255 : i32
      %and3A_266 = vector.broadcast %and3A : i32 to vector<16xi32>
      %and3A_267 = arith.andi %shift_right_logical3A_265, %and3A_266 : vector<16xi32>
      %shift_right_logical3A_268 = arith.constant 24 : i32
      %shift_right_logical3A_269 = vector.broadcast %shift_right_logical3A_268 : i32 to vector<16xi32>
      %shift_right_logical3A_270 = arith.shrui %get3A_263, %shift_right_logical3A_269 : vector<16xi32>
      %shift_right_logical3A_271 = arith.constant 24 : i32
      %shift_right_logical3A_272 = arith.shrui %or3A_42, %shift_right_logical3A_271 : i32
      %eq3A_273 = vector.broadcast %shift_right_logical3A_272 : i32 to vector<16xi32>
      %eq3A_274 = arith.cmpi eq, %shift_right_logical3A_270, %eq3A_273 : vector<16xi32>
      tpu.vector_store_idx %arg10[%and3A_267], %broadcast_in_dim3A_8 masked %eq3A_274 {add = true} : memref<256xi32, #tpu.memory_space<vmem>>[vector<16xi32>], vector<16xi32>, vector<16xi1>
    }
    %scan3A_54 = arith.constant 320 : i32
    %mul3A_55 = arith.constant 256 : i32
    %mul3A_56 = arith.muli %arg1, %mul3A_55 : i32
    %run_scoped3A_57 = arith.constant 1 : i32
    "tpu.region"() ({
      %run_scoped3A_260 = tpu.sem_alloc : memref<!tpu.dma_semaphore, #tpu.memory_space<semaphore_mem>>
      %dma_start3A = tpu.memref_slice %arg29[%run_scoped3A_57, %mul3A_56] : memref<4x4096xi32, #tpu.memory_space<vmem_shared>> -> memref<1x256xi32, #tpu.memory_space<vmem_shared>>
      %dma_start3A_261 = tpu.memref_squeeze %dma_start3A : memref<1x256xi32, #tpu.memory_space<vmem_shared>> -> memref<256xi32, #tpu.memory_space<vmem_shared>>
      %dma_start3A_262 = tpu.memref_slice %arg29[%run_scoped3A_57, %mul3A_56] : memref<4x4096xi32, #tpu.memory_space<vmem_shared>> -> memref<1x256xi32, #tpu.memory_space<vmem_shared>>
      %dma_start3A_263 = tpu.memref_squeeze %dma_start3A_262 : memref<1x256xi32, #tpu.memory_space<vmem_shared>> -> memref<256xi32, #tpu.memory_space<vmem_shared>>
      tpu.enqueue_dma source(%arg10 : memref<256xi32, #tpu.memory_space<vmem>>) target(%dma_start3A_263 : memref<256xi32, #tpu.memory_space<vmem_shared>>) target_semaphore(%run_scoped3A_260 : memref<!tpu.dma_semaphore, #tpu.memory_space<semaphore_mem>>)
      %dma_wait3A = tpu.memref_slice %arg29[%run_scoped3A_57, %mul3A_56] : memref<4x4096xi32, #tpu.memory_space<vmem_shared>> -> memref<1x256xi32, #tpu.memory_space<vmem_shared>>
      %dma_wait3A_264 = tpu.memref_squeeze %dma_wait3A : memref<1x256xi32, #tpu.memory_space<vmem_shared>> -> memref<256xi32, #tpu.memory_space<vmem_shared>>
      %dma_wait3A_265 = tpu.memref_slice %arg29[%run_scoped3A_57, %mul3A_56] : memref<4x4096xi32, #tpu.memory_space<vmem_shared>> -> memref<1x256xi32, #tpu.memory_space<vmem_shared>>
      %dma_wait3A_266 = tpu.memref_squeeze %dma_wait3A_265 : memref<1x256xi32, #tpu.memory_space<vmem_shared>> -> memref<256xi32, #tpu.memory_space<vmem_shared>>
      tpu.wait_dma2 semaphore(%run_scoped3A_260 : memref<!tpu.dma_semaphore, #tpu.memory_space<semaphore_mem>>) src(%arg10 : memref<256xi32, #tpu.memory_space<vmem>>) dst(%dma_wait3A_266 : memref<256xi32, #tpu.memory_space<vmem_shared>>)
      tpu.yield
    }) : () -> ()
    %barrier3A_58 = arith.constant 0 : index
    tpu.barrier barrier_id(%barrier3A_58)
    %run_scoped3A_59 = arith.constant 1 : i32
    "tpu.region"() ({
      %run_scoped3A_260 = tpu.sem_alloc : memref<!tpu.dma_semaphore, #tpu.memory_space<semaphore_mem>>
      %dma_start3A = arith.constant 0 : i32
      %dma_start3A_261 = tpu.memref_slice %arg29[%run_scoped3A_59, %dma_start3A] : memref<4x4096xi32, #tpu.memory_space<vmem_shared>> -> memref<1x4096xi32, #tpu.memory_space<vmem_shared>>
      %dma_start3A_262 = tpu.memref_squeeze %dma_start3A_261 : memref<1x4096xi32, #tpu.memory_space<vmem_shared>> -> memref<4096xi32, #tpu.memory_space<vmem_shared>>
      %dma_start3A_263 = arith.constant 0 : i32
      %dma_start3A_264 = tpu.memref_slice %arg29[%run_scoped3A_59, %dma_start3A_263] : memref<4x4096xi32, #tpu.memory_space<vmem_shared>> -> memref<1x4096xi32, #tpu.memory_space<vmem_shared>>
      %dma_start3A_265 = tpu.memref_squeeze %dma_start3A_264 : memref<1x4096xi32, #tpu.memory_space<vmem_shared>> -> memref<4096xi32, #tpu.memory_space<vmem_shared>>
      tpu.enqueue_dma source(%dma_start3A_265 : memref<4096xi32, #tpu.memory_space<vmem_shared>>) target(%arg11 : memref<4096xi32, #tpu.memory_space<vmem>>) target_semaphore(%run_scoped3A_260 : memref<!tpu.dma_semaphore, #tpu.memory_space<semaphore_mem>>)
      %dma_wait3A = arith.constant 0 : i32
      %dma_wait3A_266 = tpu.memref_slice %arg29[%run_scoped3A_59, %dma_wait3A] : memref<4x4096xi32, #tpu.memory_space<vmem_shared>> -> memref<1x4096xi32, #tpu.memory_space<vmem_shared>>
      %dma_wait3A_267 = tpu.memref_squeeze %dma_wait3A_266 : memref<1x4096xi32, #tpu.memory_space<vmem_shared>> -> memref<4096xi32, #tpu.memory_space<vmem_shared>>
      %dma_wait3A_268 = arith.constant 0 : i32
      %dma_wait3A_269 = tpu.memref_slice %arg29[%run_scoped3A_59, %dma_wait3A_268] : memref<4x4096xi32, #tpu.memory_space<vmem_shared>> -> memref<1x4096xi32, #tpu.memory_space<vmem_shared>>
      %dma_wait3A_270 = tpu.memref_squeeze %dma_wait3A_269 : memref<1x4096xi32, #tpu.memory_space<vmem_shared>> -> memref<4096xi32, #tpu.memory_space<vmem_shared>>
      tpu.wait_dma2 semaphore(%run_scoped3A_260 : memref<!tpu.dma_semaphore, #tpu.memory_space<semaphore_mem>>) src(%dma_wait3A_270 : memref<4096xi32, #tpu.memory_space<vmem_shared>>) dst(%arg11 : memref<4096xi32, #tpu.memory_space<vmem>>)
      tpu.yield
    }) : () -> ()
    %scan3A_60 = arith.constant 0 : i32
    %scan3A_61 = arith.constant 0 : i32
    %scan3A_62 = arith.constant 16 : i32
    %scan3A_63 = arith.addi %scan3A_61, %scan3A_62 : i32
    %scan3A_64 = arith.constant 1 : i32
    scf.for %scan3A_260 = %scan3A_61 to %scan3A_63 step %scan3A_64  : i32 {
      %broadcast_in_dim3A_261 = arith.constant 0 : i32
      %broadcast_in_dim3A_262 = vector.broadcast %broadcast_in_dim3A_261 : i32 to vector<16xi32>
      %scan3A_263 = arith.constant 0 : i32
      %scan3A_264 = arith.constant 16 : i32
      %scan3A_265 = arith.addi %scan3A_263, %scan3A_264 : i32
      %scan3A_266 = arith.constant 1 : i32
      %scan3A_267 = scf.for %scan3A_273 = %scan3A_263 to %scan3A_265 step %scan3A_266 iter_args(%scan3A_274 = %broadcast_in_dim3A_262) -> (vector<16xi32>)  : i32 {
        %mul3A_275 = arith.constant 256 : i32
        %mul3A_276 = arith.muli %scan3A_273, %mul3A_275 : i32
        %mul3A_277 = arith.constant 16 : i32
        %mul3A_278 = arith.muli %scan3A_260, %mul3A_277 : i32
        %add3A = arith.addi %mul3A_276, %mul3A_278 : i32
        %get3A = arith.index_cast %add3A : i32 to index
        %get3A_279 = tpu.vector_load %arg11[%get3A] {strides = array<i32>} : memref<4096xi32, #tpu.memory_space<vmem>>, vector<16xi32>,
        %add3A_280 = arith.addi %scan3A_274, %get3A_279 : vector<16xi32>
        scf.yield %add3A_280 : vector<16xi32>
      }
      %scan3A_268 = arith.constant 16 : i32
      %mul3A_269 = arith.constant 16 : i32
      %mul3A_270 = arith.muli %scan3A_260, %mul3A_269 : i32
      %swap3A_271 = arith.index_cast %mul3A_270 : i32 to index
      %swap3A_272 = tpu.vector_load %arg10[%swap3A_271] {strides = array<i32>} : memref<256xi32, #tpu.memory_space<vmem>>, vector<16xi32>,
      tpu.vector_store %arg10[%swap3A_271], %scan3A_267 {strides = array<i32>} : memref<256xi32, #tpu.memory_space<vmem>>, vector<16xi32>,
    }
    %scan3A_65 = arith.constant 16 : i32
    %scan3A_66 = arith.constant 0 : i32
    %scan3A_67 = arith.constant 0 : i32
    %scan3A_68 = arith.constant 0 : i32
    %scan3A_69 = arith.constant 0 : i32
    %scan3A_70 = arith.constant 256 : i32
    %scan3A_71 = arith.addi %scan3A_69, %scan3A_70 : i32
    %scan3A_72 = arith.constant 1 : i32
    %scan3A_73:3 = scf.for %scan3A_260 = %scan3A_69 to %scan3A_71 step %scan3A_72 iter_args(%scan3A_261 = %scan3A_66, %scan3A_262 = %scan3A_67, %scan3A_263 = %scan3A_68) -> (i32, i32, i32)  : i32 {
      %sub3A_264 = arith.constant 255 : i32
      %sub3A_265 = arith.subi %sub3A_264, %scan3A_260 : i32
      %broadcast_in_dim3A_266 = vector.broadcast %sub3A_265 : i32 to vector<16xi32>
      %gather3A = tpu.vector_load_idx %arg10[%broadcast_in_dim3A_266] : memref<256xi32, #tpu.memory_space<vmem>>[vector<16xi32>], vector<16xi32>,
      %slice3A = vector.extract_strided_slice %gather3A {offsets = [0], sizes = [1], strides = [1]} : vector<16xi32> to vector<1xi32>
      %squeeze3A = vector.extract %slice3A[0] : i32 from vector<1xi32>
      %lt3A = arith.cmpi slt, %scan3A_261, %sub3A_40 : i32
      %add3A = arith.addi %scan3A_261, %squeeze3A : i32
      %ge3A = arith.cmpi sge, %add3A, %sub3A_40 : i32
      %and3A = arith.andi %lt3A, %ge3A : i1
      %select_n3A_267 = arith.select %and3A, %sub3A_265, %scan3A_262 : i32
      %select_n3A_268 = arith.select %and3A, %scan3A_261, %scan3A_263 : i32
      %add3A_269 = arith.addi %scan3A_261, %squeeze3A : i32
      scf.yield %add3A_269, %select_n3A_267, %select_n3A_268 : i32, i32, i32
    }
    %scan3A_74 = arith.constant 256 : i32
    %sub3A_75 = arith.subi %sub3A_40, %scan3A_73#2 : i32
    %shift_left3A_76 = arith.constant 16 : i32
    %shift_left3A_77 = arith.shli %scan3A_73#1, %shift_left3A_76 : i32
    %or3A_78 = arith.ori %or3A_42, %shift_left3A_77 : i32
    %scan3A_79 = arith.constant 0 : i32
    %scan3A_80 = arith.constant 0 : i32
    %scan3A_81 = arith.constant 16 : i32
    %scan3A_82 = arith.addi %scan3A_80, %scan3A_81 : i32
    %scan3A_83 = arith.constant 1 : i32
    scf.for %scan3A_260 = %scan3A_80 to %scan3A_82 step %scan3A_83  : i32 {
      %broadcast_in_dim3A_261 = arith.constant 0 : i32
      %broadcast_in_dim3A_262 = vector.broadcast %broadcast_in_dim3A_261 : i32 to vector<16xi32>
      %mul3A_263 = arith.constant 16 : i32
      %mul3A_264 = arith.muli %scan3A_260, %mul3A_263 : i32
      %swap3A_265 = arith.index_cast %mul3A_264 : i32 to index
      %swap3A_266 = tpu.vector_load %arg10[%swap3A_265] {strides = array<i32>} : memref<256xi32, #tpu.memory_space<vmem>>, vector<16xi32>,
      tpu.vector_store %arg10[%swap3A_265], %broadcast_in_dim3A_262 {strides = array<i32>} : memref<256xi32, #tpu.memory_space<vmem>>, vector<16xi32>,
    }
    %scan3A_84 = arith.constant 16 : i32
    %scan3A_85 = arith.constant 0 : i32
    %scan3A_86 = arith.constant 0 : i32
    %scan3A_87 = arith.constant 320 : i32
    %scan3A_88 = arith.addi %scan3A_86, %scan3A_87 : i32
    %scan3A_89 = arith.constant 1 : i32
    scf.for %scan3A_260 = %scan3A_86 to %scan3A_88 step %scan3A_89  : i32 {
      %mul3A_261 = arith.constant 16 : i32
      %mul3A_262 = arith.muli %scan3A_260, %mul3A_261 : i32
      %get3A = arith.index_cast %mul3A_262 : i32 to index
      %get3A_263 = tpu.vector_load %arg8[%get3A] {strides = array<i32>} : memref<5120xi32, #tpu.memory_space<vmem>>, vector<16xi32>,
      %shift_right_logical3A = arith.constant 8 : i32
      %shift_right_logical3A_264 = vector.broadcast %shift_right_logical3A : i32 to vector<16xi32>
      %shift_right_logical3A_265 = arith.shrui %get3A_263, %shift_right_logical3A_264 : vector<16xi32>
      %and3A = arith.constant 255 : i32
      %and3A_266 = vector.broadcast %and3A : i32 to vector<16xi32>
      %and3A_267 = arith.andi %shift_right_logical3A_265, %and3A_266 : vector<16xi32>
      %shift_right_logical3A_268 = arith.constant 16 : i32
      %shift_right_logical3A_269 = vector.broadcast %shift_right_logical3A_268 : i32 to vector<16xi32>
      %shift_right_logical3A_270 = arith.shrui %get3A_263, %shift_right_logical3A_269 : vector<16xi32>
      %shift_right_logical3A_271 = arith.constant 16 : i32
      %shift_right_logical3A_272 = arith.shrui %or3A_78, %shift_right_logical3A_271 : i32
      %eq3A_273 = vector.broadcast %shift_right_logical3A_272 : i32 to vector<16xi32>
      %eq3A_274 = arith.cmpi eq, %shift_right_logical3A_270, %eq3A_273 : vector<16xi32>
      tpu.vector_store_idx %arg10[%and3A_267], %broadcast_in_dim3A_8 masked %eq3A_274 {add = true} : memref<256xi32, #tpu.memory_space<vmem>>[vector<16xi32>], vector<16xi32>, vector<16xi1>
    }
    %scan3A_90 = arith.constant 320 : i32
    %mul3A_91 = arith.constant 256 : i32
    %mul3A_92 = arith.muli %arg1, %mul3A_91 : i32
    %run_scoped3A_93 = arith.constant 2 : i32
    "tpu.region"() ({
      %run_scoped3A_260 = tpu.sem_alloc : memref<!tpu.dma_semaphore, #tpu.memory_space<semaphore_mem>>
      %dma_start3A = tpu.memref_slice %arg29[%run_scoped3A_93, %mul3A_92] : memref<4x4096xi32, #tpu.memory_space<vmem_shared>> -> memref<1x256xi32, #tpu.memory_space<vmem_shared>>
      %dma_start3A_261 = tpu.memref_squeeze %dma_start3A : memref<1x256xi32, #tpu.memory_space<vmem_shared>> -> memref<256xi32, #tpu.memory_space<vmem_shared>>
      %dma_start3A_262 = tpu.memref_slice %arg29[%run_scoped3A_93, %mul3A_92] : memref<4x4096xi32, #tpu.memory_space<vmem_shared>> -> memref<1x256xi32, #tpu.memory_space<vmem_shared>>
      %dma_start3A_263 = tpu.memref_squeeze %dma_start3A_262 : memref<1x256xi32, #tpu.memory_space<vmem_shared>> -> memref<256xi32, #tpu.memory_space<vmem_shared>>
      tpu.enqueue_dma source(%arg10 : memref<256xi32, #tpu.memory_space<vmem>>) target(%dma_start3A_263 : memref<256xi32, #tpu.memory_space<vmem_shared>>) target_semaphore(%run_scoped3A_260 : memref<!tpu.dma_semaphore, #tpu.memory_space<semaphore_mem>>)
      %dma_wait3A = tpu.memref_slice %arg29[%run_scoped3A_93, %mul3A_92] : memref<4x4096xi32, #tpu.memory_space<vmem_shared>> -> memref<1x256xi32, #tpu.memory_space<vmem_shared>>
      %dma_wait3A_264 = tpu.memref_squeeze %dma_wait3A : memref<1x256xi32, #tpu.memory_space<vmem_shared>> -> memref<256xi32, #tpu.memory_space<vmem_shared>>
      %dma_wait3A_265 = tpu.memref_slice %arg29[%run_scoped3A_93, %mul3A_92] : memref<4x4096xi32, #tpu.memory_space<vmem_shared>> -> memref<1x256xi32, #tpu.memory_space<vmem_shared>>
      %dma_wait3A_266 = tpu.memref_squeeze %dma_wait3A_265 : memref<1x256xi32, #tpu.memory_space<vmem_shared>> -> memref<256xi32, #tpu.memory_space<vmem_shared>>
      tpu.wait_dma2 semaphore(%run_scoped3A_260 : memref<!tpu.dma_semaphore, #tpu.memory_space<semaphore_mem>>) src(%arg10 : memref<256xi32, #tpu.memory_space<vmem>>) dst(%dma_wait3A_266 : memref<256xi32, #tpu.memory_space<vmem_shared>>)
      tpu.yield
    }) : () -> ()
    %barrier3A_94 = arith.constant 0 : index
    tpu.barrier barrier_id(%barrier3A_94)
    %run_scoped3A_95 = arith.constant 2 : i32
    "tpu.region"() ({
      %run_scoped3A_260 = tpu.sem_alloc : memref<!tpu.dma_semaphore, #tpu.memory_space<semaphore_mem>>
      %dma_start3A = arith.constant 0 : i32
      %dma_start3A_261 = tpu.memref_slice %arg29[%run_scoped3A_95, %dma_start3A] : memref<4x4096xi32, #tpu.memory_space<vmem_shared>> -> memref<1x4096xi32, #tpu.memory_space<vmem_shared>>
      %dma_start3A_262 = tpu.memref_squeeze %dma_start3A_261 : memref<1x4096xi32, #tpu.memory_space<vmem_shared>> -> memref<4096xi32, #tpu.memory_space<vmem_shared>>
      %dma_start3A_263 = arith.constant 0 : i32
      %dma_start3A_264 = tpu.memref_slice %arg29[%run_scoped3A_95, %dma_start3A_263] : memref<4x4096xi32, #tpu.memory_space<vmem_shared>> -> memref<1x4096xi32, #tpu.memory_space<vmem_shared>>
      %dma_start3A_265 = tpu.memref_squeeze %dma_start3A_264 : memref<1x4096xi32, #tpu.memory_space<vmem_shared>> -> memref<4096xi32, #tpu.memory_space<vmem_shared>>
      tpu.enqueue_dma source(%dma_start3A_265 : memref<4096xi32, #tpu.memory_space<vmem_shared>>) target(%arg11 : memref<4096xi32, #tpu.memory_space<vmem>>) target_semaphore(%run_scoped3A_260 : memref<!tpu.dma_semaphore, #tpu.memory_space<semaphore_mem>>)
      %dma_wait3A = arith.constant 0 : i32
      %dma_wait3A_266 = tpu.memref_slice %arg29[%run_scoped3A_95, %dma_wait3A] : memref<4x4096xi32, #tpu.memory_space<vmem_shared>> -> memref<1x4096xi32, #tpu.memory_space<vmem_shared>>
      %dma_wait3A_267 = tpu.memref_squeeze %dma_wait3A_266 : memref<1x4096xi32, #tpu.memory_space<vmem_shared>> -> memref<4096xi32, #tpu.memory_space<vmem_shared>>
      %dma_wait3A_268 = arith.constant 0 : i32
      %dma_wait3A_269 = tpu.memref_slice %arg29[%run_scoped3A_95, %dma_wait3A_268] : memref<4x4096xi32, #tpu.memory_space<vmem_shared>> -> memref<1x4096xi32, #tpu.memory_space<vmem_shared>>
      %dma_wait3A_270 = tpu.memref_squeeze %dma_wait3A_269 : memref<1x4096xi32, #tpu.memory_space<vmem_shared>> -> memref<4096xi32, #tpu.memory_space<vmem_shared>>
      tpu.wait_dma2 semaphore(%run_scoped3A_260 : memref<!tpu.dma_semaphore, #tpu.memory_space<semaphore_mem>>) src(%dma_wait3A_270 : memref<4096xi32, #tpu.memory_space<vmem_shared>>) dst(%arg11 : memref<4096xi32, #tpu.memory_space<vmem>>)
      tpu.yield
    }) : () -> ()
    %scan3A_96 = arith.constant 0 : i32
    %scan3A_97 = arith.constant 0 : i32
    %scan3A_98 = arith.constant 16 : i32
    %scan3A_99 = arith.addi %scan3A_97, %scan3A_98 : i32
    %scan3A_100 = arith.constant 1 : i32
    scf.for %scan3A_260 = %scan3A_97 to %scan3A_99 step %scan3A_100  : i32 {
      %broadcast_in_dim3A_261 = arith.constant 0 : i32
      %broadcast_in_dim3A_262 = vector.broadcast %broadcast_in_dim3A_261 : i32 to vector<16xi32>
      %scan3A_263 = arith.constant 0 : i32
      %scan3A_264 = arith.constant 16 : i32
      %scan3A_265 = arith.addi %scan3A_263, %scan3A_264 : i32
      %scan3A_266 = arith.constant 1 : i32
      %scan3A_267 = scf.for %scan3A_273 = %scan3A_263 to %scan3A_265 step %scan3A_266 iter_args(%scan3A_274 = %broadcast_in_dim3A_262) -> (vector<16xi32>)  : i32 {
        %mul3A_275 = arith.constant 256 : i32
        %mul3A_276 = arith.muli %scan3A_273, %mul3A_275 : i32
        %mul3A_277 = arith.constant 16 : i32
        %mul3A_278 = arith.muli %scan3A_260, %mul3A_277 : i32
        %add3A = arith.addi %mul3A_276, %mul3A_278 : i32
        %get3A = arith.index_cast %add3A : i32 to index
        %get3A_279 = tpu.vector_load %arg11[%get3A] {strides = array<i32>} : memref<4096xi32, #tpu.memory_space<vmem>>, vector<16xi32>,
        %add3A_280 = arith.addi %scan3A_274, %get3A_279 : vector<16xi32>
        scf.yield %add3A_280 : vector<16xi32>
      }
      %scan3A_268 = arith.constant 16 : i32
      %mul3A_269 = arith.constant 16 : i32
      %mul3A_270 = arith.muli %scan3A_260, %mul3A_269 : i32
      %swap3A_271 = arith.index_cast %mul3A_270 : i32 to index
      %swap3A_272 = tpu.vector_load %arg10[%swap3A_271] {strides = array<i32>} : memref<256xi32, #tpu.memory_space<vmem>>, vector<16xi32>,
      tpu.vector_store %arg10[%swap3A_271], %scan3A_267 {strides = array<i32>} : memref<256xi32, #tpu.memory_space<vmem>>, vector<16xi32>,
    }
    %scan3A_101 = arith.constant 16 : i32
    %scan3A_102 = arith.constant 0 : i32
    %scan3A_103 = arith.constant 0 : i32
    %scan3A_104 = arith.constant 0 : i32
    %scan3A_105 = arith.constant 0 : i32
    %scan3A_106 = arith.constant 256 : i32
    %scan3A_107 = arith.addi %scan3A_105, %scan3A_106 : i32
    %scan3A_108 = arith.constant 1 : i32
    %scan3A_109:3 = scf.for %scan3A_260 = %scan3A_105 to %scan3A_107 step %scan3A_108 iter_args(%scan3A_261 = %scan3A_102, %scan3A_262 = %scan3A_103, %scan3A_263 = %scan3A_104) -> (i32, i32, i32)  : i32 {
      %sub3A_264 = arith.constant 255 : i32
      %sub3A_265 = arith.subi %sub3A_264, %scan3A_260 : i32
      %broadcast_in_dim3A_266 = vector.broadcast %sub3A_265 : i32 to vector<16xi32>
      %gather3A = tpu.vector_load_idx %arg10[%broadcast_in_dim3A_266] : memref<256xi32, #tpu.memory_space<vmem>>[vector<16xi32>], vector<16xi32>,
      %slice3A = vector.extract_strided_slice %gather3A {offsets = [0], sizes = [1], strides = [1]} : vector<16xi32> to vector<1xi32>
      %squeeze3A = vector.extract %slice3A[0] : i32 from vector<1xi32>
      %lt3A = arith.cmpi slt, %scan3A_261, %sub3A_75 : i32
      %add3A = arith.addi %scan3A_261, %squeeze3A : i32
      %ge3A = arith.cmpi sge, %add3A, %sub3A_75 : i32
      %and3A = arith.andi %lt3A, %ge3A : i1
      %select_n3A_267 = arith.select %and3A, %sub3A_265, %scan3A_262 : i32
      %select_n3A_268 = arith.select %and3A, %scan3A_261, %scan3A_263 : i32
      %add3A_269 = arith.addi %scan3A_261, %squeeze3A : i32
      scf.yield %add3A_269, %select_n3A_267, %select_n3A_268 : i32, i32, i32
    }
    %scan3A_110 = arith.constant 256 : i32
    %sub3A_111 = arith.subi %sub3A_75, %scan3A_109#2 : i32
    %shift_left3A_112 = arith.constant 8 : i32
    %shift_left3A_113 = arith.shli %scan3A_109#1, %shift_left3A_112 : i32
    %or3A_114 = arith.ori %or3A_78, %shift_left3A_113 : i32
    %scan3A_115 = arith.constant 0 : i32
    %scan3A_116 = arith.constant 0 : i32
    %scan3A_117 = arith.constant 16 : i32
    %scan3A_118 = arith.addi %scan3A_116, %scan3A_117 : i32
    %scan3A_119 = arith.constant 1 : i32
    scf.for %scan3A_260 = %scan3A_116 to %scan3A_118 step %scan3A_119  : i32 {
      %broadcast_in_dim3A_261 = arith.constant 0 : i32
      %broadcast_in_dim3A_262 = vector.broadcast %broadcast_in_dim3A_261 : i32 to vector<16xi32>
      %mul3A_263 = arith.constant 16 : i32
      %mul3A_264 = arith.muli %scan3A_260, %mul3A_263 : i32
      %swap3A_265 = arith.index_cast %mul3A_264 : i32 to index
      %swap3A_266 = tpu.vector_load %arg10[%swap3A_265] {strides = array<i32>} : memref<256xi32, #tpu.memory_space<vmem>>, vector<16xi32>,
      tpu.vector_store %arg10[%swap3A_265], %broadcast_in_dim3A_262 {strides = array<i32>} : memref<256xi32, #tpu.memory_space<vmem>>, vector<16xi32>,
    }
    %scan3A_120 = arith.constant 16 : i32
    %scan3A_121 = arith.constant 0 : i32
    %scan3A_122 = arith.constant 0 : i32
    %scan3A_123 = arith.constant 320 : i32
    %scan3A_124 = arith.addi %scan3A_122, %scan3A_123 : i32
    %scan3A_125 = arith.constant 1 : i32
    scf.for %scan3A_260 = %scan3A_122 to %scan3A_124 step %scan3A_125  : i32 {
      %mul3A_261 = arith.constant 16 : i32
      %mul3A_262 = arith.muli %scan3A_260, %mul3A_261 : i32
      %get3A = arith.index_cast %mul3A_262 : i32 to index
      %get3A_263 = tpu.vector_load %arg8[%get3A] {strides = array<i32>} : memref<5120xi32, #tpu.memory_space<vmem>>, vector<16xi32>,
      %shift_right_logical3A = arith.constant 0 : i32
      %shift_right_logical3A_264 = vector.broadcast %shift_right_logical3A : i32 to vector<16xi32>
      %shift_right_logical3A_265 = arith.shrui %get3A_263, %shift_right_logical3A_264 : vector<16xi32>
      %and3A = arith.constant 255 : i32
      %and3A_266 = vector.broadcast %and3A : i32 to vector<16xi32>
      %and3A_267 = arith.andi %shift_right_logical3A_265, %and3A_266 : vector<16xi32>
      %shift_right_logical3A_268 = arith.constant 8 : i32
      %shift_right_logical3A_269 = vector.broadcast %shift_right_logical3A_268 : i32 to vector<16xi32>
      %shift_right_logical3A_270 = arith.shrui %get3A_263, %shift_right_logical3A_269 : vector<16xi32>
      %shift_right_logical3A_271 = arith.constant 8 : i32
      %shift_right_logical3A_272 = arith.shrui %or3A_114, %shift_right_logical3A_271 : i32
      %eq3A_273 = vector.broadcast %shift_right_logical3A_272 : i32 to vector<16xi32>
      %eq3A_274 = arith.cmpi eq, %shift_right_logical3A_270, %eq3A_273 : vector<16xi32>
      tpu.vector_store_idx %arg10[%and3A_267], %broadcast_in_dim3A_8 masked %eq3A_274 {add = true} : memref<256xi32, #tpu.memory_space<vmem>>[vector<16xi32>], vector<16xi32>, vector<16xi1>
    }
    %scan3A_126 = arith.constant 320 : i32
    %mul3A_127 = arith.constant 256 : i32
    %mul3A_128 = arith.muli %arg1, %mul3A_127 : i32
    %run_scoped3A_129 = arith.constant 3 : i32
    "tpu.region"() ({
      %run_scoped3A_260 = tpu.sem_alloc : memref<!tpu.dma_semaphore, #tpu.memory_space<semaphore_mem>>
      %dma_start3A = tpu.memref_slice %arg29[%run_scoped3A_129, %mul3A_128] : memref<4x4096xi32, #tpu.memory_space<vmem_shared>> -> memref<1x256xi32, #tpu.memory_space<vmem_shared>>
      %dma_start3A_261 = tpu.memref_squeeze %dma_start3A : memref<1x256xi32, #tpu.memory_space<vmem_shared>> -> memref<256xi32, #tpu.memory_space<vmem_shared>>
      %dma_start3A_262 = tpu.memref_slice %arg29[%run_scoped3A_129, %mul3A_128] : memref<4x4096xi32, #tpu.memory_space<vmem_shared>> -> memref<1x256xi32, #tpu.memory_space<vmem_shared>>
      %dma_start3A_263 = tpu.memref_squeeze %dma_start3A_262 : memref<1x256xi32, #tpu.memory_space<vmem_shared>> -> memref<256xi32, #tpu.memory_space<vmem_shared>>
      tpu.enqueue_dma source(%arg10 : memref<256xi32, #tpu.memory_space<vmem>>) target(%dma_start3A_263 : memref<256xi32, #tpu.memory_space<vmem_shared>>) target_semaphore(%run_scoped3A_260 : memref<!tpu.dma_semaphore, #tpu.memory_space<semaphore_mem>>)
      %dma_wait3A = tpu.memref_slice %arg29[%run_scoped3A_129, %mul3A_128] : memref<4x4096xi32, #tpu.memory_space<vmem_shared>> -> memref<1x256xi32, #tpu.memory_space<vmem_shared>>
      %dma_wait3A_264 = tpu.memref_squeeze %dma_wait3A : memref<1x256xi32, #tpu.memory_space<vmem_shared>> -> memref<256xi32, #tpu.memory_space<vmem_shared>>
      %dma_wait3A_265 = tpu.memref_slice %arg29[%run_scoped3A_129, %mul3A_128] : memref<4x4096xi32, #tpu.memory_space<vmem_shared>> -> memref<1x256xi32, #tpu.memory_space<vmem_shared>>
      %dma_wait3A_266 = tpu.memref_squeeze %dma_wait3A_265 : memref<1x256xi32, #tpu.memory_space<vmem_shared>> -> memref<256xi32, #tpu.memory_space<vmem_shared>>
      tpu.wait_dma2 semaphore(%run_scoped3A_260 : memref<!tpu.dma_semaphore, #tpu.memory_space<semaphore_mem>>) src(%arg10 : memref<256xi32, #tpu.memory_space<vmem>>) dst(%dma_wait3A_266 : memref<256xi32, #tpu.memory_space<vmem_shared>>)
      tpu.yield
    }) : () -> ()
    %barrier3A_130 = arith.constant 0 : index
    tpu.barrier barrier_id(%barrier3A_130)
    %run_scoped3A_131 = arith.constant 3 : i32
    "tpu.region"() ({
      %run_scoped3A_260 = tpu.sem_alloc : memref<!tpu.dma_semaphore, #tpu.memory_space<semaphore_mem>>
      %dma_start3A = arith.constant 0 : i32
      %dma_start3A_261 = tpu.memref_slice %arg29[%run_scoped3A_131, %dma_start3A] : memref<4x4096xi32, #tpu.memory_space<vmem_shared>> -> memref<1x4096xi32, #tpu.memory_space<vmem_shared>>
      %dma_start3A_262 = tpu.memref_squeeze %dma_start3A_261 : memref<1x4096xi32, #tpu.memory_space<vmem_shared>> -> memref<4096xi32, #tpu.memory_space<vmem_shared>>
      %dma_start3A_263 = arith.constant 0 : i32
      %dma_start3A_264 = tpu.memref_slice %arg29[%run_scoped3A_131, %dma_start3A_263] : memref<4x4096xi32, #tpu.memory_space<vmem_shared>> -> memref<1x4096xi32, #tpu.memory_space<vmem_shared>>
      %dma_start3A_265 = tpu.memref_squeeze %dma_start3A_264 : memref<1x4096xi32, #tpu.memory_space<vmem_shared>> -> memref<4096xi32, #tpu.memory_space<vmem_shared>>
      tpu.enqueue_dma source(%dma_start3A_265 : memref<4096xi32, #tpu.memory_space<vmem_shared>>) target(%arg11 : memref<4096xi32, #tpu.memory_space<vmem>>) target_semaphore(%run_scoped3A_260 : memref<!tpu.dma_semaphore, #tpu.memory_space<semaphore_mem>>)
      %dma_wait3A = arith.constant 0 : i32
      %dma_wait3A_266 = tpu.memref_slice %arg29[%run_scoped3A_131, %dma_wait3A] : memref<4x4096xi32, #tpu.memory_space<vmem_shared>> -> memref<1x4096xi32, #tpu.memory_space<vmem_shared>>
      %dma_wait3A_267 = tpu.memref_squeeze %dma_wait3A_266 : memref<1x4096xi32, #tpu.memory_space<vmem_shared>> -> memref<4096xi32, #tpu.memory_space<vmem_shared>>
      %dma_wait3A_268 = arith.constant 0 : i32
      %dma_wait3A_269 = tpu.memref_slice %arg29[%run_scoped3A_131, %dma_wait3A_268] : memref<4x4096xi32, #tpu.memory_space<vmem_shared>> -> memref<1x4096xi32, #tpu.memory_space<vmem_shared>>
      %dma_wait3A_270 = tpu.memref_squeeze %dma_wait3A_269 : memref<1x4096xi32, #tpu.memory_space<vmem_shared>> -> memref<4096xi32, #tpu.memory_space<vmem_shared>>
      tpu.wait_dma2 semaphore(%run_scoped3A_260 : memref<!tpu.dma_semaphore, #tpu.memory_space<semaphore_mem>>) src(%dma_wait3A_270 : memref<4096xi32, #tpu.memory_space<vmem_shared>>) dst(%arg11 : memref<4096xi32, #tpu.memory_space<vmem>>)
      tpu.yield
    }) : () -> ()
    %scan3A_132 = arith.constant 0 : i32
    %scan3A_133 = arith.constant 0 : i32
    %scan3A_134 = arith.constant 16 : i32
    %scan3A_135 = arith.addi %scan3A_133, %scan3A_134 : i32
    %scan3A_136 = arith.constant 1 : i32
    scf.for %scan3A_260 = %scan3A_133 to %scan3A_135 step %scan3A_136  : i32 {
      %broadcast_in_dim3A_261 = arith.constant 0 : i32
      %broadcast_in_dim3A_262 = vector.broadcast %broadcast_in_dim3A_261 : i32 to vector<16xi32>
      %scan3A_263 = arith.constant 0 : i32
      %scan3A_264 = arith.constant 16 : i32
      %scan3A_265 = arith.addi %scan3A_263, %scan3A_264 : i32
      %scan3A_266 = arith.constant 1 : i32
      %scan3A_267 = scf.for %scan3A_273 = %scan3A_263 to %scan3A_265 step %scan3A_266 iter_args(%scan3A_274 = %broadcast_in_dim3A_262) -> (vector<16xi32>)  : i32 {
        %mul3A_275 = arith.constant 256 : i32
        %mul3A_276 = arith.muli %scan3A_273, %mul3A_275 : i32
        %mul3A_277 = arith.constant 16 : i32
        %mul3A_278 = arith.muli %scan3A_260, %mul3A_277 : i32
        %add3A = arith.addi %mul3A_276, %mul3A_278 : i32
        %get3A = arith.index_cast %add3A : i32 to index
        %get3A_279 = tpu.vector_load %arg11[%get3A] {strides = array<i32>} : memref<4096xi32, #tpu.memory_space<vmem>>, vector<16xi32>,
        %add3A_280 = arith.addi %scan3A_274, %get3A_279 : vector<16xi32>
        scf.yield %add3A_280 : vector<16xi32>
      }
      %scan3A_268 = arith.constant 16 : i32
      %mul3A_269 = arith.constant 16 : i32
      %mul3A_270 = arith.muli %scan3A_260, %mul3A_269 : i32
      %swap3A_271 = arith.index_cast %mul3A_270 : i32 to index
      %swap3A_272 = tpu.vector_load %arg10[%swap3A_271] {strides = array<i32>} : memref<256xi32, #tpu.memory_space<vmem>>, vector<16xi32>,
      tpu.vector_store %arg10[%swap3A_271], %scan3A_267 {strides = array<i32>} : memref<256xi32, #tpu.memory_space<vmem>>, vector<16xi32>,
    }
    %scan3A_137 = arith.constant 16 : i32
    %scan3A_138 = arith.constant 0 : i32
    %scan3A_139 = arith.constant 0 : i32
    %scan3A_140 = arith.constant 0 : i32
    %scan3A_141 = arith.constant 0 : i32
    %scan3A_142 = arith.constant 256 : i32
    %scan3A_143 = arith.addi %scan3A_141, %scan3A_142 : i32
    %scan3A_144 = arith.constant 1 : i32
    %scan3A_145:3 = scf.for %scan3A_260 = %scan3A_141 to %scan3A_143 step %scan3A_144 iter_args(%scan3A_261 = %scan3A_138, %scan3A_262 = %scan3A_139, %scan3A_263 = %scan3A_140) -> (i32, i32, i32)  : i32 {
      %sub3A_264 = arith.constant 255 : i32
      %sub3A_265 = arith.subi %sub3A_264, %scan3A_260 : i32
      %broadcast_in_dim3A_266 = vector.broadcast %sub3A_265 : i32 to vector<16xi32>
      %gather3A = tpu.vector_load_idx %arg10[%broadcast_in_dim3A_266] : memref<256xi32, #tpu.memory_space<vmem>>[vector<16xi32>], vector<16xi32>,
      %slice3A = vector.extract_strided_slice %gather3A {offsets = [0], sizes = [1], strides = [1]} : vector<16xi32> to vector<1xi32>
      %squeeze3A = vector.extract %slice3A[0] : i32 from vector<1xi32>
      %lt3A = arith.cmpi slt, %scan3A_261, %sub3A_111 : i32
      %add3A = arith.addi %scan3A_261, %squeeze3A : i32
      %ge3A = arith.cmpi sge, %add3A, %sub3A_111 : i32
      %and3A = arith.andi %lt3A, %ge3A : i1
      %select_n3A_267 = arith.select %and3A, %sub3A_265, %scan3A_262 : i32
      %select_n3A_268 = arith.select %and3A, %scan3A_261, %scan3A_263 : i32
      %add3A_269 = arith.addi %scan3A_261, %squeeze3A : i32
      scf.yield %add3A_269, %select_n3A_267, %select_n3A_268 : i32, i32, i32
    }
    %scan3A_146 = arith.constant 256 : i32
    %sub3A_147 = arith.subi %sub3A_111, %scan3A_145#2 : i32
    %shift_left3A_148 = arith.constant 0 : i32
    %shift_left3A_149 = arith.shli %scan3A_145#1, %shift_left3A_148 : i32
    %or3A_150 = arith.ori %or3A_114, %shift_left3A_149 : i32
    %broadcast_in_dim3A_151 = arith.constant 0 : i32
    %broadcast_in_dim3A_152 = vector.broadcast %broadcast_in_dim3A_151 : i32 to vector<16xi32>
    %broadcast_in_dim3A_153 = arith.constant 0 : i32
    %broadcast_in_dim3A_154 = vector.broadcast %broadcast_in_dim3A_153 : i32 to vector<16xi32>
    %scan3A_155 = arith.constant 0 : i32
    %scan3A_156 = arith.constant 320 : i32
    %scan3A_157 = arith.addi %scan3A_155, %scan3A_156 : i32
    %scan3A_158 = arith.constant 1 : i32
    %scan3A_159:2 = scf.for %scan3A_260 = %scan3A_155 to %scan3A_157 step %scan3A_158 iter_args(%scan3A_261 = %broadcast_in_dim3A_152, %scan3A_262 = %broadcast_in_dim3A_154) -> (vector<16xi32>, vector<16xi32>)  : i32 {
      %mul3A_263 = arith.constant 16 : i32
      %mul3A_264 = arith.muli %scan3A_260, %mul3A_263 : i32
      %get3A = arith.index_cast %mul3A_264 : i32 to index
      %get3A_265 = tpu.vector_load %arg8[%get3A] {strides = array<i32>} : memref<5120xi32, #tpu.memory_space<vmem>>, vector<16xi32>,
      %gt3A = vector.broadcast %or3A_150 : i32 to vector<16xi32>
      %gt3A_266 = arith.cmpi ugt, %get3A_265, %gt3A : vector<16xi32>
      %jit3A_267 = arith.constant 1 : i32
      %jit3A_268 = arith.constant 0 : i32
      %broadcast_in_dim3A_269 = vector.broadcast %jit3A_267 : i32 to vector<16xi32>
      %broadcast_in_dim3A_270 = vector.broadcast %jit3A_268 : i32 to vector<16xi32>
      %select_n3A_271 = arith.select %gt3A_266, %broadcast_in_dim3A_269, %broadcast_in_dim3A_270 : vector<16xi1>, vector<16xi32>
      %add3A = arith.addi %scan3A_261, %select_n3A_271 : vector<16xi32>
      %eq3A_272 = vector.broadcast %or3A_150 : i32 to vector<16xi32>
      %eq3A_273 = arith.cmpi eq, %get3A_265, %eq3A_272 : vector<16xi32>
      %jit3A_274 = arith.constant 1 : i32
      %jit3A_275 = arith.constant 0 : i32
      %broadcast_in_dim3A_276 = vector.broadcast %jit3A_274 : i32 to vector<16xi32>
      %broadcast_in_dim3A_277 = vector.broadcast %jit3A_275 : i32 to vector<16xi32>
      %select_n3A_278 = arith.select %eq3A_273, %broadcast_in_dim3A_276, %broadcast_in_dim3A_277 : vector<16xi1>, vector<16xi32>
      %add3A_279 = arith.addi %scan3A_262, %select_n3A_278 : vector<16xi32>
      scf.yield %add3A, %add3A_279 : vector<16xi32>, vector<16xi32>
    }
    %scan3A_160 = arith.constant 320 : i32
    %reduce_sum3A = arith.constant true
    %reduce_sum3A_161 = vector.broadcast %reduce_sum3A : i1 to vector<16xi1>
    %reduce_sum3A_162 = tpu.scan <sum>, %scan3A_159#0 masked %reduce_sum3A_161 : vector<16xi32>, vector<16xi1> -> vector<16xi32>
    %reduce_sum3A_163 = vector.extract %reduce_sum3A_162[15] : i32 from vector<16xi32>
    %reduce_sum3A_164 = arith.constant true
    %reduce_sum3A_165 = vector.broadcast %reduce_sum3A_164 : i1 to vector<16xi1>
    %reduce_sum3A_166 = tpu.scan <sum>, %scan3A_159#1 masked %reduce_sum3A_165 : vector<16xi32>, vector<16xi1> -> vector<16xi32>
    %reduce_sum3A_167 = vector.extract %reduce_sum3A_166[15] : i32 from vector<16xi32>
    %eq3A = arith.constant 0 : i32
    %eq3A_168 = vector.broadcast %eq3A : i32 to vector<16xi32>
    %eq3A_169 = arith.cmpi eq, %iota3A, %eq3A_168 : vector<16xi32>
    %eq3A_170 = arith.constant 1 : i32
    %eq3A_171 = vector.broadcast %eq3A_170 : i32 to vector<16xi32>
    %eq3A_172 = arith.cmpi eq, %iota3A, %eq3A_171 : vector<16xi32>
    %jit3A = arith.constant 0 : i32
    %broadcast_in_dim3A_173 = vector.broadcast %reduce_sum3A_167 : i32 to vector<16xi32>
    %broadcast_in_dim3A_174 = vector.broadcast %jit3A : i32 to vector<16xi32>
    %select_n3A = arith.select %eq3A_172, %broadcast_in_dim3A_173, %broadcast_in_dim3A_174 : vector<16xi1>, vector<16xi32>
    %broadcast_in_dim3A_175 = vector.broadcast %reduce_sum3A_163 : i32 to vector<16xi32>
    %select_n3A_176 = arith.select %eq3A_169, %broadcast_in_dim3A_175, %select_n3A : vector<16xi1>, vector<16xi32>
    %swap3A = arith.constant 0 : index
    %swap3A_177 = tpu.vector_load %arg12[%swap3A] {strides = array<i32>} : memref<16xi32, #tpu.memory_space<vmem>>, vector<16xi32>,
    tpu.vector_store %arg12[%swap3A], %select_n3A_176 {strides = array<i32>} : memref<16xi32, #tpu.memory_space<vmem>>, vector<16xi32>,
    %mul3A_178 = arith.constant 16 : i32
    %mul3A_179 = arith.muli %arg1, %mul3A_178 : i32
    "tpu.region"() ({
      %run_scoped3A_260 = tpu.sem_alloc : memref<!tpu.dma_semaphore, #tpu.memory_space<semaphore_mem>>
      %dma_start3A = tpu.memref_slice %arg30[%mul3A_179] : memref<256xi32, #tpu.memory_space<vmem_shared>> -> memref<16xi32, #tpu.memory_space<vmem_shared>>
      %dma_start3A_261 = tpu.memref_slice %arg30[%mul3A_179] : memref<256xi32, #tpu.memory_space<vmem_shared>> -> memref<16xi32, #tpu.memory_space<vmem_shared>>
      tpu.enqueue_dma source(%arg12 : memref<16xi32, #tpu.memory_space<vmem>>) target(%dma_start3A_261 : memref<16xi32, #tpu.memory_space<vmem_shared>>) target_semaphore(%run_scoped3A_260 : memref<!tpu.dma_semaphore, #tpu.memory_space<semaphore_mem>>)
      %dma_wait3A = tpu.memref_slice %arg30[%mul3A_179] : memref<256xi32, #tpu.memory_space<vmem_shared>> -> memref<16xi32, #tpu.memory_space<vmem_shared>>
      %dma_wait3A_262 = tpu.memref_slice %arg30[%mul3A_179] : memref<256xi32, #tpu.memory_space<vmem_shared>> -> memref<16xi32, #tpu.memory_space<vmem_shared>>
      tpu.wait_dma2 semaphore(%run_scoped3A_260 : memref<!tpu.dma_semaphore, #tpu.memory_space<semaphore_mem>>) src(%arg12 : memref<16xi32, #tpu.memory_space<vmem>>) dst(%dma_wait3A_262 : memref<16xi32, #tpu.memory_space<vmem_shared>>)
      tpu.yield
    }) : () -> ()
    %scan3A_180 = arith.constant 0 : i32
    %scan3A_181 = arith.constant 0 : i32
    %scan3A_182 = arith.constant 104 : i32
    %scan3A_183 = arith.addi %scan3A_181, %scan3A_182 : i32
    %scan3A_184 = arith.constant 1 : i32
    scf.for %scan3A_260 = %scan3A_181 to %scan3A_183 step %scan3A_184  : i32 {
      %broadcast_in_dim3A_261 = arith.constant 0.000000e+00 : f32
      %broadcast_in_dim3A_262 = vector.broadcast %broadcast_in_dim3A_261 : f32 to vector<16xf32>
      %mul3A_263 = arith.constant 16 : i32
      %mul3A_264 = arith.muli %scan3A_260, %mul3A_263 : i32
      %swap3A_265 = arith.index_cast %mul3A_264 : i32 to index
      %swap3A_266 = tpu.vector_load %arg14[%swap3A_265] {strides = array<i32>} : memref<1664xf32, #tpu.memory_space<vmem>>, vector<16xf32>,
      tpu.vector_store %arg14[%swap3A_265], %broadcast_in_dim3A_262 {strides = array<i32>} : memref<1664xf32, #tpu.memory_space<vmem>>, vector<16xf32>,
    }
    %scan3A_185 = arith.constant 104 : i32
    %scan3A_186 = arith.constant 0 : i32
    %scan3A_187 = arith.constant 0 : i32
    %scan3A_188 = arith.constant 104 : i32
    %scan3A_189 = arith.addi %scan3A_187, %scan3A_188 : i32
    %scan3A_190 = arith.constant 1 : i32
    scf.for %scan3A_260 = %scan3A_187 to %scan3A_189 step %scan3A_190  : i32 {
      %broadcast_in_dim3A_261 = arith.constant 0 : i32
      %broadcast_in_dim3A_262 = vector.broadcast %broadcast_in_dim3A_261 : i32 to vector<16xi32>
      %mul3A_263 = arith.constant 16 : i32
      %mul3A_264 = arith.muli %scan3A_260, %mul3A_263 : i32
      %swap3A_265 = arith.index_cast %mul3A_264 : i32 to index
      %swap3A_266 = tpu.vector_load %arg15[%swap3A_265] {strides = array<i32>} : memref<1664xi32, #tpu.memory_space<vmem>>, vector<16xi32>,
      tpu.vector_store %arg15[%swap3A_265], %broadcast_in_dim3A_262 {strides = array<i32>} : memref<1664xi32, #tpu.memory_space<vmem>>, vector<16xi32>,
    }
    %scan3A_191 = arith.constant 104 : i32
    %barrier3A_192 = arith.constant 0 : index
    tpu.barrier barrier_id(%barrier3A_192)
    "tpu.region"() ({
      %run_scoped3A_260 = tpu.sem_alloc : memref<!tpu.dma_semaphore, #tpu.memory_space<semaphore_mem>>
      tpu.enqueue_dma source(%arg30 : memref<256xi32, #tpu.memory_space<vmem_shared>>) target(%arg13 : memref<256xi32, #tpu.memory_space<vmem>>) target_semaphore(%run_scoped3A_260 : memref<!tpu.dma_semaphore, #tpu.memory_space<semaphore_mem>>)
      tpu.wait_dma2 semaphore(%run_scoped3A_260 : memref<!tpu.dma_semaphore, #tpu.memory_space<semaphore_mem>>) src(%arg30 : memref<256xi32, #tpu.memory_space<vmem_shared>>) dst(%arg13 : memref<256xi32, #tpu.memory_space<vmem>>)
      tpu.yield
    }) : () -> ()
    %scan3A_193 = arith.constant 0 : i32
    %scan3A_194 = arith.constant 0 : i32
    %scan3A_195 = arith.constant 0 : i32
    %scan3A_196 = arith.constant 0 : i32
    %scan3A_197 = arith.constant 16 : i32
    %scan3A_198 = arith.addi %scan3A_196, %scan3A_197 : i32
    %scan3A_199 = arith.constant 1 : i32
    %scan3A_200:3 = scf.for %scan3A_260 = %scan3A_196 to %scan3A_198 step %scan3A_199 iter_args(%scan3A_261 = %scan3A_193, %scan3A_262 = %scan3A_194, %scan3A_263 = %scan3A_195) -> (i32, i32, i32)  : i32 {
      %mul3A_264 = arith.constant 16 : i32
      %mul3A_265 = arith.muli %scan3A_260, %mul3A_264 : i32
      %broadcast_in_dim3A_266 = vector.broadcast %mul3A_265 : i32 to vector<16xi32>
      %gather3A = tpu.vector_load_idx %arg13[%broadcast_in_dim3A_266] : memref<256xi32, #tpu.memory_space<vmem>>[vector<16xi32>], vector<16xi32>,
      %slice3A = vector.extract_strided_slice %gather3A {offsets = [0], sizes = [1], strides = [1]} : vector<16xi32> to vector<1xi32>
      %squeeze3A = vector.extract %slice3A[0] : i32 from vector<1xi32>
      %add3A = arith.constant 1 : i32
      %add3A_267 = vector.broadcast %add3A : i32 to vector<16xi32>
      %add3A_268 = arith.addi %broadcast_in_dim3A_266, %add3A_267 : vector<16xi32>
      %gather3A_269 = tpu.vector_load_idx %arg13[%add3A_268] : memref<256xi32, #tpu.memory_space<vmem>>[vector<16xi32>], vector<16xi32>,
      %slice3A_270 = vector.extract_strided_slice %gather3A_269 {offsets = [0], sizes = [1], strides = [1]} : vector<16xi32> to vector<1xi32>
      %squeeze3A_271 = vector.extract %slice3A_270[0] : i32 from vector<1xi32>
      %sub3A_272 = arith.subi %sub3A_147, %scan3A_261 : i32
      %jit3A_273 = arith.constant 0 : i32
      %max3A = arith.maxsi %jit3A_273, %sub3A_272 : i32
      %min3A = arith.minsi %squeeze3A_271, %max3A : i32
      %lt3A = arith.cmpi slt, %scan3A_260, %arg1 : i32
      %add3A_274 = arith.addi %squeeze3A, %min3A : i32
      %jit3A_275 = arith.constant 0 : i32
      %select_n3A_276 = arith.select %lt3A, %add3A_274, %jit3A_275 : i32
      %add3A_277 = arith.addi %scan3A_262, %select_n3A_276 : i32
      %eq3A_278 = arith.cmpi eq, %scan3A_260, %arg1 : i32
      %select_n3A_279 = arith.select %eq3A_278, %min3A, %scan3A_263 : i32
      %add3A_280 = arith.addi %scan3A_261, %squeeze3A_271 : i32
      scf.yield %add3A_280, %add3A_277, %select_n3A_279 : i32, i32, i32
    }
    %scan3A_201 = arith.constant 16 : i32
    %scan3A_202 = arith.constant 0 : i32
    %scan3A_203 = arith.constant 0 : i32
    %scan3A_204 = arith.constant 320 : i32
    %scan3A_205 = arith.addi %scan3A_203, %scan3A_204 : i32
    %scan3A_206 = arith.constant 1 : i32
    %scan3A_207:2 = scf.for %scan3A_260 = %scan3A_203 to %scan3A_205 step %scan3A_206 iter_args(%scan3A_261 = %scan3A_202, %scan3A_262 = %scan3A_200#1) -> (i32, i32)  : i32 {
      %mul3A_263 = arith.constant 16 : i32
      %mul3A_264 = arith.muli %scan3A_260, %mul3A_263 : i32
      %get3A = arith.index_cast %mul3A_264 : i32 to index
      %get3A_265 = tpu.vector_load %arg8[%get3A] {strides = array<i32>} : memref<5120xi32, #tpu.memory_space<vmem>>, vector<16xi32>,
      %get3A_266 = arith.index_cast %mul3A_264 : i32 to index
      %get3A_267 = tpu.vector_load %arg7[%get3A_266] {strides = array<i32>} : memref<5120xf32, #tpu.memory_space<vmem>>, vector<16xf32>,
      %add3A = arith.addi %mul3A_0, %mul3A_264 : i32
      %add3A_268 = vector.broadcast %add3A : i32 to vector<16xi32>
      %add3A_269 = arith.addi %add3A_268, %iota3A : vector<16xi32>
      %gt3A = vector.broadcast %or3A_150 : i32 to vector<16xi32>
      %gt3A_270 = arith.cmpi ugt, %get3A_265, %gt3A : vector<16xi32>
      %eq3A_271 = vector.broadcast %or3A_150 : i32 to vector<16xi32>
      %eq3A_272 = arith.cmpi eq, %get3A_265, %eq3A_271 : vector<16xi32>
      %jit3A_273 = arith.constant 1 : i32
      %jit3A_274 = arith.constant 0 : i32
      %broadcast_in_dim3A_275 = vector.broadcast %jit3A_273 : i32 to vector<16xi32>
      %broadcast_in_dim3A_276 = vector.broadcast %jit3A_274 : i32 to vector<16xi32>
      %select_n3A_277 = arith.select %eq3A_272, %broadcast_in_dim3A_275, %broadcast_in_dim3A_276 : vector<16xi1>, vector<16xi32>
      %broadcast_in_dim3A_278 = arith.constant true
      %broadcast_in_dim3A_279 = vector.broadcast %broadcast_in_dim3A_278 : i1 to vector<16xi1>
      %masked_cumsum3A = tpu.scan <sum>, %select_n3A_277 masked %broadcast_in_dim3A_279 : vector<16xi32>, vector<16xi1> -> vector<16xi32>
      %add3A_280 = vector.broadcast %scan3A_261 : i32 to vector<16xi32>
      %add3A_281 = arith.addi %add3A_280, %masked_cumsum3A : vector<16xi32>
      %sub3A_282 = arith.constant 1 : i32
      %sub3A_283 = vector.broadcast %sub3A_282 : i32 to vector<16xi32>
      %sub3A_284 = arith.subi %add3A_281, %sub3A_283 : vector<16xi32>
      %lt3A = vector.broadcast %scan3A_200#2 : i32 to vector<16xi32>
      %lt3A_285 = arith.cmpi slt, %sub3A_284, %lt3A : vector<16xi32>
      %and3A = arith.andi %eq3A_272, %lt3A_285 : vector<16xi1>
      %or3A_286 = arith.ori %gt3A_270, %and3A : vector<16xi1>
      %jit3A_287 = arith.constant 1 : i32
      %jit3A_288 = arith.constant 0 : i32
      %broadcast_in_dim3A_289 = vector.broadcast %jit3A_287 : i32 to vector<16xi32>
      %broadcast_in_dim3A_290 = vector.broadcast %jit3A_288 : i32 to vector<16xi32>
      %select_n3A_291 = arith.select %or3A_286, %broadcast_in_dim3A_289, %broadcast_in_dim3A_290 : vector<16xi1>, vector<16xi32>
      %broadcast_in_dim3A_292 = arith.constant true
      %broadcast_in_dim3A_293 = vector.broadcast %broadcast_in_dim3A_292 : i1 to vector<16xi1>
      %masked_cumsum3A_294 = tpu.scan <sum>, %select_n3A_291 masked %broadcast_in_dim3A_293 : vector<16xi32>, vector<16xi1> -> vector<16xi32>
      %add3A_295 = vector.broadcast %scan3A_262 : i32 to vector<16xi32>
      %add3A_296 = arith.addi %add3A_295, %masked_cumsum3A_294 : vector<16xi32>
      %sub3A_297 = arith.constant 1 : i32
      %sub3A_298 = vector.broadcast %sub3A_297 : i32 to vector<16xi32>
      %sub3A_299 = arith.subi %add3A_296, %sub3A_298 : vector<16xi32>
      tpu.vector_store_idx %arg14[%sub3A_299], %get3A_267 masked %or3A_286 : memref<1664xf32, #tpu.memory_space<vmem>>[vector<16xi32>], vector<16xf32>, vector<16xi1>
      tpu.vector_store_idx %arg15[%sub3A_299], %add3A_269 masked %or3A_286 : memref<1664xi32, #tpu.memory_space<vmem>>[vector<16xi32>], vector<16xi32>, vector<16xi1>
      %jit3A_300 = arith.constant 1 : i32
      %jit3A_301 = arith.constant 0 : i32
      %broadcast_in_dim3A_302 = vector.broadcast %jit3A_300 : i32 to vector<16xi32>
      %broadcast_in_dim3A_303 = vector.broadcast %jit3A_301 : i32 to vector<16xi32>
      %select_n3A_304 = arith.select %eq3A_272, %broadcast_in_dim3A_302, %broadcast_in_dim3A_303 : vector<16xi1>, vector<16xi32>
      %reduce_sum3A_305 = arith.constant true
      %reduce_sum3A_306 = vector.broadcast %reduce_sum3A_305 : i1 to vector<16xi1>
      %reduce_sum3A_307 = tpu.scan <sum>, %select_n3A_304 masked %reduce_sum3A_306 : vector<16xi32>, vector<16xi1> -> vector<16xi32>
      %reduce_sum3A_308 = vector.extract %reduce_sum3A_307[15] : i32 from vector<16xi32>
      %add3A_309 = arith.addi %scan3A_261, %reduce_sum3A_308 : i32
      %reduce_sum3A_310 = arith.constant true
      %reduce_sum3A_311 = vector.broadcast %reduce_sum3A_310 : i1 to vector<16xi1>
      %reduce_sum3A_312 = tpu.scan <sum>, %select_n3A_291 masked %reduce_sum3A_311 : vector<16xi32>, vector<16xi1> -> vector<16xi32>
      %reduce_sum3A_313 = vector.extract %reduce_sum3A_312[15] : i32 from vector<16xi32>
      %add3A_314 = arith.addi %scan3A_262, %reduce_sum3A_313 : i32
      scf.yield %add3A_309, %add3A_314 : i32, i32
    }
    %scan3A_208 = arith.constant 320 : i32
    %mul3A_209 = arith.constant 1664 : i32
    %mul3A_210 = arith.muli %arg1, %mul3A_209 : i32
    "tpu.region"() ({
      %run_scoped3A_260 = tpu.sem_alloc : memref<!tpu.dma_semaphore, #tpu.memory_space<semaphore_mem>>
      %dma_start3A = tpu.memref_slice %arg31[%mul3A_210] : memref<26624xf32, #tpu.memory_space<vmem_shared>> -> memref<1664xf32, #tpu.memory_space<vmem_shared>>
      %dma_start3A_261 = tpu.memref_slice %arg31[%mul3A_210] : memref<26624xf32, #tpu.memory_space<vmem_shared>> -> memref<1664xf32, #tpu.memory_space<vmem_shared>>
      tpu.enqueue_dma source(%arg14 : memref<1664xf32, #tpu.memory_space<vmem>>) target(%dma_start3A_261 : memref<1664xf32, #tpu.memory_space<vmem_shared>>) target_semaphore(%run_scoped3A_260 : memref<!tpu.dma_semaphore, #tpu.memory_space<semaphore_mem>>)
      %dma_wait3A = tpu.memref_slice %arg31[%mul3A_210] : memref<26624xf32, #tpu.memory_space<vmem_shared>> -> memref<1664xf32, #tpu.memory_space<vmem_shared>>
      %dma_wait3A_262 = tpu.memref_slice %arg31[%mul3A_210] : memref<26624xf32, #tpu.memory_space<vmem_shared>> -> memref<1664xf32, #tpu.memory_space<vmem_shared>>
      tpu.wait_dma2 semaphore(%run_scoped3A_260 : memref<!tpu.dma_semaphore, #tpu.memory_space<semaphore_mem>>) src(%arg14 : memref<1664xf32, #tpu.memory_space<vmem>>) dst(%dma_wait3A_262 : memref<1664xf32, #tpu.memory_space<vmem_shared>>)
      tpu.yield
    }) : () -> ()
    %mul3A_211 = arith.constant 1664 : i32
    %mul3A_212 = arith.muli %arg1, %mul3A_211 : i32
    "tpu.region"() ({
      %run_scoped3A_260 = tpu.sem_alloc : memref<!tpu.dma_semaphore, #tpu.memory_space<semaphore_mem>>
      %dma_start3A = tpu.memref_slice %arg32[%mul3A_212] : memref<26624xi32, #tpu.memory_space<vmem_shared>> -> memref<1664xi32, #tpu.memory_space<vmem_shared>>
      %dma_start3A_261 = tpu.memref_slice %arg32[%mul3A_212] : memref<26624xi32, #tpu.memory_space<vmem_shared>> -> memref<1664xi32, #tpu.memory_space<vmem_shared>>
      tpu.enqueue_dma source(%arg15 : memref<1664xi32, #tpu.memory_space<vmem>>) target(%dma_start3A_261 : memref<1664xi32, #tpu.memory_space<vmem_shared>>) target_semaphore(%run_scoped3A_260 : memref<!tpu.dma_semaphore, #tpu.memory_space<semaphore_mem>>)
      %dma_wait3A = tpu.memref_slice %arg32[%mul3A_212] : memref<26624xi32, #tpu.memory_space<vmem_shared>> -> memref<1664xi32, #tpu.memory_space<vmem_shared>>
      %dma_wait3A_262 = tpu.memref_slice %arg32[%mul3A_212] : memref<26624xi32, #tpu.memory_space<vmem_shared>> -> memref<1664xi32, #tpu.memory_space<vmem_shared>>
      tpu.wait_dma2 semaphore(%run_scoped3A_260 : memref<!tpu.dma_semaphore, #tpu.memory_space<semaphore_mem>>) src(%arg15 : memref<1664xi32, #tpu.memory_space<vmem>>) dst(%dma_wait3A_262 : memref<1664xi32, #tpu.memory_space<vmem_shared>>)
      tpu.yield
    }) : () -> ()
    %barrier3A_213 = arith.constant 0 : index
    tpu.barrier barrier_id(%barrier3A_213)
    "tpu.region"() ({
      %run_scoped3A_260 = tpu.sem_alloc : memref<!tpu.dma_semaphore, #tpu.memory_space<semaphore_mem>>
      tpu.enqueue_dma source(%arg31 : memref<26624xf32, #tpu.memory_space<vmem_shared>>) target(%arg20 : memref<26624xf32, #tpu.memory_space<vmem>>) target_semaphore(%run_scoped3A_260 : memref<!tpu.dma_semaphore, #tpu.memory_space<semaphore_mem>>)
      tpu.wait_dma2 semaphore(%run_scoped3A_260 : memref<!tpu.dma_semaphore, #tpu.memory_space<semaphore_mem>>) src(%arg31 : memref<26624xf32, #tpu.memory_space<vmem_shared>>) dst(%arg20 : memref<26624xf32, #tpu.memory_space<vmem>>)
      tpu.yield
    }) : () -> ()
    "tpu.region"() ({
      %run_scoped3A_260 = tpu.sem_alloc : memref<!tpu.dma_semaphore, #tpu.memory_space<semaphore_mem>>
      tpu.enqueue_dma source(%arg32 : memref<26624xi32, #tpu.memory_space<vmem_shared>>) target(%arg21 : memref<26624xi32, #tpu.memory_space<vmem>>) target_semaphore(%run_scoped3A_260 : memref<!tpu.dma_semaphore, #tpu.memory_space<semaphore_mem>>)
      tpu.wait_dma2 semaphore(%run_scoped3A_260 : memref<!tpu.dma_semaphore, #tpu.memory_space<semaphore_mem>>) src(%arg32 : memref<26624xi32, #tpu.memory_space<vmem_shared>>) dst(%arg21 : memref<26624xi32, #tpu.memory_space<vmem>>)
      tpu.yield
    }) : () -> ()
    %scan3A_214 = arith.constant 0 : i32
    %scan3A_215 = arith.constant 0 : i32
    %scan3A_216 = arith.constant 104 : i32
    %scan3A_217 = arith.addi %scan3A_215, %scan3A_216 : i32
    %scan3A_218 = arith.constant 1 : i32
    scf.for %scan3A_260 = %scan3A_215 to %scan3A_217 step %scan3A_218  : i32 {
      %broadcast_in_dim3A_261 = arith.constant 0.000000e+00 : f32
      %broadcast_in_dim3A_262 = vector.broadcast %broadcast_in_dim3A_261 : f32 to vector<16xf32>
      %broadcast_in_dim3A_263 = arith.constant 0 : i32
      %broadcast_in_dim3A_264 = vector.broadcast %broadcast_in_dim3A_263 : i32 to vector<16xi32>
      %scan3A_265 = arith.constant 0 : i32
      %scan3A_266 = arith.constant 16 : i32
      %scan3A_267 = arith.addi %scan3A_265, %scan3A_266 : i32
      %scan3A_268 = arith.constant 1 : i32
      %scan3A_269:2 = scf.for %scan3A_279 = %scan3A_265 to %scan3A_267 step %scan3A_268 iter_args(%scan3A_280 = %broadcast_in_dim3A_262, %scan3A_281 = %broadcast_in_dim3A_264) -> (vector<16xf32>, vector<16xi32>)  : i32 {
        %mul3A_282 = arith.constant 1664 : i32
        %mul3A_283 = arith.muli %scan3A_279, %mul3A_282 : i32
        %mul3A_284 = arith.constant 16 : i32
        %mul3A_285 = arith.muli %scan3A_260, %mul3A_284 : i32
        %add3A = arith.addi %mul3A_283, %mul3A_285 : i32
        %get3A = arith.index_cast %add3A : i32 to index
        %get3A_286 = tpu.vector_load %arg20[%get3A] {strides = array<i32>} : memref<26624xf32, #tpu.memory_space<vmem>>, vector<16xf32>,
        %add3A_287 = arith.addf %scan3A_280, %get3A_286 : vector<16xf32>
        %get3A_288 = arith.index_cast %add3A : i32 to index
        %get3A_289 = tpu.vector_load %arg21[%get3A_288] {strides = array<i32>} : memref<26624xi32, #tpu.memory_space<vmem>>, vector<16xi32>,
        %add3A_290 = arith.addi %scan3A_281, %get3A_289 : vector<16xi32>
        scf.yield %add3A_287, %add3A_290 : vector<16xf32>, vector<16xi32>
      }
      %scan3A_270 = arith.constant 16 : i32
      %mul3A_271 = arith.constant 16 : i32
      %mul3A_272 = arith.muli %scan3A_260, %mul3A_271 : i32
      %swap3A_273 = arith.index_cast %mul3A_272 : i32 to index
      %swap3A_274 = tpu.vector_load %arg16[%swap3A_273] {strides = array<i32>} : memref<1664xf32, #tpu.memory_space<vmem>>, vector<16xf32>,
      tpu.vector_store %arg16[%swap3A_273], %scan3A_269#0 {strides = array<i32>} : memref<1664xf32, #tpu.memory_space<vmem>>, vector<16xf32>,
      %mul3A_275 = arith.constant 16 : i32
      %mul3A_276 = arith.muli %scan3A_260, %mul3A_275 : i32
      %swap3A_277 = arith.index_cast %mul3A_276 : i32 to index
      %swap3A_278 = tpu.vector_load %arg17[%swap3A_277] {strides = array<i32>} : memref<1664xi32, #tpu.memory_space<vmem>>, vector<16xi32>,
      tpu.vector_store %arg17[%swap3A_277], %scan3A_269#1 {strides = array<i32>} : memref<1664xi32, #tpu.memory_space<vmem>>, vector<16xi32>,
    }
    %scan3A_219 = arith.constant 104 : i32
    %scan3A_220 = arith.constant 0 : i32
    %scan3A_221 = arith.constant 0 : i32
    %scan3A_222 = arith.constant 104 : i32
    %scan3A_223 = arith.addi %scan3A_221, %scan3A_222 : i32
    %scan3A_224 = arith.constant 1 : i32
    scf.for %scan3A_260 = %scan3A_221 to %scan3A_223 step %scan3A_224  : i32 {
      %mul3A_261 = arith.constant 16 : i32
      %mul3A_262 = arith.muli %scan3A_260, %mul3A_261 : i32
      %get3A = arith.index_cast %mul3A_262 : i32 to index
      %get3A_263 = tpu.vector_load %arg17[%get3A] {strides = array<i32>} : memref<1664xi32, #tpu.memory_space<vmem>>, vector<16xi32>,
      %convert_element_type3A_264 = arith.sitofp %get3A_263 : vector<16xi32> to vector<16xf32>
      %mul3A_265 = arith.constant 5.000000e-02 : f32
      %mul3A_266 = vector.broadcast %mul3A_265 : f32 to vector<16xf32>
      %mul3A_267 = arith.mulf %convert_element_type3A_264, %mul3A_266 : vector<16xf32>
      %convert_element_type3A_268 = arith.fptosi %mul3A_267 : vector<16xf32> to vector<16xi32>
      %mul3A_269 = arith.constant 20 : i32
      %mul3A_270 = vector.broadcast %mul3A_269 : i32 to vector<16xi32>
      %mul3A_271 = arith.muli %convert_element_type3A_268, %mul3A_270 : vector<16xi32>
      %sub3A_272 = arith.subi %get3A_263, %mul3A_271 : vector<16xi32>
      %add3A = arith.addi %convert_element_type3A_268, %sub3A_272 : vector<16xi32>
      %mul3A_273 = arith.constant 16 : i32
      %mul3A_274 = arith.muli %scan3A_260, %mul3A_273 : i32
      %add3A_275 = vector.broadcast %mul3A_274 : i32 to vector<16xi32>
      %add3A_276 = arith.addi %add3A_275, %iota3A : vector<16xi32>
      %convert_element_type3A_277 = arith.sitofp %convert_element_type3A_268 : vector<16xi32> to vector<16xf32>
      %convert_element_type3A_278 = arith.sitofp %add3A : vector<16xi32> to vector<16xf32>
      %mul3A_279 = arith.constant 9.99999974E-6 : f32
      %mul3A_280 = vector.broadcast %mul3A_279 : f32 to vector<16xf32>
      %mul3A_281 = arith.mulf %mul3A_280, %convert_element_type3A_278 : vector<16xf32>
      %add3A_282 = arith.addf %convert_element_type3A_277, %mul3A_281 : vector<16xf32>
      %lt3A = arith.constant 1638 : i32
      %lt3A_283 = vector.broadcast %lt3A : i32 to vector<16xi32>
      %lt3A_284 = arith.cmpi slt, %add3A_276, %lt3A_283 : vector<16xi32>
      %jit3A_285 = arith.constant 0x7F800000 : f32
      %broadcast_in_dim3A_286 = vector.broadcast %jit3A_285 : f32 to vector<16xf32>
      %select_n3A_287 = arith.select %lt3A_284, %add3A_282, %broadcast_in_dim3A_286 : vector<16xi1>, vector<16xf32>
      %swap3A_288 = arith.index_cast %mul3A_262 : i32 to index
      %swap3A_289 = tpu.vector_load %arg22[%swap3A_288] {strides = array<i32>} : memref<1664xf32, #tpu.memory_space<vmem>>, vector<16xf32>,
      tpu.vector_store %arg22[%swap3A_288], %select_n3A_287 {strides = array<i32>} : memref<1664xf32, #tpu.memory_space<vmem>>, vector<16xf32>,
      %get3A_290 = arith.index_cast %mul3A_262 : i32 to index
      %get3A_291 = tpu.vector_load %arg16[%get3A_290] {strides = array<i32>} : memref<1664xf32, #tpu.memory_space<vmem>>, vector<16xf32>,
      %bitcast3A = vector.bitcast %get3A_291 : vector<16xf32> to vector<16xi32>
      %shift_right_logical3A = arith.constant 31 : i32
      %shift_right_logical3A_292 = vector.broadcast %shift_right_logical3A : i32 to vector<16xi32>
      %shift_right_logical3A_293 = arith.shrui %bitcast3A, %shift_right_logical3A_292 : vector<16xi32>
      %eq3A_294 = arith.constant 1 : i32
      %eq3A_295 = vector.broadcast %eq3A_294 : i32 to vector<16xi32>
      %eq3A_296 = arith.cmpi eq, %shift_right_logical3A_293, %eq3A_295 : vector<16xi32>
      %jit3A_297 = arith.constant -1 : i32
      %jit3A_298 = arith.constant -2147483648 : i32
      %broadcast_in_dim3A_299 = vector.broadcast %jit3A_297 : i32 to vector<16xi32>
      %broadcast_in_dim3A_300 = vector.broadcast %jit3A_298 : i32 to vector<16xi32>
      %select_n3A_301 = arith.select %eq3A_296, %broadcast_in_dim3A_299, %broadcast_in_dim3A_300 : vector<16xi1>, vector<16xi32>
      %xor3A = arith.xori %bitcast3A, %select_n3A_301 : vector<16xi32>
      %xor3A_302 = arith.constant -2147483648 : i32
      %xor3A_303 = vector.broadcast %xor3A_302 : i32 to vector<16xi32>
      %xor3A_304 = arith.xori %xor3A, %xor3A_303 : vector<16xi32>
      %bitcast3A_305 = vector.bitcast %xor3A_304 : vector<16xi32> to vector<16xi32>
      %swap3A_306 = arith.index_cast %mul3A_262 : i32 to index
      %swap3A_307 = tpu.vector_load %arg23[%swap3A_306] {strides = array<i32>} : memref<1664xi32, #tpu.memory_space<vmem>>, vector<16xi32>,
      tpu.vector_store %arg23[%swap3A_306], %bitcast3A_305 {strides = array<i32>} : memref<1664xi32, #tpu.memory_space<vmem>>, vector<16xi32>,
      %swap3A_308 = arith.index_cast %mul3A_262 : i32 to index
      %swap3A_309 = tpu.vector_load %arg24[%swap3A_308] {strides = array<i32>} : memref<1664xi32, #tpu.memory_space<vmem>>, vector<16xi32>,
      tpu.vector_store %arg24[%swap3A_308], %convert_element_type3A_268 {strides = array<i32>} : memref<1664xi32, #tpu.memory_space<vmem>>, vector<16xi32>,
      %swap3A_310 = arith.index_cast %mul3A_262 : i32 to index
      %swap3A_311 = tpu.vector_load %arg25[%swap3A_310] {strides = array<i32>} : memref<1664xi32, #tpu.memory_space<vmem>>, vector<16xi32>,
      tpu.vector_store %arg25[%swap3A_310], %add3A {strides = array<i32>} : memref<1664xi32, #tpu.memory_space<vmem>>, vector<16xi32>,
    }
    %scan3A_225 = arith.constant 104 : i32
    %scan3A_226 = arith.constant 0 : i32
    %scan3A_227 = arith.constant 0 : i32
    %scan3A_228 = arith.constant 104 : i32
    %scan3A_229 = arith.addi %scan3A_227, %scan3A_228 : i32
    %scan3A_230 = arith.constant 1 : i32
    scf.for %scan3A_260 = %scan3A_227 to %scan3A_229 step %scan3A_230  : i32 {
      %broadcast_in_dim3A_261 = arith.constant 0 : i32
      %broadcast_in_dim3A_262 = vector.broadcast %broadcast_in_dim3A_261 : i32 to vector<16xi32>
      %mul3A_263 = arith.constant 16 : i32
      %mul3A_264 = arith.muli %scan3A_260, %mul3A_263 : i32
      %swap3A_265 = arith.index_cast %mul3A_264 : i32 to index
      %swap3A_266 = tpu.vector_load %arg26[%swap3A_265] {strides = array<i32>} : memref<1664xi32, #tpu.memory_space<vmem>>, vector<16xi32>,
      tpu.vector_store %arg26[%swap3A_265], %broadcast_in_dim3A_262 {strides = array<i32>} : memref<1664xi32, #tpu.memory_space<vmem>>, vector<16xi32>,
    }
    %scan3A_231 = arith.constant 104 : i32
    %scan3A_232 = arith.constant 0 : i32
    %scan3A_233 = arith.constant 0 : i32
    %scan3A_234 = arith.constant 104 : i32
    %scan3A_235 = arith.addi %scan3A_233, %scan3A_234 : i32
    %scan3A_236 = arith.constant 1 : i32
    scf.for %scan3A_260 = %scan3A_233 to %scan3A_235 step %scan3A_236  : i32 {
      %broadcast_in_dim3A_261 = arith.constant 0 : i32
      %broadcast_in_dim3A_262 = vector.broadcast %broadcast_in_dim3A_261 : i32 to vector<16xi32>
      %mul3A_263 = arith.constant 16 : i32
      %mul3A_264 = arith.muli %scan3A_260, %mul3A_263 : i32
      %swap3A_265 = arith.index_cast %mul3A_264 : i32 to index
      %swap3A_266 = tpu.vector_load %arg27[%swap3A_265] {strides = array<i32>} : memref<1664xi32, #tpu.memory_space<vmem>>, vector<16xi32>,
      tpu.vector_store %arg27[%swap3A_265], %broadcast_in_dim3A_262 {strides = array<i32>} : memref<1664xi32, #tpu.memory_space<vmem>>, vector<16xi32>,
    }
    %scan3A_237 = arith.constant 104 : i32
    %scan3A_238 = arith.constant 0 : i32
    %scan3A_239 = arith.constant 0 : i32
    %scan3A_240 = arith.constant 104 : i32
    %scan3A_241 = arith.addi %scan3A_239, %scan3A_240 : i32
    %scan3A_242 = arith.constant 1 : i32
    scf.for %scan3A_260 = %scan3A_239 to %scan3A_241 step %scan3A_242  : i32 {
      %broadcast_in_dim3A_261 = arith.constant 0.000000e+00 : f32
      %broadcast_in_dim3A_262 = vector.broadcast %broadcast_in_dim3A_261 : f32 to vector<16xf32>
      %mul3A_263 = arith.constant 16 : i32
      %mul3A_264 = arith.muli %scan3A_260, %mul3A_263 : i32
      %swap3A_265 = arith.index_cast %mul3A_264 : i32 to index
      %swap3A_266 = tpu.vector_load %arg28[%swap3A_265] {strides = array<i32>} : memref<1664xf32, #tpu.memory_space<vmem>>, vector<16xf32>,
      tpu.vector_store %arg28[%swap3A_265], %broadcast_in_dim3A_262 {strides = array<i32>} : memref<1664xf32, #tpu.memory_space<vmem>>, vector<16xf32>,
    }
    %scan3A_243 = arith.constant 104 : i32
    %scan3A_244 = arith.constant 0 : i32
    %scan3A_245 = arith.constant 0 : i32
    %scan3A_246 = arith.constant 104 : i32
    %scan3A_247 = arith.addi %scan3A_245, %scan3A_246 : i32
    %scan3A_248 = arith.constant 1 : i32
    scf.for %scan3A_260 = %scan3A_245 to %scan3A_247 step %scan3A_248  : i32 {
      %mul3A_261 = arith.constant 104 : i32
      %mul3A_262 = arith.muli %arg1, %mul3A_261 : i32
      %add3A = arith.addi %mul3A_262, %scan3A_260 : i32
      %broadcast_in_dim3A_263 = vector.broadcast %add3A : i32 to vector<16xi32>
      %gather3A = tpu.vector_load_idx %arg22[%broadcast_in_dim3A_263] : memref<1664xf32, #tpu.memory_space<vmem>>[vector<16xi32>], vector<16xf32>,
      %gather3A_264 = tpu.vector_load_idx %arg23[%broadcast_in_dim3A_263] : memref<1664xi32, #tpu.memory_space<vmem>>[vector<16xi32>], vector<16xi32>,
      %gather3A_265 = tpu.vector_load_idx %arg17[%broadcast_in_dim3A_263] : memref<1664xi32, #tpu.memory_space<vmem>>[vector<16xi32>], vector<16xi32>,
      %broadcast_in_dim3A_266 = arith.constant 0 : i32
      %broadcast_in_dim3A_267 = vector.broadcast %broadcast_in_dim3A_266 : i32 to vector<16xi32>
      %scan3A_268 = arith.constant 0 : i32
      %scan3A_269 = arith.constant 104 : i32
      %scan3A_270 = arith.addi %scan3A_268, %scan3A_269 : i32
      %scan3A_271 = arith.constant 1 : i32
      %scan3A_272 = scf.for %scan3A_287 = %scan3A_268 to %scan3A_270 step %scan3A_271 iter_args(%scan3A_288 = %broadcast_in_dim3A_267) -> (vector<16xi32>)  : i32 {
        %mul3A_289 = arith.constant 16 : i32
        %mul3A_290 = arith.muli %scan3A_287, %mul3A_289 : i32
        %get3A = arith.index_cast %mul3A_290 : i32 to index
        %get3A_291 = tpu.vector_load %arg22[%get3A] {strides = array<i32>} : memref<1664xf32, #tpu.memory_space<vmem>>, vector<16xf32>,
        %get3A_292 = arith.index_cast %mul3A_290 : i32 to index
        %get3A_293 = tpu.vector_load %arg23[%get3A_292] {strides = array<i32>} : memref<1664xi32, #tpu.memory_space<vmem>>, vector<16xi32>,
        %get3A_294 = arith.index_cast %mul3A_290 : i32 to index
        %get3A_295 = tpu.vector_load %arg17[%get3A_294] {strides = array<i32>} : memref<1664xi32, #tpu.memory_space<vmem>>, vector<16xi32>,
        %lt3A_296 = arith.cmpf olt, %get3A_291, %gather3A : vector<16xf32>
        %eq3A_297 = arith.cmpf oeq, %get3A_291, %gather3A : vector<16xf32>
        %gt3A = arith.cmpi sgt, %get3A_293, %gather3A_264 : vector<16xi32>
        %eq3A_298 = arith.cmpi eq, %get3A_293, %gather3A_264 : vector<16xi32>
        %lt3A_299 = arith.cmpi slt, %get3A_295, %gather3A_265 : vector<16xi32>
        %and3A_300 = arith.andi %eq3A_298, %lt3A_299 : vector<16xi1>
        %or3A_301 = arith.ori %gt3A, %and3A_300 : vector<16xi1>
        %and3A_302 = arith.andi %eq3A_297, %or3A_301 : vector<16xi1>
        %or3A_303 = arith.ori %lt3A_296, %and3A_302 : vector<16xi1>
        %jit3A_304 = arith.constant 1 : i32
        %jit3A_305 = arith.constant 0 : i32
        %broadcast_in_dim3A_306 = vector.broadcast %jit3A_304 : i32 to vector<16xi32>
        %broadcast_in_dim3A_307 = vector.broadcast %jit3A_305 : i32 to vector<16xi32>
        %select_n3A_308 = arith.select %or3A_303, %broadcast_in_dim3A_306, %broadcast_in_dim3A_307 : vector<16xi1>, vector<16xi32>
        %add3A_309 = arith.addi %scan3A_288, %select_n3A_308 : vector<16xi32>
        scf.yield %add3A_309 : vector<16xi32>
      }
      %scan3A_273 = arith.constant 104 : i32
      %reduce_sum3A_274 = arith.constant true
      %reduce_sum3A_275 = vector.broadcast %reduce_sum3A_274 : i1 to vector<16xi1>
      %reduce_sum3A_276 = tpu.scan <sum>, %scan3A_272 masked %reduce_sum3A_275 : vector<16xi32>, vector<16xi1> -> vector<16xi32>
      %reduce_sum3A_277 = vector.extract %reduce_sum3A_276[15] : i32 from vector<16xi32>
      %eq3A_278 = arith.constant 0 : i32
      %eq3A_279 = vector.broadcast %eq3A_278 : i32 to vector<16xi32>
      %eq3A_280 = arith.cmpi eq, %iota3A, %eq3A_279 : vector<16xi32>
      %lt3A = arith.constant 1638 : i32
      %lt3A_281 = arith.cmpi slt, %add3A, %lt3A : i32
      %and3A = vector.broadcast %lt3A_281 : i1 to vector<16xi1>
      %and3A_282 = arith.andi %eq3A_280, %and3A : vector<16xi1>
      %broadcast_in_dim3A_283 = vector.broadcast %reduce_sum3A_277 : i32 to vector<16xi32>
      %gather3A_284 = tpu.vector_load_idx %arg24[%broadcast_in_dim3A_263] : memref<1664xi32, #tpu.memory_space<vmem>>[vector<16xi32>], vector<16xi32>,
      tpu.vector_store_idx %arg26[%broadcast_in_dim3A_283], %gather3A_284 masked %and3A_282 : memref<1664xi32, #tpu.memory_space<vmem>>[vector<16xi32>], vector<16xi32>, vector<16xi1>
      %gather3A_285 = tpu.vector_load_idx %arg25[%broadcast_in_dim3A_263] : memref<1664xi32, #tpu.memory_space<vmem>>[vector<16xi32>], vector<16xi32>,
      tpu.vector_store_idx %arg27[%broadcast_in_dim3A_283], %gather3A_285 masked %and3A_282 : memref<1664xi32, #tpu.memory_space<vmem>>[vector<16xi32>], vector<16xi32>, vector<16xi1>
      %gather3A_286 = tpu.vector_load_idx %arg16[%broadcast_in_dim3A_263] : memref<1664xf32, #tpu.memory_space<vmem>>[vector<16xi32>], vector<16xf32>,
      tpu.vector_store_idx %arg28[%broadcast_in_dim3A_283], %gather3A_286 masked %and3A_282 : memref<1664xf32, #tpu.memory_space<vmem>>[vector<16xi32>], vector<16xf32>, vector<16xi1>
    }
    %scan3A_249 = arith.constant 104 : i32
    %mul3A_250 = arith.constant 1664 : i32
    %mul3A_251 = arith.muli %arg1, %mul3A_250 : i32
    "tpu.region"() ({
      %run_scoped3A_260 = tpu.sem_alloc : memref<!tpu.dma_semaphore, #tpu.memory_space<semaphore_mem>>
      %dma_start3A = tpu.memref_slice %arg33[%mul3A_251] : memref<26624xi32, #tpu.memory_space<vmem_shared>> -> memref<1664xi32, #tpu.memory_space<vmem_shared>>
      %dma_start3A_261 = tpu.memref_slice %arg33[%mul3A_251] : memref<26624xi32, #tpu.memory_space<vmem_shared>> -> memref<1664xi32, #tpu.memory_space<vmem_shared>>
      tpu.enqueue_dma source(%arg26 : memref<1664xi32, #tpu.memory_space<vmem>>) target(%dma_start3A_261 : memref<1664xi32, #tpu.memory_space<vmem_shared>>) target_semaphore(%run_scoped3A_260 : memref<!tpu.dma_semaphore, #tpu.memory_space<semaphore_mem>>)
      %dma_wait3A = tpu.memref_slice %arg33[%mul3A_251] : memref<26624xi32, #tpu.memory_space<vmem_shared>> -> memref<1664xi32, #tpu.memory_space<vmem_shared>>
      %dma_wait3A_262 = tpu.memref_slice %arg33[%mul3A_251] : memref<26624xi32, #tpu.memory_space<vmem_shared>> -> memref<1664xi32, #tpu.memory_space<vmem_shared>>
      tpu.wait_dma2 semaphore(%run_scoped3A_260 : memref<!tpu.dma_semaphore, #tpu.memory_space<semaphore_mem>>) src(%arg26 : memref<1664xi32, #tpu.memory_space<vmem>>) dst(%dma_wait3A_262 : memref<1664xi32, #tpu.memory_space<vmem_shared>>)
      tpu.yield
    }) : () -> ()
    %mul3A_252 = arith.constant 1664 : i32
    %mul3A_253 = arith.muli %arg1, %mul3A_252 : i32
    "tpu.region"() ({
      %run_scoped3A_260 = tpu.sem_alloc : memref<!tpu.dma_semaphore, #tpu.memory_space<semaphore_mem>>
      %dma_start3A = tpu.memref_slice %arg34[%mul3A_253] : memref<26624xi32, #tpu.memory_space<vmem_shared>> -> memref<1664xi32, #tpu.memory_space<vmem_shared>>
      %dma_start3A_261 = tpu.memref_slice %arg34[%mul3A_253] : memref<26624xi32, #tpu.memory_space<vmem_shared>> -> memref<1664xi32, #tpu.memory_space<vmem_shared>>
      tpu.enqueue_dma source(%arg27 : memref<1664xi32, #tpu.memory_space<vmem>>) target(%dma_start3A_261 : memref<1664xi32, #tpu.memory_space<vmem_shared>>) target_semaphore(%run_scoped3A_260 : memref<!tpu.dma_semaphore, #tpu.memory_space<semaphore_mem>>)
      %dma_wait3A = tpu.memref_slice %arg34[%mul3A_253] : memref<26624xi32, #tpu.memory_space<vmem_shared>> -> memref<1664xi32, #tpu.memory_space<vmem_shared>>
      %dma_wait3A_262 = tpu.memref_slice %arg34[%mul3A_253] : memref<26624xi32, #tpu.memory_space<vmem_shared>> -> memref<1664xi32, #tpu.memory_space<vmem_shared>>
      tpu.wait_dma2 semaphore(%run_scoped3A_260 : memref<!tpu.dma_semaphore, #tpu.memory_space<semaphore_mem>>) src(%arg27 : memref<1664xi32, #tpu.memory_space<vmem>>) dst(%dma_wait3A_262 : memref<1664xi32, #tpu.memory_space<vmem_shared>>)
      tpu.yield
    }) : () -> ()
    %mul3A_254 = arith.constant 1664 : i32
    %mul3A_255 = arith.muli %arg1, %mul3A_254 : i32
    "tpu.region"() ({
      %run_scoped3A_260 = tpu.sem_alloc : memref<!tpu.dma_semaphore, #tpu.memory_space<semaphore_mem>>
      %dma_start3A = tpu.memref_slice %arg35[%mul3A_255] : memref<26624xf32, #tpu.memory_space<vmem_shared>> -> memref<1664xf32, #tpu.memory_space<vmem_shared>>
      %dma_start3A_261 = tpu.memref_slice %arg35[%mul3A_255] : memref<26624xf32, #tpu.memory_space<vmem_shared>> -> memref<1664xf32, #tpu.memory_space<vmem_shared>>
      tpu.enqueue_dma source(%arg28 : memref<1664xf32, #tpu.memory_space<vmem>>) target(%dma_start3A_261 : memref<1664xf32, #tpu.memory_space<vmem_shared>>) target_semaphore(%run_scoped3A_260 : memref<!tpu.dma_semaphore, #tpu.memory_space<semaphore_mem>>)
      %dma_wait3A = tpu.memref_slice %arg35[%mul3A_255] : memref<26624xf32, #tpu.memory_space<vmem_shared>> -> memref<1664xf32, #tpu.memory_space<vmem_shared>>
      %dma_wait3A_262 = tpu.memref_slice %arg35[%mul3A_255] : memref<26624xf32, #tpu.memory_space<vmem_shared>> -> memref<1664xf32, #tpu.memory_space<vmem_shared>>
      tpu.wait_dma2 semaphore(%run_scoped3A_260 : memref<!tpu.dma_semaphore, #tpu.memory_space<semaphore_mem>>) src(%arg28 : memref<1664xf32, #tpu.memory_space<vmem>>) dst(%dma_wait3A_262 : memref<1664xf32, #tpu.memory_space<vmem_shared>>)
      tpu.yield
    }) : () -> ()
    %barrier3A_256 = arith.constant 0 : index
    tpu.barrier barrier_id(%barrier3A_256)
    %eq3A_257 = arith.constant 0 : i32
    %eq3A_258 = arith.cmpi eq, %arg1, %eq3A_257 : i32
    %convert_element_type3A = arith.extui %eq3A_258 : i1 to i32
    %cond3A = arith.constant 0 : i32
    %cond3A_259 = arith.cmpi ne, %convert_element_type3A, %cond3A : i32
    scf.if %cond3A_259 {
      "tpu.region"() ({
        %run_scoped3A_278 = tpu.sem_alloc : memref<!tpu.dma_semaphore, #tpu.memory_space<semaphore_mem>>
        tpu.enqueue_dma source(%arg33 : memref<26624xi32, #tpu.memory_space<vmem_shared>>) target(%arg21 : memref<26624xi32, #tpu.memory_space<vmem>>) target_semaphore(%run_scoped3A_278 : memref<!tpu.dma_semaphore, #tpu.memory_space<semaphore_mem>>)
        tpu.wait_dma2 semaphore(%run_scoped3A_278 : memref<!tpu.dma_semaphore, #tpu.memory_space<semaphore_mem>>) src(%arg33 : memref<26624xi32, #tpu.memory_space<vmem_shared>>) dst(%arg21 : memref<26624xi32, #tpu.memory_space<vmem>>)
        tpu.yield
      }) : () -> ()
      %scan3A_260 = arith.constant 0 : i32
      %scan3A_261 = arith.constant 0 : i32
      %scan3A_262 = arith.constant 104 : i32
      %scan3A_263 = arith.addi %scan3A_261, %scan3A_262 : i32
      %scan3A_264 = arith.constant 1 : i32
      scf.for %scan3A_278 = %scan3A_261 to %scan3A_263 step %scan3A_264  : i32 {
        %broadcast_in_dim3A_279 = arith.constant 0 : i32
        %broadcast_in_dim3A_280 = vector.broadcast %broadcast_in_dim3A_279 : i32 to vector<16xi32>
        %scan3A_281 = arith.constant 0 : i32
        %scan3A_282 = arith.constant 16 : i32
        %scan3A_283 = arith.addi %scan3A_281, %scan3A_282 : i32
        %scan3A_284 = arith.constant 1 : i32
        %scan3A_285 = scf.for %scan3A_291 = %scan3A_281 to %scan3A_283 step %scan3A_284 iter_args(%scan3A_292 = %broadcast_in_dim3A_280) -> (vector<16xi32>)  : i32 {
          %mul3A_293 = arith.constant 1664 : i32
          %mul3A_294 = arith.muli %scan3A_291, %mul3A_293 : i32
          %mul3A_295 = arith.constant 16 : i32
          %mul3A_296 = arith.muli %scan3A_278, %mul3A_295 : i32
          %add3A = arith.addi %mul3A_294, %mul3A_296 : i32
          %get3A = arith.index_cast %add3A : i32 to index
          %get3A_297 = tpu.vector_load %arg21[%get3A] {strides = array<i32>} : memref<26624xi32, #tpu.memory_space<vmem>>, vector<16xi32>,
          %add3A_298 = arith.addi %scan3A_292, %get3A_297 : vector<16xi32>
          scf.yield %add3A_298 : vector<16xi32>
        }
        %scan3A_286 = arith.constant 16 : i32
        %mul3A_287 = arith.constant 16 : i32
        %mul3A_288 = arith.muli %scan3A_278, %mul3A_287 : i32
        %swap3A_289 = arith.index_cast %mul3A_288 : i32 to index
        %swap3A_290 = tpu.vector_load %arg24[%swap3A_289] {strides = array<i32>} : memref<1664xi32, #tpu.memory_space<vmem>>, vector<16xi32>,
        tpu.vector_store %arg24[%swap3A_289], %scan3A_285 {strides = array<i32>} : memref<1664xi32, #tpu.memory_space<vmem>>, vector<16xi32>,
      }
      %scan3A_265 = arith.constant 104 : i32
      "tpu.region"() ({
        %run_scoped3A_278 = tpu.sem_alloc : memref<!tpu.dma_semaphore, #tpu.memory_space<semaphore_mem>>
        tpu.enqueue_dma source(%arg24 : memref<1664xi32, #tpu.memory_space<vmem>>) target(%arg4 : memref<1664xi32, #tpu.memory_space<hbm>>) target_semaphore(%run_scoped3A_278 : memref<!tpu.dma_semaphore, #tpu.memory_space<semaphore_mem>>)
        tpu.wait_dma2 semaphore(%run_scoped3A_278 : memref<!tpu.dma_semaphore, #tpu.memory_space<semaphore_mem>>) src(%arg24 : memref<1664xi32, #tpu.memory_space<vmem>>) dst(%arg4 : memref<1664xi32, #tpu.memory_space<hbm>>)
        tpu.yield
      }) : () -> ()
      "tpu.region"() ({
        %run_scoped3A_278 = tpu.sem_alloc : memref<!tpu.dma_semaphore, #tpu.memory_space<semaphore_mem>>
        tpu.enqueue_dma source(%arg34 : memref<26624xi32, #tpu.memory_space<vmem_shared>>) target(%arg21 : memref<26624xi32, #tpu.memory_space<vmem>>) target_semaphore(%run_scoped3A_278 : memref<!tpu.dma_semaphore, #tpu.memory_space<semaphore_mem>>)
        tpu.wait_dma2 semaphore(%run_scoped3A_278 : memref<!tpu.dma_semaphore, #tpu.memory_space<semaphore_mem>>) src(%arg34 : memref<26624xi32, #tpu.memory_space<vmem_shared>>) dst(%arg21 : memref<26624xi32, #tpu.memory_space<vmem>>)
        tpu.yield
      }) : () -> ()
      %scan3A_266 = arith.constant 0 : i32
      %scan3A_267 = arith.constant 0 : i32
      %scan3A_268 = arith.constant 104 : i32
      %scan3A_269 = arith.addi %scan3A_267, %scan3A_268 : i32
      %scan3A_270 = arith.constant 1 : i32
      scf.for %scan3A_278 = %scan3A_267 to %scan3A_269 step %scan3A_270  : i32 {
        %broadcast_in_dim3A_279 = arith.constant 0 : i32
        %broadcast_in_dim3A_280 = vector.broadcast %broadcast_in_dim3A_279 : i32 to vector<16xi32>
        %scan3A_281 = arith.constant 0 : i32
        %scan3A_282 = arith.constant 16 : i32
        %scan3A_283 = arith.addi %scan3A_281, %scan3A_282 : i32
        %scan3A_284 = arith.constant 1 : i32
        %scan3A_285 = scf.for %scan3A_291 = %scan3A_281 to %scan3A_283 step %scan3A_284 iter_args(%scan3A_292 = %broadcast_in_dim3A_280) -> (vector<16xi32>)  : i32 {
          %mul3A_293 = arith.constant 1664 : i32
          %mul3A_294 = arith.muli %scan3A_291, %mul3A_293 : i32
          %mul3A_295 = arith.constant 16 : i32
          %mul3A_296 = arith.muli %scan3A_278, %mul3A_295 : i32
          %add3A = arith.addi %mul3A_294, %mul3A_296 : i32
          %get3A = arith.index_cast %add3A : i32 to index
          %get3A_297 = tpu.vector_load %arg21[%get3A] {strides = array<i32>} : memref<26624xi32, #tpu.memory_space<vmem>>, vector<16xi32>,
          %add3A_298 = arith.addi %scan3A_292, %get3A_297 : vector<16xi32>
          scf.yield %add3A_298 : vector<16xi32>
        }
        %scan3A_286 = arith.constant 16 : i32
        %mul3A_287 = arith.constant 16 : i32
        %mul3A_288 = arith.muli %scan3A_278, %mul3A_287 : i32
        %swap3A_289 = arith.index_cast %mul3A_288 : i32 to index
        %swap3A_290 = tpu.vector_load %arg25[%swap3A_289] {strides = array<i32>} : memref<1664xi32, #tpu.memory_space<vmem>>, vector<16xi32>,
        tpu.vector_store %arg25[%swap3A_289], %scan3A_285 {strides = array<i32>} : memref<1664xi32, #tpu.memory_space<vmem>>, vector<16xi32>,
      }
      %scan3A_271 = arith.constant 104 : i32
      "tpu.region"() ({
        %run_scoped3A_278 = tpu.sem_alloc : memref<!tpu.dma_semaphore, #tpu.memory_space<semaphore_mem>>
        tpu.enqueue_dma source(%arg25 : memref<1664xi32, #tpu.memory_space<vmem>>) target(%arg5 : memref<1664xi32, #tpu.memory_space<hbm>>) target_semaphore(%run_scoped3A_278 : memref<!tpu.dma_semaphore, #tpu.memory_space<semaphore_mem>>)
        tpu.wait_dma2 semaphore(%run_scoped3A_278 : memref<!tpu.dma_semaphore, #tpu.memory_space<semaphore_mem>>) src(%arg25 : memref<1664xi32, #tpu.memory_space<vmem>>) dst(%arg5 : memref<1664xi32, #tpu.memory_space<hbm>>)
        tpu.yield
      }) : () -> ()
      "tpu.region"() ({
        %run_scoped3A_278 = tpu.sem_alloc : memref<!tpu.dma_semaphore, #tpu.memory_space<semaphore_mem>>
        tpu.enqueue_dma source(%arg35 : memref<26624xf32, #tpu.memory_space<vmem_shared>>) target(%arg20 : memref<26624xf32, #tpu.memory_space<vmem>>) target_semaphore(%run_scoped3A_278 : memref<!tpu.dma_semaphore, #tpu.memory_space<semaphore_mem>>)
        tpu.wait_dma2 semaphore(%run_scoped3A_278 : memref<!tpu.dma_semaphore, #tpu.memory_space<semaphore_mem>>) src(%arg35 : memref<26624xf32, #tpu.memory_space<vmem_shared>>) dst(%arg20 : memref<26624xf32, #tpu.memory_space<vmem>>)
        tpu.yield
      }) : () -> ()
      %scan3A_272 = arith.constant 0 : i32
      %scan3A_273 = arith.constant 0 : i32
      %scan3A_274 = arith.constant 104 : i32
      %scan3A_275 = arith.addi %scan3A_273, %scan3A_274 : i32
      %scan3A_276 = arith.constant 1 : i32
      scf.for %scan3A_278 = %scan3A_273 to %scan3A_275 step %scan3A_276  : i32 {
        %broadcast_in_dim3A_279 = arith.constant 0.000000e+00 : f32
        %broadcast_in_dim3A_280 = vector.broadcast %broadcast_in_dim3A_279 : f32 to vector<16xf32>
        %scan3A_281 = arith.constant 0 : i32
        %scan3A_282 = arith.constant 16 : i32
        %scan3A_283 = arith.addi %scan3A_281, %scan3A_282 : i32
        %scan3A_284 = arith.constant 1 : i32
        %scan3A_285 = scf.for %scan3A_291 = %scan3A_281 to %scan3A_283 step %scan3A_284 iter_args(%scan3A_292 = %broadcast_in_dim3A_280) -> (vector<16xf32>)  : i32 {
          %mul3A_293 = arith.constant 1664 : i32
          %mul3A_294 = arith.muli %scan3A_291, %mul3A_293 : i32
          %mul3A_295 = arith.constant 16 : i32
          %mul3A_296 = arith.muli %scan3A_278, %mul3A_295 : i32
          %add3A = arith.addi %mul3A_294, %mul3A_296 : i32
          %get3A = arith.index_cast %add3A : i32 to index
          %get3A_297 = tpu.vector_load %arg20[%get3A] {strides = array<i32>} : memref<26624xf32, #tpu.memory_space<vmem>>, vector<16xf32>,
          %add3A_298 = arith.addf %scan3A_292, %get3A_297 : vector<16xf32>
          scf.yield %add3A_298 : vector<16xf32>
        }
        %scan3A_286 = arith.constant 16 : i32
        %mul3A_287 = arith.constant 16 : i32
        %mul3A_288 = arith.muli %scan3A_278, %mul3A_287 : i32
        %swap3A_289 = arith.index_cast %mul3A_288 : i32 to index
        %swap3A_290 = tpu.vector_load %arg18[%swap3A_289] {strides = array<i32>} : memref<1664xf32, #tpu.memory_space<vmem>>, vector<16xf32>,
        tpu.vector_store %arg18[%swap3A_289], %scan3A_285 {strides = array<i32>} : memref<1664xf32, #tpu.memory_space<vmem>>, vector<16xf32>,
      }
      %scan3A_277 = arith.constant 104 : i32
      "tpu.region"() ({
        %run_scoped3A_278 = tpu.sem_alloc : memref<!tpu.dma_semaphore, #tpu.memory_space<semaphore_mem>>
        tpu.enqueue_dma source(%arg18 : memref<1664xf32, #tpu.memory_space<vmem>>) target(%arg6 : memref<1664xf32, #tpu.memory_space<hbm>>) target_semaphore(%run_scoped3A_278 : memref<!tpu.dma_semaphore, #tpu.memory_space<semaphore_mem>>)
        tpu.wait_dma2 semaphore(%run_scoped3A_278 : memref<!tpu.dma_semaphore, #tpu.memory_space<semaphore_mem>>) src(%arg18 : memref<1664xf32, #tpu.memory_space<vmem>>) dst(%arg6 : memref<1664xf32, #tpu.memory_space<hbm>>)
        tpu.yield
      }) : () -> ()
    } else {
    }
    return
  }
}

module attributes {stable_mosaic.version = 14 : i64} {
  func.func @_combine_body(%arg0: i32, %arg1: memref<512x1000xf32, #tpu.memory_space<vmem>>, %arg2: memref<512x1000xf32, #tpu.memory_space<vmem>>, %arg3: memref<512x1000xf32, #tpu.memory_space<vmem>>, %arg4: memref<20x20xf32, #tpu.memory_space<vmem>>, %arg5: memref<20x1000xf32, #tpu.memory_space<vmem>>, %arg6: memref<1x1000xf32, #tpu.memory_space<vmem>>, %arg7: memref<20x20xf32, #tpu.memory_space<vmem>>, %arg8: memref<20x1000xf32, #tpu.memory_space<vmem>>, %arg9: memref<1x1000xf32, #tpu.memory_space<vmem>>, %arg10: memref<1000x1xf32, #tpu.memory_space<vmem>>, %arg11: memref<1x1xf32, #tpu.memory_space<vmem>>, %arg12: memref<1x1000xf32, #tpu.memory_space<vmem>>, %arg13: memref<1x1xf32, #tpu.memory_space<vmem>>, %arg14: memref<512x20xf32, #tpu.memory_space<vmem>>) attributes {dimension_semantics = [#tpu.dimension_semantics<arbitrary>], iteration_bounds = array<i64: 8>, scalar_prefetch = 0 : i64, scratch_operands = 0 : i64, tpu.core_type = #tpu.core_type<tc>, window_params = [{transform_indices = @transform_0, window_bounds = array<i64: 512, 1000>}, {transform_indices = @transform_1, window_bounds = array<i64: 512, 1000>}, {transform_indices = @transform_2, window_bounds = array<i64: 512, 1000>}, {pipeline_mode = #tpu.pipeline_mode<synchronous>, transform_indices = @transform_3, window_bounds = array<i64: 20, 20>}, {pipeline_mode = #tpu.pipeline_mode<synchronous>, transform_indices = @transform_4, window_bounds = array<i64: 20, 1000>}, {pipeline_mode = #tpu.pipeline_mode<synchronous>, transform_indices = @transform_5, window_bounds = array<i64: 1, 1000>}, {pipeline_mode = #tpu.pipeline_mode<synchronous>, transform_indices = @transform_6, window_bounds = array<i64: 20, 20>}, {pipeline_mode = #tpu.pipeline_mode<synchronous>, transform_indices = @transform_7, window_bounds = array<i64: 20, 1000>}, {pipeline_mode = #tpu.pipeline_mode<synchronous>, transform_indices = @transform_8, window_bounds = array<i64: 1, 1000>}, {pipeline_mode = #tpu.pipeline_mode<synchronous>, transform_indices = @transform_9, window_bounds = array<i64: 1000, 1>}, {pipeline_mode = #tpu.pipeline_mode<synchronous>, transform_indices = @transform_10, window_bounds = array<i64: 1, 1>}, {pipeline_mode = #tpu.pipeline_mode<synchronous>, transform_indices = @transform_11, window_bounds = array<i64: 1, 1000>}, {pipeline_mode = #tpu.pipeline_mode<synchronous>, transform_indices = @transform_12, window_bounds = array<i64: 1, 1>}, {transform_indices = @transform_13, window_bounds = array<i64: 512, 20>}]} {
    %get3A = arith.constant 0 : index
    %get3A_0 = arith.constant 0 : index
    %get3A_1 = vector.load %arg1[%get3A, %get3A_0] : memref<512x1000xf32, #tpu.memory_space<vmem>>, vector<512x1000xf32>
    %get3A_2 = arith.constant 0 : index
    %get3A_3 = arith.constant 0 : index
    %get3A_4 = vector.load %arg2[%get3A_2, %get3A_3] : memref<512x1000xf32, #tpu.memory_space<vmem>>, vector<512x1000xf32>
    %get3A_5 = arith.constant 0 : index
    %get3A_6 = arith.constant 0 : index
    %get3A_7 = vector.load %arg3[%get3A_5, %get3A_6] : memref<512x1000xf32, #tpu.memory_space<vmem>>, vector<512x1000xf32>
    %concatenate3A = tpu.concatenate %get3A_4, %get3A_7 in 0 : vector<512x1000xf32>, vector<512x1000xf32> -> vector<1024x1000xf32>
    %get3A_8 = arith.constant 0 : index
    %get3A_9 = arith.constant 0 : index
    %get3A_10 = vector.load %arg4[%get3A_8, %get3A_9] : memref<20x20xf32, #tpu.memory_space<vmem>>, vector<20x20xf32>
    %get3A_11 = arith.constant 0 : index
    %get3A_12 = arith.constant 0 : index
    %get3A_13 = vector.load %arg5[%get3A_11, %get3A_12] : memref<20x1000xf32, #tpu.memory_space<vmem>>, vector<20x1000xf32>
    %convert_element_type3A = arith.truncf %get3A_10 : vector<20x20xf32> to vector<20x20xbf16>
    %convert_element_type3A_14 = arith.truncf %get3A_13 : vector<20x1000xf32> to vector<20x1000xbf16>
    %dot_general3A = arith.constant dense<0.000000e+00> : vector<20x1000xf32>
    %dot_general3A_15 = tpu.matmul %convert_element_type3A, %convert_element_type3A_14, %dot_general3A {dimension_numbers = #tpu.dot_dimension_numbers<[1], [0], [0], [1], [0, 0, 1, 1], [], []>, transpose_lhs_hint = false} : vector<20x20xbf16>, vector<20x1000xbf16>, vector<20x1000xf32> -> vector<20x1000xf32>
    %get3A_16 = arith.constant 0 : index
    %get3A_17 = arith.constant 0 : index
    %get3A_18 = vector.load %arg6[%get3A_16, %get3A_17] : memref<1x1000xf32, #tpu.memory_space<vmem>>, vector<1x1000xf32>
    %add3A = vector.broadcast %get3A_18 : vector<1x1000xf32> to vector<20x1000xf32>
    %add3A_19 = arith.addf %dot_general3A_15, %add3A : vector<20x1000xf32>
    %get3A_20 = arith.constant 0 : index
    %get3A_21 = arith.constant 0 : index
    %get3A_22 = vector.load %arg7[%get3A_20, %get3A_21] : memref<20x20xf32, #tpu.memory_space<vmem>>, vector<20x20xf32>
    %get3A_23 = arith.constant 0 : index
    %get3A_24 = arith.constant 0 : index
    %get3A_25 = vector.load %arg8[%get3A_23, %get3A_24] : memref<20x1000xf32, #tpu.memory_space<vmem>>, vector<20x1000xf32>
    %convert_element_type3A_26 = arith.truncf %get3A_22 : vector<20x20xf32> to vector<20x20xbf16>
    %convert_element_type3A_27 = arith.truncf %get3A_25 : vector<20x1000xf32> to vector<20x1000xbf16>
    %dot_general3A_28 = arith.constant dense<0.000000e+00> : vector<20x1000xf32>
    %dot_general3A_29 = tpu.matmul %convert_element_type3A_26, %convert_element_type3A_27, %dot_general3A_28 {dimension_numbers = #tpu.dot_dimension_numbers<[1], [0], [0], [1], [0, 0, 1, 1], [], []>, transpose_lhs_hint = false} : vector<20x20xbf16>, vector<20x1000xbf16>, vector<20x1000xf32> -> vector<20x1000xf32>
    %get3A_30 = arith.constant 0 : index
    %get3A_31 = arith.constant 0 : index
    %get3A_32 = vector.load %arg9[%get3A_30, %get3A_31] : memref<1x1000xf32, #tpu.memory_space<vmem>>, vector<1x1000xf32>
    %add3A_33 = vector.broadcast %get3A_32 : vector<1x1000xf32> to vector<20x1000xf32>
    %add3A_34 = arith.addf %dot_general3A_29, %add3A_33 : vector<20x1000xf32>
    %max3A = arith.constant 0.000000e+00 : f32
    %max3A_35 = vector.broadcast %max3A : f32 to vector<20x1000xf32>
    %max3A_36 = arith.maximumf %add3A_34, %max3A_35 : vector<20x1000xf32>
    %get3A_37 = arith.constant 0 : index
    %get3A_38 = arith.constant 0 : index
    %get3A_39 = vector.load %arg10[%get3A_37, %get3A_38] : memref<1000x1xf32, #tpu.memory_space<vmem>>, vector<1000x1xf32>
    %convert_element_type3A_40 = arith.truncf %max3A_36 : vector<20x1000xf32> to vector<20x1000xbf16>
    %convert_element_type3A_41 = arith.truncf %get3A_39 : vector<1000x1xf32> to vector<1000x1xbf16>
    %dot_general3A_42 = arith.constant dense<0.000000e+00> : vector<20x1xf32>
    %dot_general3A_43 = tpu.matmul %convert_element_type3A_40, %convert_element_type3A_41, %dot_general3A_42 {dimension_numbers = #tpu.dot_dimension_numbers<[1], [0], [0], [1], [0, 0, 1, 1], [], []>, transpose_lhs_hint = false} : vector<20x1000xbf16>, vector<1000x1xbf16>, vector<20x1xf32> -> vector<20x1xf32>
    %get3A_44 = arith.constant 0 : index
    %get3A_45 = arith.constant 0 : index
    %get3A_46 = vector.load %arg12[%get3A_44, %get3A_45] : memref<1x1000xf32, #tpu.memory_space<vmem>>, vector<1x1000xf32>
    %convert_element_type3A_47 = arith.truncf %get3A_46 : vector<1x1000xf32> to vector<1x1000xbf16>
    %convert_element_type3A_48 = arith.extf %convert_element_type3A_47 : vector<1x1000xbf16> to vector<1x1000xf32>
    %get3A_49 = arith.constant 0 : index
    %get3A_50 = arith.constant 0 : index
    %get3A_51 = vector.load %arg13[%get3A_49, %get3A_50] : memref<1x1xf32, #tpu.memory_space<vmem>>, vector<1x1xf32>
    %get3A_52 = vector.extract %get3A_51[0, 0] : f32 from vector<1x1xf32>
    %get3A_53 = arith.constant 0 : index
    %get3A_54 = arith.constant 0 : index
    %get3A_55 = vector.load %arg11[%get3A_53, %get3A_54] : memref<1x1xf32, #tpu.memory_space<vmem>>, vector<1x1xf32>
    %get3A_56 = vector.extract %get3A_55[0, 0] : f32 from vector<1x1xf32>
    %add3A_57 = arith.addf %get3A_52, %get3A_56 : f32
    %slice3A = vector.extract_strided_slice %concatenate3A {offsets = [0, 0], sizes = [512, 1000], strides = [1, 1]} : vector<1024x1000xf32> to vector<512x1000xf32>
    %add3A_58 = arith.addf %get3A_1, %slice3A : vector<512x1000xf32>
    %slice3A_59 = vector.extract_strided_slice %add3A_19 {offsets = [0, 0], sizes = [1, 1000], strides = [1, 1]} : vector<20x1000xf32> to vector<1x1000xf32>
    %add3A_60 = vector.broadcast %slice3A_59 : vector<1x1000xf32> to vector<512x1000xf32>
    %add3A_61 = arith.addf %add3A_58, %add3A_60 : vector<512x1000xf32>
    %max3A_62 = arith.constant 0.000000e+00 : f32
    %max3A_63 = vector.broadcast %max3A_62 : f32 to vector<512x1000xf32>
    %max3A_64 = arith.maximumf %add3A_61, %max3A_63 : vector<512x1000xf32>
    %convert_element_type3A_65 = arith.truncf %max3A_64 : vector<512x1000xf32> to vector<512x1000xbf16>
    %convert_element_type3A_66 = arith.extf %convert_element_type3A_65 : vector<512x1000xbf16> to vector<512x1000xf32>
    %mul3A = vector.broadcast %convert_element_type3A_48 : vector<1x1000xf32> to vector<512x1000xf32>
    %mul3A_67 = arith.mulf %convert_element_type3A_66, %mul3A : vector<512x1000xf32>
    %reduce_sum3A = arith.constant dense<0.000000e+00> : vector<512xf32>
    %reduce_sum3A_68 = vector.multi_reduction <add>, %mul3A_67, %reduce_sum3A [1] : vector<512x1000xf32> to vector<512xf32>
    %broadcast_in_dim3A = vector.shape_cast %reduce_sum3A_68 : vector<512xf32> to vector<512x1xf32>
    %slice3A_69 = vector.extract_strided_slice %dot_general3A_43 {offsets = [0, 0], sizes = [1, 1], strides = [1, 1]} : vector<20x1xf32> to vector<1x1xf32>
    %squeeze3A = vector.extract %slice3A_69[0, 0] : f32 from vector<1x1xf32>
    %add3A_70 = arith.addf %squeeze3A, %add3A_57 : f32
    %add3A_71 = vector.broadcast %add3A_70 : f32 to vector<512x1xf32>
    %add3A_72 = arith.addf %broadcast_in_dim3A, %add3A_71 : vector<512x1xf32>
    %slice3A_73 = vector.extract_strided_slice %concatenate3A {offsets = [1, 0], sizes = [512, 1000], strides = [1, 1]} : vector<1024x1000xf32> to vector<512x1000xf32>
    %add3A_74 = arith.addf %get3A_1, %slice3A_73 : vector<512x1000xf32>
    %slice3A_75 = vector.extract_strided_slice %add3A_19 {offsets = [1, 0], sizes = [1, 1000], strides = [1, 1]} : vector<20x1000xf32> to vector<1x1000xf32>
    %add3A_76 = vector.broadcast %slice3A_75 : vector<1x1000xf32> to vector<512x1000xf32>
    %add3A_77 = arith.addf %add3A_74, %add3A_76 : vector<512x1000xf32>
    %max3A_78 = arith.constant 0.000000e+00 : f32
    %max3A_79 = vector.broadcast %max3A_78 : f32 to vector<512x1000xf32>
    %max3A_80 = arith.maximumf %add3A_77, %max3A_79 : vector<512x1000xf32>
    %convert_element_type3A_81 = arith.truncf %max3A_80 : vector<512x1000xf32> to vector<512x1000xbf16>
    %convert_element_type3A_82 = arith.extf %convert_element_type3A_81 : vector<512x1000xbf16> to vector<512x1000xf32>
    %mul3A_83 = vector.broadcast %convert_element_type3A_48 : vector<1x1000xf32> to vector<512x1000xf32>
    %mul3A_84 = arith.mulf %convert_element_type3A_82, %mul3A_83 : vector<512x1000xf32>
    %reduce_sum3A_85 = arith.constant dense<0.000000e+00> : vector<512xf32>
    %reduce_sum3A_86 = vector.multi_reduction <add>, %mul3A_84, %reduce_sum3A_85 [1] : vector<512x1000xf32> to vector<512xf32>
    %broadcast_in_dim3A_87 = vector.shape_cast %reduce_sum3A_86 : vector<512xf32> to vector<512x1xf32>
    %slice3A_88 = vector.extract_strided_slice %dot_general3A_43 {offsets = [1, 0], sizes = [1, 1], strides = [1, 1]} : vector<20x1xf32> to vector<1x1xf32>
    %squeeze3A_89 = vector.extract %slice3A_88[0, 0] : f32 from vector<1x1xf32>
    %add3A_90 = arith.addf %squeeze3A_89, %add3A_57 : f32
    %add3A_91 = vector.broadcast %add3A_90 : f32 to vector<512x1xf32>
    %add3A_92 = arith.addf %broadcast_in_dim3A_87, %add3A_91 : vector<512x1xf32>
    %slice3A_93 = vector.extract_strided_slice %concatenate3A {offsets = [2, 0], sizes = [512, 1000], strides = [1, 1]} : vector<1024x1000xf32> to vector<512x1000xf32>
    %add3A_94 = arith.addf %get3A_1, %slice3A_93 : vector<512x1000xf32>
    %slice3A_95 = vector.extract_strided_slice %add3A_19 {offsets = [2, 0], sizes = [1, 1000], strides = [1, 1]} : vector<20x1000xf32> to vector<1x1000xf32>
    %add3A_96 = vector.broadcast %slice3A_95 : vector<1x1000xf32> to vector<512x1000xf32>
    %add3A_97 = arith.addf %add3A_94, %add3A_96 : vector<512x1000xf32>
    %max3A_98 = arith.constant 0.000000e+00 : f32
    %max3A_99 = vector.broadcast %max3A_98 : f32 to vector<512x1000xf32>
    %max3A_100 = arith.maximumf %add3A_97, %max3A_99 : vector<512x1000xf32>
    %convert_element_type3A_101 = arith.truncf %max3A_100 : vector<512x1000xf32> to vector<512x1000xbf16>
    %convert_element_type3A_102 = arith.extf %convert_element_type3A_101 : vector<512x1000xbf16> to vector<512x1000xf32>
    %mul3A_103 = vector.broadcast %convert_element_type3A_48 : vector<1x1000xf32> to vector<512x1000xf32>
    %mul3A_104 = arith.mulf %convert_element_type3A_102, %mul3A_103 : vector<512x1000xf32>
    %reduce_sum3A_105 = arith.constant dense<0.000000e+00> : vector<512xf32>
    %reduce_sum3A_106 = vector.multi_reduction <add>, %mul3A_104, %reduce_sum3A_105 [1] : vector<512x1000xf32> to vector<512xf32>
    %broadcast_in_dim3A_107 = vector.shape_cast %reduce_sum3A_106 : vector<512xf32> to vector<512x1xf32>
    %slice3A_108 = vector.extract_strided_slice %dot_general3A_43 {offsets = [2, 0], sizes = [1, 1], strides = [1, 1]} : vector<20x1xf32> to vector<1x1xf32>
    %squeeze3A_109 = vector.extract %slice3A_108[0, 0] : f32 from vector<1x1xf32>
    %add3A_110 = arith.addf %squeeze3A_109, %add3A_57 : f32
    %add3A_111 = vector.broadcast %add3A_110 : f32 to vector<512x1xf32>
    %add3A_112 = arith.addf %broadcast_in_dim3A_107, %add3A_111 : vector<512x1xf32>
    %slice3A_113 = vector.extract_strided_slice %concatenate3A {offsets = [3, 0], sizes = [512, 1000], strides = [1, 1]} : vector<1024x1000xf32> to vector<512x1000xf32>
    %add3A_114 = arith.addf %get3A_1, %slice3A_113 : vector<512x1000xf32>
    %slice3A_115 = vector.extract_strided_slice %add3A_19 {offsets = [3, 0], sizes = [1, 1000], strides = [1, 1]} : vector<20x1000xf32> to vector<1x1000xf32>
    %add3A_116 = vector.broadcast %slice3A_115 : vector<1x1000xf32> to vector<512x1000xf32>
    %add3A_117 = arith.addf %add3A_114, %add3A_116 : vector<512x1000xf32>
    %max3A_118 = arith.constant 0.000000e+00 : f32
    %max3A_119 = vector.broadcast %max3A_118 : f32 to vector<512x1000xf32>
    %max3A_120 = arith.maximumf %add3A_117, %max3A_119 : vector<512x1000xf32>
    %convert_element_type3A_121 = arith.truncf %max3A_120 : vector<512x1000xf32> to vector<512x1000xbf16>
    %convert_element_type3A_122 = arith.extf %convert_element_type3A_121 : vector<512x1000xbf16> to vector<512x1000xf32>
    %mul3A_123 = vector.broadcast %convert_element_type3A_48 : vector<1x1000xf32> to vector<512x1000xf32>
    %mul3A_124 = arith.mulf %convert_element_type3A_122, %mul3A_123 : vector<512x1000xf32>
    %reduce_sum3A_125 = arith.constant dense<0.000000e+00> : vector<512xf32>
    %reduce_sum3A_126 = vector.multi_reduction <add>, %mul3A_124, %reduce_sum3A_125 [1] : vector<512x1000xf32> to vector<512xf32>
    %broadcast_in_dim3A_127 = vector.shape_cast %reduce_sum3A_126 : vector<512xf32> to vector<512x1xf32>
    %slice3A_128 = vector.extract_strided_slice %dot_general3A_43 {offsets = [3, 0], sizes = [1, 1], strides = [1, 1]} : vector<20x1xf32> to vector<1x1xf32>
    %squeeze3A_129 = vector.extract %slice3A_128[0, 0] : f32 from vector<1x1xf32>
    %add3A_130 = arith.addf %squeeze3A_129, %add3A_57 : f32
    %add3A_131 = vector.broadcast %add3A_130 : f32 to vector<512x1xf32>
    %add3A_132 = arith.addf %broadcast_in_dim3A_127, %add3A_131 : vector<512x1xf32>
    %slice3A_133 = vector.extract_strided_slice %concatenate3A {offsets = [4, 0], sizes = [512, 1000], strides = [1, 1]} : vector<1024x1000xf32> to vector<512x1000xf32>
    %add3A_134 = arith.addf %get3A_1, %slice3A_133 : vector<512x1000xf32>
    %slice3A_135 = vector.extract_strided_slice %add3A_19 {offsets = [4, 0], sizes = [1, 1000], strides = [1, 1]} : vector<20x1000xf32> to vector<1x1000xf32>
    %add3A_136 = vector.broadcast %slice3A_135 : vector<1x1000xf32> to vector<512x1000xf32>
    %add3A_137 = arith.addf %add3A_134, %add3A_136 : vector<512x1000xf32>
    %max3A_138 = arith.constant 0.000000e+00 : f32
    %max3A_139 = vector.broadcast %max3A_138 : f32 to vector<512x1000xf32>
    %max3A_140 = arith.maximumf %add3A_137, %max3A_139 : vector<512x1000xf32>
    %convert_element_type3A_141 = arith.truncf %max3A_140 : vector<512x1000xf32> to vector<512x1000xbf16>
    %convert_element_type3A_142 = arith.extf %convert_element_type3A_141 : vector<512x1000xbf16> to vector<512x1000xf32>
    %mul3A_143 = vector.broadcast %convert_element_type3A_48 : vector<1x1000xf32> to vector<512x1000xf32>
    %mul3A_144 = arith.mulf %convert_element_type3A_142, %mul3A_143 : vector<512x1000xf32>
    %reduce_sum3A_145 = arith.constant dense<0.000000e+00> : vector<512xf32>
    %reduce_sum3A_146 = vector.multi_reduction <add>, %mul3A_144, %reduce_sum3A_145 [1] : vector<512x1000xf32> to vector<512xf32>
    %broadcast_in_dim3A_147 = vector.shape_cast %reduce_sum3A_146 : vector<512xf32> to vector<512x1xf32>
    %slice3A_148 = vector.extract_strided_slice %dot_general3A_43 {offsets = [4, 0], sizes = [1, 1], strides = [1, 1]} : vector<20x1xf32> to vector<1x1xf32>
    %squeeze3A_149 = vector.extract %slice3A_148[0, 0] : f32 from vector<1x1xf32>
    %add3A_150 = arith.addf %squeeze3A_149, %add3A_57 : f32
    %add3A_151 = vector.broadcast %add3A_150 : f32 to vector<512x1xf32>
    %add3A_152 = arith.addf %broadcast_in_dim3A_147, %add3A_151 : vector<512x1xf32>
    %slice3A_153 = vector.extract_strided_slice %concatenate3A {offsets = [5, 0], sizes = [512, 1000], strides = [1, 1]} : vector<1024x1000xf32> to vector<512x1000xf32>
    %add3A_154 = arith.addf %get3A_1, %slice3A_153 : vector<512x1000xf32>
    %slice3A_155 = vector.extract_strided_slice %add3A_19 {offsets = [5, 0], sizes = [1, 1000], strides = [1, 1]} : vector<20x1000xf32> to vector<1x1000xf32>
    %add3A_156 = vector.broadcast %slice3A_155 : vector<1x1000xf32> to vector<512x1000xf32>
    %add3A_157 = arith.addf %add3A_154, %add3A_156 : vector<512x1000xf32>
    %max3A_158 = arith.constant 0.000000e+00 : f32
    %max3A_159 = vector.broadcast %max3A_158 : f32 to vector<512x1000xf32>
    %max3A_160 = arith.maximumf %add3A_157, %max3A_159 : vector<512x1000xf32>
    %convert_element_type3A_161 = arith.truncf %max3A_160 : vector<512x1000xf32> to vector<512x1000xbf16>
    %convert_element_type3A_162 = arith.extf %convert_element_type3A_161 : vector<512x1000xbf16> to vector<512x1000xf32>
    %mul3A_163 = vector.broadcast %convert_element_type3A_48 : vector<1x1000xf32> to vector<512x1000xf32>
    %mul3A_164 = arith.mulf %convert_element_type3A_162, %mul3A_163 : vector<512x1000xf32>
    %reduce_sum3A_165 = arith.constant dense<0.000000e+00> : vector<512xf32>
    %reduce_sum3A_166 = vector.multi_reduction <add>, %mul3A_164, %reduce_sum3A_165 [1] : vector<512x1000xf32> to vector<512xf32>
    %broadcast_in_dim3A_167 = vector.shape_cast %reduce_sum3A_166 : vector<512xf32> to vector<512x1xf32>
    %slice3A_168 = vector.extract_strided_slice %dot_general3A_43 {offsets = [5, 0], sizes = [1, 1], strides = [1, 1]} : vector<20x1xf32> to vector<1x1xf32>
    %squeeze3A_169 = vector.extract %slice3A_168[0, 0] : f32 from vector<1x1xf32>
    %add3A_170 = arith.addf %squeeze3A_169, %add3A_57 : f32
    %add3A_171 = vector.broadcast %add3A_170 : f32 to vector<512x1xf32>
    %add3A_172 = arith.addf %broadcast_in_dim3A_167, %add3A_171 : vector<512x1xf32>
    %slice3A_173 = vector.extract_strided_slice %concatenate3A {offsets = [6, 0], sizes = [512, 1000], strides = [1, 1]} : vector<1024x1000xf32> to vector<512x1000xf32>
    %add3A_174 = arith.addf %get3A_1, %slice3A_173 : vector<512x1000xf32>
    %slice3A_175 = vector.extract_strided_slice %add3A_19 {offsets = [6, 0], sizes = [1, 1000], strides = [1, 1]} : vector<20x1000xf32> to vector<1x1000xf32>
    %add3A_176 = vector.broadcast %slice3A_175 : vector<1x1000xf32> to vector<512x1000xf32>
    %add3A_177 = arith.addf %add3A_174, %add3A_176 : vector<512x1000xf32>
    %max3A_178 = arith.constant 0.000000e+00 : f32
    %max3A_179 = vector.broadcast %max3A_178 : f32 to vector<512x1000xf32>
    %max3A_180 = arith.maximumf %add3A_177, %max3A_179 : vector<512x1000xf32>
    %convert_element_type3A_181 = arith.truncf %max3A_180 : vector<512x1000xf32> to vector<512x1000xbf16>
    %convert_element_type3A_182 = arith.extf %convert_element_type3A_181 : vector<512x1000xbf16> to vector<512x1000xf32>
    %mul3A_183 = vector.broadcast %convert_element_type3A_48 : vector<1x1000xf32> to vector<512x1000xf32>
    %mul3A_184 = arith.mulf %convert_element_type3A_182, %mul3A_183 : vector<512x1000xf32>
    %reduce_sum3A_185 = arith.constant dense<0.000000e+00> : vector<512xf32>
    %reduce_sum3A_186 = vector.multi_reduction <add>, %mul3A_184, %reduce_sum3A_185 [1] : vector<512x1000xf32> to vector<512xf32>
    %broadcast_in_dim3A_187 = vector.shape_cast %reduce_sum3A_186 : vector<512xf32> to vector<512x1xf32>
    %slice3A_188 = vector.extract_strided_slice %dot_general3A_43 {offsets = [6, 0], sizes = [1, 1], strides = [1, 1]} : vector<20x1xf32> to vector<1x1xf32>
    %squeeze3A_189 = vector.extract %slice3A_188[0, 0] : f32 from vector<1x1xf32>
    %add3A_190 = arith.addf %squeeze3A_189, %add3A_57 : f32
    %add3A_191 = vector.broadcast %add3A_190 : f32 to vector<512x1xf32>
    %add3A_192 = arith.addf %broadcast_in_dim3A_187, %add3A_191 : vector<512x1xf32>
    %slice3A_193 = vector.extract_strided_slice %concatenate3A {offsets = [7, 0], sizes = [512, 1000], strides = [1, 1]} : vector<1024x1000xf32> to vector<512x1000xf32>
    %add3A_194 = arith.addf %get3A_1, %slice3A_193 : vector<512x1000xf32>
    %slice3A_195 = vector.extract_strided_slice %add3A_19 {offsets = [7, 0], sizes = [1, 1000], strides = [1, 1]} : vector<20x1000xf32> to vector<1x1000xf32>
    %add3A_196 = vector.broadcast %slice3A_195 : vector<1x1000xf32> to vector<512x1000xf32>
    %add3A_197 = arith.addf %add3A_194, %add3A_196 : vector<512x1000xf32>
    %max3A_198 = arith.constant 0.000000e+00 : f32
    %max3A_199 = vector.broadcast %max3A_198 : f32 to vector<512x1000xf32>
    %max3A_200 = arith.maximumf %add3A_197, %max3A_199 : vector<512x1000xf32>
    %convert_element_type3A_201 = arith.truncf %max3A_200 : vector<512x1000xf32> to vector<512x1000xbf16>
    %convert_element_type3A_202 = arith.extf %convert_element_type3A_201 : vector<512x1000xbf16> to vector<512x1000xf32>
    %mul3A_203 = vector.broadcast %convert_element_type3A_48 : vector<1x1000xf32> to vector<512x1000xf32>
    %mul3A_204 = arith.mulf %convert_element_type3A_202, %mul3A_203 : vector<512x1000xf32>
    %reduce_sum3A_205 = arith.constant dense<0.000000e+00> : vector<512xf32>
    %reduce_sum3A_206 = vector.multi_reduction <add>, %mul3A_204, %reduce_sum3A_205 [1] : vector<512x1000xf32> to vector<512xf32>
    %broadcast_in_dim3A_207 = vector.shape_cast %reduce_sum3A_206 : vector<512xf32> to vector<512x1xf32>
    %slice3A_208 = vector.extract_strided_slice %dot_general3A_43 {offsets = [7, 0], sizes = [1, 1], strides = [1, 1]} : vector<20x1xf32> to vector<1x1xf32>
    %squeeze3A_209 = vector.extract %slice3A_208[0, 0] : f32 from vector<1x1xf32>
    %add3A_210 = arith.addf %squeeze3A_209, %add3A_57 : f32
    %add3A_211 = vector.broadcast %add3A_210 : f32 to vector<512x1xf32>
    %add3A_212 = arith.addf %broadcast_in_dim3A_207, %add3A_211 : vector<512x1xf32>
    %slice3A_213 = vector.extract_strided_slice %concatenate3A {offsets = [8, 0], sizes = [512, 1000], strides = [1, 1]} : vector<1024x1000xf32> to vector<512x1000xf32>
    %add3A_214 = arith.addf %get3A_1, %slice3A_213 : vector<512x1000xf32>
    %slice3A_215 = vector.extract_strided_slice %add3A_19 {offsets = [8, 0], sizes = [1, 1000], strides = [1, 1]} : vector<20x1000xf32> to vector<1x1000xf32>
    %add3A_216 = vector.broadcast %slice3A_215 : vector<1x1000xf32> to vector<512x1000xf32>
    %add3A_217 = arith.addf %add3A_214, %add3A_216 : vector<512x1000xf32>
    %max3A_218 = arith.constant 0.000000e+00 : f32
    %max3A_219 = vector.broadcast %max3A_218 : f32 to vector<512x1000xf32>
    %max3A_220 = arith.maximumf %add3A_217, %max3A_219 : vector<512x1000xf32>
    %convert_element_type3A_221 = arith.truncf %max3A_220 : vector<512x1000xf32> to vector<512x1000xbf16>
    %convert_element_type3A_222 = arith.extf %convert_element_type3A_221 : vector<512x1000xbf16> to vector<512x1000xf32>
    %mul3A_223 = vector.broadcast %convert_element_type3A_48 : vector<1x1000xf32> to vector<512x1000xf32>
    %mul3A_224 = arith.mulf %convert_element_type3A_222, %mul3A_223 : vector<512x1000xf32>
    %reduce_sum3A_225 = arith.constant dense<0.000000e+00> : vector<512xf32>
    %reduce_sum3A_226 = vector.multi_reduction <add>, %mul3A_224, %reduce_sum3A_225 [1] : vector<512x1000xf32> to vector<512xf32>
    %broadcast_in_dim3A_227 = vector.shape_cast %reduce_sum3A_226 : vector<512xf32> to vector<512x1xf32>
    %slice3A_228 = vector.extract_strided_slice %dot_general3A_43 {offsets = [8, 0], sizes = [1, 1], strides = [1, 1]} : vector<20x1xf32> to vector<1x1xf32>
    %squeeze3A_229 = vector.extract %slice3A_228[0, 0] : f32 from vector<1x1xf32>
    %add3A_230 = arith.addf %squeeze3A_229, %add3A_57 : f32
    %add3A_231 = vector.broadcast %add3A_230 : f32 to vector<512x1xf32>
    %add3A_232 = arith.addf %broadcast_in_dim3A_227, %add3A_231 : vector<512x1xf32>
    %slice3A_233 = vector.extract_strided_slice %concatenate3A {offsets = [9, 0], sizes = [512, 1000], strides = [1, 1]} : vector<1024x1000xf32> to vector<512x1000xf32>
    %add3A_234 = arith.addf %get3A_1, %slice3A_233 : vector<512x1000xf32>
    %slice3A_235 = vector.extract_strided_slice %add3A_19 {offsets = [9, 0], sizes = [1, 1000], strides = [1, 1]} : vector<20x1000xf32> to vector<1x1000xf32>
    %add3A_236 = vector.broadcast %slice3A_235 : vector<1x1000xf32> to vector<512x1000xf32>
    %add3A_237 = arith.addf %add3A_234, %add3A_236 : vector<512x1000xf32>
    %max3A_238 = arith.constant 0.000000e+00 : f32
    %max3A_239 = vector.broadcast %max3A_238 : f32 to vector<512x1000xf32>
    %max3A_240 = arith.maximumf %add3A_237, %max3A_239 : vector<512x1000xf32>
    %convert_element_type3A_241 = arith.truncf %max3A_240 : vector<512x1000xf32> to vector<512x1000xbf16>
    %convert_element_type3A_242 = arith.extf %convert_element_type3A_241 : vector<512x1000xbf16> to vector<512x1000xf32>
    %mul3A_243 = vector.broadcast %convert_element_type3A_48 : vector<1x1000xf32> to vector<512x1000xf32>
    %mul3A_244 = arith.mulf %convert_element_type3A_242, %mul3A_243 : vector<512x1000xf32>
    %reduce_sum3A_245 = arith.constant dense<0.000000e+00> : vector<512xf32>
    %reduce_sum3A_246 = vector.multi_reduction <add>, %mul3A_244, %reduce_sum3A_245 [1] : vector<512x1000xf32> to vector<512xf32>
    %broadcast_in_dim3A_247 = vector.shape_cast %reduce_sum3A_246 : vector<512xf32> to vector<512x1xf32>
    %slice3A_248 = vector.extract_strided_slice %dot_general3A_43 {offsets = [9, 0], sizes = [1, 1], strides = [1, 1]} : vector<20x1xf32> to vector<1x1xf32>
    %squeeze3A_249 = vector.extract %slice3A_248[0, 0] : f32 from vector<1x1xf32>
    %add3A_250 = arith.addf %squeeze3A_249, %add3A_57 : f32
    %add3A_251 = vector.broadcast %add3A_250 : f32 to vector<512x1xf32>
    %add3A_252 = arith.addf %broadcast_in_dim3A_247, %add3A_251 : vector<512x1xf32>
    %slice3A_253 = vector.extract_strided_slice %concatenate3A {offsets = [10, 0], sizes = [512, 1000], strides = [1, 1]} : vector<1024x1000xf32> to vector<512x1000xf32>
    %add3A_254 = arith.addf %get3A_1, %slice3A_253 : vector<512x1000xf32>
    %slice3A_255 = vector.extract_strided_slice %add3A_19 {offsets = [10, 0], sizes = [1, 1000], strides = [1, 1]} : vector<20x1000xf32> to vector<1x1000xf32>
    %add3A_256 = vector.broadcast %slice3A_255 : vector<1x1000xf32> to vector<512x1000xf32>
    %add3A_257 = arith.addf %add3A_254, %add3A_256 : vector<512x1000xf32>
    %max3A_258 = arith.constant 0.000000e+00 : f32
    %max3A_259 = vector.broadcast %max3A_258 : f32 to vector<512x1000xf32>
    %max3A_260 = arith.maximumf %add3A_257, %max3A_259 : vector<512x1000xf32>
    %convert_element_type3A_261 = arith.truncf %max3A_260 : vector<512x1000xf32> to vector<512x1000xbf16>
    %convert_element_type3A_262 = arith.extf %convert_element_type3A_261 : vector<512x1000xbf16> to vector<512x1000xf32>
    %mul3A_263 = vector.broadcast %convert_element_type3A_48 : vector<1x1000xf32> to vector<512x1000xf32>
    %mul3A_264 = arith.mulf %convert_element_type3A_262, %mul3A_263 : vector<512x1000xf32>
    %reduce_sum3A_265 = arith.constant dense<0.000000e+00> : vector<512xf32>
    %reduce_sum3A_266 = vector.multi_reduction <add>, %mul3A_264, %reduce_sum3A_265 [1] : vector<512x1000xf32> to vector<512xf32>
    %broadcast_in_dim3A_267 = vector.shape_cast %reduce_sum3A_266 : vector<512xf32> to vector<512x1xf32>
    %slice3A_268 = vector.extract_strided_slice %dot_general3A_43 {offsets = [10, 0], sizes = [1, 1], strides = [1, 1]} : vector<20x1xf32> to vector<1x1xf32>
    %squeeze3A_269 = vector.extract %slice3A_268[0, 0] : f32 from vector<1x1xf32>
    %add3A_270 = arith.addf %squeeze3A_269, %add3A_57 : f32
    %add3A_271 = vector.broadcast %add3A_270 : f32 to vector<512x1xf32>
    %add3A_272 = arith.addf %broadcast_in_dim3A_267, %add3A_271 : vector<512x1xf32>
    %slice3A_273 = vector.extract_strided_slice %concatenate3A {offsets = [11, 0], sizes = [512, 1000], strides = [1, 1]} : vector<1024x1000xf32> to vector<512x1000xf32>
    %add3A_274 = arith.addf %get3A_1, %slice3A_273 : vector<512x1000xf32>
    %slice3A_275 = vector.extract_strided_slice %add3A_19 {offsets = [11, 0], sizes = [1, 1000], strides = [1, 1]} : vector<20x1000xf32> to vector<1x1000xf32>
    %add3A_276 = vector.broadcast %slice3A_275 : vector<1x1000xf32> to vector<512x1000xf32>
    %add3A_277 = arith.addf %add3A_274, %add3A_276 : vector<512x1000xf32>
    %max3A_278 = arith.constant 0.000000e+00 : f32
    %max3A_279 = vector.broadcast %max3A_278 : f32 to vector<512x1000xf32>
    %max3A_280 = arith.maximumf %add3A_277, %max3A_279 : vector<512x1000xf32>
    %convert_element_type3A_281 = arith.truncf %max3A_280 : vector<512x1000xf32> to vector<512x1000xbf16>
    %convert_element_type3A_282 = arith.extf %convert_element_type3A_281 : vector<512x1000xbf16> to vector<512x1000xf32>
    %mul3A_283 = vector.broadcast %convert_element_type3A_48 : vector<1x1000xf32> to vector<512x1000xf32>
    %mul3A_284 = arith.mulf %convert_element_type3A_282, %mul3A_283 : vector<512x1000xf32>
    %reduce_sum3A_285 = arith.constant dense<0.000000e+00> : vector<512xf32>
    %reduce_sum3A_286 = vector.multi_reduction <add>, %mul3A_284, %reduce_sum3A_285 [1] : vector<512x1000xf32> to vector<512xf32>
    %broadcast_in_dim3A_287 = vector.shape_cast %reduce_sum3A_286 : vector<512xf32> to vector<512x1xf32>
    %slice3A_288 = vector.extract_strided_slice %dot_general3A_43 {offsets = [11, 0], sizes = [1, 1], strides = [1, 1]} : vector<20x1xf32> to vector<1x1xf32>
    %squeeze3A_289 = vector.extract %slice3A_288[0, 0] : f32 from vector<1x1xf32>
    %add3A_290 = arith.addf %squeeze3A_289, %add3A_57 : f32
    %add3A_291 = vector.broadcast %add3A_290 : f32 to vector<512x1xf32>
    %add3A_292 = arith.addf %broadcast_in_dim3A_287, %add3A_291 : vector<512x1xf32>
    %slice3A_293 = vector.extract_strided_slice %concatenate3A {offsets = [12, 0], sizes = [512, 1000], strides = [1, 1]} : vector<1024x1000xf32> to vector<512x1000xf32>
    %add3A_294 = arith.addf %get3A_1, %slice3A_293 : vector<512x1000xf32>
    %slice3A_295 = vector.extract_strided_slice %add3A_19 {offsets = [12, 0], sizes = [1, 1000], strides = [1, 1]} : vector<20x1000xf32> to vector<1x1000xf32>
    %add3A_296 = vector.broadcast %slice3A_295 : vector<1x1000xf32> to vector<512x1000xf32>
    %add3A_297 = arith.addf %add3A_294, %add3A_296 : vector<512x1000xf32>
    %max3A_298 = arith.constant 0.000000e+00 : f32
    %max3A_299 = vector.broadcast %max3A_298 : f32 to vector<512x1000xf32>
    %max3A_300 = arith.maximumf %add3A_297, %max3A_299 : vector<512x1000xf32>
    %convert_element_type3A_301 = arith.truncf %max3A_300 : vector<512x1000xf32> to vector<512x1000xbf16>
    %convert_element_type3A_302 = arith.extf %convert_element_type3A_301 : vector<512x1000xbf16> to vector<512x1000xf32>
    %mul3A_303 = vector.broadcast %convert_element_type3A_48 : vector<1x1000xf32> to vector<512x1000xf32>
    %mul3A_304 = arith.mulf %convert_element_type3A_302, %mul3A_303 : vector<512x1000xf32>
    %reduce_sum3A_305 = arith.constant dense<0.000000e+00> : vector<512xf32>
    %reduce_sum3A_306 = vector.multi_reduction <add>, %mul3A_304, %reduce_sum3A_305 [1] : vector<512x1000xf32> to vector<512xf32>
    %broadcast_in_dim3A_307 = vector.shape_cast %reduce_sum3A_306 : vector<512xf32> to vector<512x1xf32>
    %slice3A_308 = vector.extract_strided_slice %dot_general3A_43 {offsets = [12, 0], sizes = [1, 1], strides = [1, 1]} : vector<20x1xf32> to vector<1x1xf32>
    %squeeze3A_309 = vector.extract %slice3A_308[0, 0] : f32 from vector<1x1xf32>
    %add3A_310 = arith.addf %squeeze3A_309, %add3A_57 : f32
    %add3A_311 = vector.broadcast %add3A_310 : f32 to vector<512x1xf32>
    %add3A_312 = arith.addf %broadcast_in_dim3A_307, %add3A_311 : vector<512x1xf32>
    %slice3A_313 = vector.extract_strided_slice %concatenate3A {offsets = [13, 0], sizes = [512, 1000], strides = [1, 1]} : vector<1024x1000xf32> to vector<512x1000xf32>
    %add3A_314 = arith.addf %get3A_1, %slice3A_313 : vector<512x1000xf32>
    %slice3A_315 = vector.extract_strided_slice %add3A_19 {offsets = [13, 0], sizes = [1, 1000], strides = [1, 1]} : vector<20x1000xf32> to vector<1x1000xf32>
    %add3A_316 = vector.broadcast %slice3A_315 : vector<1x1000xf32> to vector<512x1000xf32>
    %add3A_317 = arith.addf %add3A_314, %add3A_316 : vector<512x1000xf32>
    %max3A_318 = arith.constant 0.000000e+00 : f32
    %max3A_319 = vector.broadcast %max3A_318 : f32 to vector<512x1000xf32>
    %max3A_320 = arith.maximumf %add3A_317, %max3A_319 : vector<512x1000xf32>
    %convert_element_type3A_321 = arith.truncf %max3A_320 : vector<512x1000xf32> to vector<512x1000xbf16>
    %convert_element_type3A_322 = arith.extf %convert_element_type3A_321 : vector<512x1000xbf16> to vector<512x1000xf32>
    %mul3A_323 = vector.broadcast %convert_element_type3A_48 : vector<1x1000xf32> to vector<512x1000xf32>
    %mul3A_324 = arith.mulf %convert_element_type3A_322, %mul3A_323 : vector<512x1000xf32>
    %reduce_sum3A_325 = arith.constant dense<0.000000e+00> : vector<512xf32>
    %reduce_sum3A_326 = vector.multi_reduction <add>, %mul3A_324, %reduce_sum3A_325 [1] : vector<512x1000xf32> to vector<512xf32>
    %broadcast_in_dim3A_327 = vector.shape_cast %reduce_sum3A_326 : vector<512xf32> to vector<512x1xf32>
    %slice3A_328 = vector.extract_strided_slice %dot_general3A_43 {offsets = [13, 0], sizes = [1, 1], strides = [1, 1]} : vector<20x1xf32> to vector<1x1xf32>
    %squeeze3A_329 = vector.extract %slice3A_328[0, 0] : f32 from vector<1x1xf32>
    %add3A_330 = arith.addf %squeeze3A_329, %add3A_57 : f32
    %add3A_331 = vector.broadcast %add3A_330 : f32 to vector<512x1xf32>
    %add3A_332 = arith.addf %broadcast_in_dim3A_327, %add3A_331 : vector<512x1xf32>
    %slice3A_333 = vector.extract_strided_slice %concatenate3A {offsets = [14, 0], sizes = [512, 1000], strides = [1, 1]} : vector<1024x1000xf32> to vector<512x1000xf32>
    %add3A_334 = arith.addf %get3A_1, %slice3A_333 : vector<512x1000xf32>
    %slice3A_335 = vector.extract_strided_slice %add3A_19 {offsets = [14, 0], sizes = [1, 1000], strides = [1, 1]} : vector<20x1000xf32> to vector<1x1000xf32>
    %add3A_336 = vector.broadcast %slice3A_335 : vector<1x1000xf32> to vector<512x1000xf32>
    %add3A_337 = arith.addf %add3A_334, %add3A_336 : vector<512x1000xf32>
    %max3A_338 = arith.constant 0.000000e+00 : f32
    %max3A_339 = vector.broadcast %max3A_338 : f32 to vector<512x1000xf32>
    %max3A_340 = arith.maximumf %add3A_337, %max3A_339 : vector<512x1000xf32>
    %convert_element_type3A_341 = arith.truncf %max3A_340 : vector<512x1000xf32> to vector<512x1000xbf16>
    %convert_element_type3A_342 = arith.extf %convert_element_type3A_341 : vector<512x1000xbf16> to vector<512x1000xf32>
    %mul3A_343 = vector.broadcast %convert_element_type3A_48 : vector<1x1000xf32> to vector<512x1000xf32>
    %mul3A_344 = arith.mulf %convert_element_type3A_342, %mul3A_343 : vector<512x1000xf32>
    %reduce_sum3A_345 = arith.constant dense<0.000000e+00> : vector<512xf32>
    %reduce_sum3A_346 = vector.multi_reduction <add>, %mul3A_344, %reduce_sum3A_345 [1] : vector<512x1000xf32> to vector<512xf32>
    %broadcast_in_dim3A_347 = vector.shape_cast %reduce_sum3A_346 : vector<512xf32> to vector<512x1xf32>
    %slice3A_348 = vector.extract_strided_slice %dot_general3A_43 {offsets = [14, 0], sizes = [1, 1], strides = [1, 1]} : vector<20x1xf32> to vector<1x1xf32>
    %squeeze3A_349 = vector.extract %slice3A_348[0, 0] : f32 from vector<1x1xf32>
    %add3A_350 = arith.addf %squeeze3A_349, %add3A_57 : f32
    %add3A_351 = vector.broadcast %add3A_350 : f32 to vector<512x1xf32>
    %add3A_352 = arith.addf %broadcast_in_dim3A_347, %add3A_351 : vector<512x1xf32>
    %slice3A_353 = vector.extract_strided_slice %concatenate3A {offsets = [15, 0], sizes = [512, 1000], strides = [1, 1]} : vector<1024x1000xf32> to vector<512x1000xf32>
    %add3A_354 = arith.addf %get3A_1, %slice3A_353 : vector<512x1000xf32>
    %slice3A_355 = vector.extract_strided_slice %add3A_19 {offsets = [15, 0], sizes = [1, 1000], strides = [1, 1]} : vector<20x1000xf32> to vector<1x1000xf32>
    %add3A_356 = vector.broadcast %slice3A_355 : vector<1x1000xf32> to vector<512x1000xf32>
    %add3A_357 = arith.addf %add3A_354, %add3A_356 : vector<512x1000xf32>
    %max3A_358 = arith.constant 0.000000e+00 : f32
    %max3A_359 = vector.broadcast %max3A_358 : f32 to vector<512x1000xf32>
    %max3A_360 = arith.maximumf %add3A_357, %max3A_359 : vector<512x1000xf32>
    %convert_element_type3A_361 = arith.truncf %max3A_360 : vector<512x1000xf32> to vector<512x1000xbf16>
    %convert_element_type3A_362 = arith.extf %convert_element_type3A_361 : vector<512x1000xbf16> to vector<512x1000xf32>
    %mul3A_363 = vector.broadcast %convert_element_type3A_48 : vector<1x1000xf32> to vector<512x1000xf32>
    %mul3A_364 = arith.mulf %convert_element_type3A_362, %mul3A_363 : vector<512x1000xf32>
    %reduce_sum3A_365 = arith.constant dense<0.000000e+00> : vector<512xf32>
    %reduce_sum3A_366 = vector.multi_reduction <add>, %mul3A_364, %reduce_sum3A_365 [1] : vector<512x1000xf32> to vector<512xf32>
    %broadcast_in_dim3A_367 = vector.shape_cast %reduce_sum3A_366 : vector<512xf32> to vector<512x1xf32>
    %slice3A_368 = vector.extract_strided_slice %dot_general3A_43 {offsets = [15, 0], sizes = [1, 1], strides = [1, 1]} : vector<20x1xf32> to vector<1x1xf32>
    %squeeze3A_369 = vector.extract %slice3A_368[0, 0] : f32 from vector<1x1xf32>
    %add3A_370 = arith.addf %squeeze3A_369, %add3A_57 : f32
    %add3A_371 = vector.broadcast %add3A_370 : f32 to vector<512x1xf32>
    %add3A_372 = arith.addf %broadcast_in_dim3A_367, %add3A_371 : vector<512x1xf32>
    %slice3A_373 = vector.extract_strided_slice %concatenate3A {offsets = [16, 0], sizes = [512, 1000], strides = [1, 1]} : vector<1024x1000xf32> to vector<512x1000xf32>
    %add3A_374 = arith.addf %get3A_1, %slice3A_373 : vector<512x1000xf32>
    %slice3A_375 = vector.extract_strided_slice %add3A_19 {offsets = [16, 0], sizes = [1, 1000], strides = [1, 1]} : vector<20x1000xf32> to vector<1x1000xf32>
    %add3A_376 = vector.broadcast %slice3A_375 : vector<1x1000xf32> to vector<512x1000xf32>
    %add3A_377 = arith.addf %add3A_374, %add3A_376 : vector<512x1000xf32>
    %max3A_378 = arith.constant 0.000000e+00 : f32
    %max3A_379 = vector.broadcast %max3A_378 : f32 to vector<512x1000xf32>
    %max3A_380 = arith.maximumf %add3A_377, %max3A_379 : vector<512x1000xf32>
    %convert_element_type3A_381 = arith.truncf %max3A_380 : vector<512x1000xf32> to vector<512x1000xbf16>
    %convert_element_type3A_382 = arith.extf %convert_element_type3A_381 : vector<512x1000xbf16> to vector<512x1000xf32>
    %mul3A_383 = vector.broadcast %convert_element_type3A_48 : vector<1x1000xf32> to vector<512x1000xf32>
    %mul3A_384 = arith.mulf %convert_element_type3A_382, %mul3A_383 : vector<512x1000xf32>
    %reduce_sum3A_385 = arith.constant dense<0.000000e+00> : vector<512xf32>
    %reduce_sum3A_386 = vector.multi_reduction <add>, %mul3A_384, %reduce_sum3A_385 [1] : vector<512x1000xf32> to vector<512xf32>
    %broadcast_in_dim3A_387 = vector.shape_cast %reduce_sum3A_386 : vector<512xf32> to vector<512x1xf32>
    %slice3A_388 = vector.extract_strided_slice %dot_general3A_43 {offsets = [16, 0], sizes = [1, 1], strides = [1, 1]} : vector<20x1xf32> to vector<1x1xf32>
    %squeeze3A_389 = vector.extract %slice3A_388[0, 0] : f32 from vector<1x1xf32>
    %add3A_390 = arith.addf %squeeze3A_389, %add3A_57 : f32
    %add3A_391 = vector.broadcast %add3A_390 : f32 to vector<512x1xf32>
    %add3A_392 = arith.addf %broadcast_in_dim3A_387, %add3A_391 : vector<512x1xf32>
    %slice3A_393 = vector.extract_strided_slice %concatenate3A {offsets = [17, 0], sizes = [512, 1000], strides = [1, 1]} : vector<1024x1000xf32> to vector<512x1000xf32>
    %add3A_394 = arith.addf %get3A_1, %slice3A_393 : vector<512x1000xf32>
    %slice3A_395 = vector.extract_strided_slice %add3A_19 {offsets = [17, 0], sizes = [1, 1000], strides = [1, 1]} : vector<20x1000xf32> to vector<1x1000xf32>
    %add3A_396 = vector.broadcast %slice3A_395 : vector<1x1000xf32> to vector<512x1000xf32>
    %add3A_397 = arith.addf %add3A_394, %add3A_396 : vector<512x1000xf32>
    %max3A_398 = arith.constant 0.000000e+00 : f32
    %max3A_399 = vector.broadcast %max3A_398 : f32 to vector<512x1000xf32>
    %max3A_400 = arith.maximumf %add3A_397, %max3A_399 : vector<512x1000xf32>
    %convert_element_type3A_401 = arith.truncf %max3A_400 : vector<512x1000xf32> to vector<512x1000xbf16>
    %convert_element_type3A_402 = arith.extf %convert_element_type3A_401 : vector<512x1000xbf16> to vector<512x1000xf32>
    %mul3A_403 = vector.broadcast %convert_element_type3A_48 : vector<1x1000xf32> to vector<512x1000xf32>
    %mul3A_404 = arith.mulf %convert_element_type3A_402, %mul3A_403 : vector<512x1000xf32>
    %reduce_sum3A_405 = arith.constant dense<0.000000e+00> : vector<512xf32>
    %reduce_sum3A_406 = vector.multi_reduction <add>, %mul3A_404, %reduce_sum3A_405 [1] : vector<512x1000xf32> to vector<512xf32>
    %broadcast_in_dim3A_407 = vector.shape_cast %reduce_sum3A_406 : vector<512xf32> to vector<512x1xf32>
    %slice3A_408 = vector.extract_strided_slice %dot_general3A_43 {offsets = [17, 0], sizes = [1, 1], strides = [1, 1]} : vector<20x1xf32> to vector<1x1xf32>
    %squeeze3A_409 = vector.extract %slice3A_408[0, 0] : f32 from vector<1x1xf32>
    %add3A_410 = arith.addf %squeeze3A_409, %add3A_57 : f32
    %add3A_411 = vector.broadcast %add3A_410 : f32 to vector<512x1xf32>
    %add3A_412 = arith.addf %broadcast_in_dim3A_407, %add3A_411 : vector<512x1xf32>
    %slice3A_413 = vector.extract_strided_slice %concatenate3A {offsets = [18, 0], sizes = [512, 1000], strides = [1, 1]} : vector<1024x1000xf32> to vector<512x1000xf32>
    %add3A_414 = arith.addf %get3A_1, %slice3A_413 : vector<512x1000xf32>
    %slice3A_415 = vector.extract_strided_slice %add3A_19 {offsets = [18, 0], sizes = [1, 1000], strides = [1, 1]} : vector<20x1000xf32> to vector<1x1000xf32>
    %add3A_416 = vector.broadcast %slice3A_415 : vector<1x1000xf32> to vector<512x1000xf32>
    %add3A_417 = arith.addf %add3A_414, %add3A_416 : vector<512x1000xf32>
    %max3A_418 = arith.constant 0.000000e+00 : f32
    %max3A_419 = vector.broadcast %max3A_418 : f32 to vector<512x1000xf32>
    %max3A_420 = arith.maximumf %add3A_417, %max3A_419 : vector<512x1000xf32>
    %convert_element_type3A_421 = arith.truncf %max3A_420 : vector<512x1000xf32> to vector<512x1000xbf16>
    %convert_element_type3A_422 = arith.extf %convert_element_type3A_421 : vector<512x1000xbf16> to vector<512x1000xf32>
    %mul3A_423 = vector.broadcast %convert_element_type3A_48 : vector<1x1000xf32> to vector<512x1000xf32>
    %mul3A_424 = arith.mulf %convert_element_type3A_422, %mul3A_423 : vector<512x1000xf32>
    %reduce_sum3A_425 = arith.constant dense<0.000000e+00> : vector<512xf32>
    %reduce_sum3A_426 = vector.multi_reduction <add>, %mul3A_424, %reduce_sum3A_425 [1] : vector<512x1000xf32> to vector<512xf32>
    %broadcast_in_dim3A_427 = vector.shape_cast %reduce_sum3A_426 : vector<512xf32> to vector<512x1xf32>
    %slice3A_428 = vector.extract_strided_slice %dot_general3A_43 {offsets = [18, 0], sizes = [1, 1], strides = [1, 1]} : vector<20x1xf32> to vector<1x1xf32>
    %squeeze3A_429 = vector.extract %slice3A_428[0, 0] : f32 from vector<1x1xf32>
    %add3A_430 = arith.addf %squeeze3A_429, %add3A_57 : f32
    %add3A_431 = vector.broadcast %add3A_430 : f32 to vector<512x1xf32>
    %add3A_432 = arith.addf %broadcast_in_dim3A_427, %add3A_431 : vector<512x1xf32>
    %slice3A_433 = vector.extract_strided_slice %concatenate3A {offsets = [19, 0], sizes = [512, 1000], strides = [1, 1]} : vector<1024x1000xf32> to vector<512x1000xf32>
    %add3A_434 = arith.addf %get3A_1, %slice3A_433 : vector<512x1000xf32>
    %slice3A_435 = vector.extract_strided_slice %add3A_19 {offsets = [19, 0], sizes = [1, 1000], strides = [1, 1]} : vector<20x1000xf32> to vector<1x1000xf32>
    %add3A_436 = vector.broadcast %slice3A_435 : vector<1x1000xf32> to vector<512x1000xf32>
    %add3A_437 = arith.addf %add3A_434, %add3A_436 : vector<512x1000xf32>
    %max3A_438 = arith.constant 0.000000e+00 : f32
    %max3A_439 = vector.broadcast %max3A_438 : f32 to vector<512x1000xf32>
    %max3A_440 = arith.maximumf %add3A_437, %max3A_439 : vector<512x1000xf32>
    %convert_element_type3A_441 = arith.truncf %max3A_440 : vector<512x1000xf32> to vector<512x1000xbf16>
    %convert_element_type3A_442 = arith.extf %convert_element_type3A_441 : vector<512x1000xbf16> to vector<512x1000xf32>
    %mul3A_443 = vector.broadcast %convert_element_type3A_48 : vector<1x1000xf32> to vector<512x1000xf32>
    %mul3A_444 = arith.mulf %convert_element_type3A_442, %mul3A_443 : vector<512x1000xf32>
    %reduce_sum3A_445 = arith.constant dense<0.000000e+00> : vector<512xf32>
    %reduce_sum3A_446 = vector.multi_reduction <add>, %mul3A_444, %reduce_sum3A_445 [1] : vector<512x1000xf32> to vector<512xf32>
    %broadcast_in_dim3A_447 = vector.shape_cast %reduce_sum3A_446 : vector<512xf32> to vector<512x1xf32>
    %slice3A_448 = vector.extract_strided_slice %dot_general3A_43 {offsets = [19, 0], sizes = [1, 1], strides = [1, 1]} : vector<20x1xf32> to vector<1x1xf32>
    %squeeze3A_449 = vector.extract %slice3A_448[0, 0] : f32 from vector<1x1xf32>
    %add3A_450 = arith.addf %squeeze3A_449, %add3A_57 : f32
    %add3A_451 = vector.broadcast %add3A_450 : f32 to vector<512x1xf32>
    %add3A_452 = arith.addf %broadcast_in_dim3A_447, %add3A_451 : vector<512x1xf32>
    %concatenate3A_453 = tpu.concatenate %add3A_72, %add3A_92, %add3A_112, %add3A_132, %add3A_152, %add3A_172, %add3A_192, %add3A_212, %add3A_232, %add3A_252, %add3A_272, %add3A_292, %add3A_312, %add3A_332, %add3A_352, %add3A_372, %add3A_392, %add3A_412, %add3A_432, %add3A_452 in 1 : vector<512x1xf32>, vector<512x1xf32>, vector<512x1xf32>, vector<512x1xf32>, vector<512x1xf32>, vector<512x1xf32>, vector<512x1xf32>, vector<512x1xf32>, vector<512x1xf32>, vector<512x1xf32>, vector<512x1xf32>, vector<512x1xf32>, vector<512x1xf32>, vector<512x1xf32>, vector<512x1xf32>, vector<512x1xf32>, vector<512x1xf32>, vector<512x1xf32>, vector<512x1xf32>, vector<512x1xf32> -> vector<512x20xf32>
    %swap3A = arith.constant 0 : index
    %swap3A_454 = arith.constant 0 : index
    %swap3A_455 = vector.load %arg14[%swap3A, %swap3A_454] : memref<512x20xf32, #tpu.memory_space<vmem>>, vector<512x20xf32>
    tpu.vector_store %arg14[%swap3A, %swap3A_454], %concatenate3A_453 {strides = array<i32>} : memref<512x20xf32, #tpu.memory_space<vmem>>, vector<512x20xf32>,
    return
  }
  func.func @transform_0(%arg0: i32) -> (i32, i32) {
    %c0_i32 = arith.constant 0 : i32
    %c0_i32_0 = arith.constant 0 : i32
    return %arg0, %c0_i32 : i32, i32
  }
  func.func @transform_1(%arg0: i32) -> (i32, i32) {
    %c0_i32 = arith.constant 0 : i32
    %c0_i32_0 = arith.constant 0 : i32
    return %arg0, %c0_i32 : i32, i32
  }
  func.func @transform_2(%arg0: i32) -> (i32, i32) {
    %add3A = arith.constant 1 : i32
    %add3A_0 = arith.addi %arg0, %add3A : i32
    %min3A = arith.constant 7 : i32
    %min3A_1 = arith.minsi %add3A_0, %min3A : i32
    %c0_i32 = arith.constant 0 : i32
    %c0_i32_2 = arith.constant 0 : i32
    return %min3A_1, %c0_i32 : i32, i32
  }
  func.func @transform_3(%arg0: i32) -> (i32, i32) {
    %c0_i32 = arith.constant 0 : i32
    %c0_i32_0 = arith.constant 0 : i32
    %c0_i32_1 = arith.constant 0 : i32
    return %c0_i32, %c0_i32_0 : i32, i32
  }
  func.func @transform_4(%arg0: i32) -> (i32, i32) {
    %c0_i32 = arith.constant 0 : i32
    %c0_i32_0 = arith.constant 0 : i32
    %c0_i32_1 = arith.constant 0 : i32
    return %c0_i32, %c0_i32_0 : i32, i32
  }
  func.func @transform_5(%arg0: i32) -> (i32, i32) {
    %c0_i32 = arith.constant 0 : i32
    %c0_i32_0 = arith.constant 0 : i32
    %c0_i32_1 = arith.constant 0 : i32
    return %c0_i32, %c0_i32_0 : i32, i32
  }
  func.func @transform_6(%arg0: i32) -> (i32, i32) {
    %c0_i32 = arith.constant 0 : i32
    %c0_i32_0 = arith.constant 0 : i32
    %c0_i32_1 = arith.constant 0 : i32
    return %c0_i32, %c0_i32_0 : i32, i32
  }
  func.func @transform_7(%arg0: i32) -> (i32, i32) {
    %c0_i32 = arith.constant 0 : i32
    %c0_i32_0 = arith.constant 0 : i32
    %c0_i32_1 = arith.constant 0 : i32
    return %c0_i32, %c0_i32_0 : i32, i32
  }
  func.func @transform_8(%arg0: i32) -> (i32, i32) {
    %c0_i32 = arith.constant 0 : i32
    %c0_i32_0 = arith.constant 0 : i32
    %c0_i32_1 = arith.constant 0 : i32
    return %c0_i32, %c0_i32_0 : i32, i32
  }
  func.func @transform_9(%arg0: i32) -> (i32, i32) {
    %c0_i32 = arith.constant 0 : i32
    %c0_i32_0 = arith.constant 0 : i32
    %c0_i32_1 = arith.constant 0 : i32
    return %c0_i32, %c0_i32_0 : i32, i32
  }
  func.func @transform_10(%arg0: i32) -> (i32, i32) {
    %c0_i32 = arith.constant 0 : i32
    %c0_i32_0 = arith.constant 0 : i32
    %c0_i32_1 = arith.constant 0 : i32
    return %c0_i32, %c0_i32_0 : i32, i32
  }
  func.func @transform_11(%arg0: i32) -> (i32, i32) {
    %c0_i32 = arith.constant 0 : i32
    %c0_i32_0 = arith.constant 0 : i32
    %c0_i32_1 = arith.constant 0 : i32
    return %c0_i32, %c0_i32_0 : i32, i32
  }
  func.func @transform_12(%arg0: i32) -> (i32, i32) {
    %c0_i32 = arith.constant 0 : i32
    %c0_i32_0 = arith.constant 0 : i32
    %c0_i32_1 = arith.constant 0 : i32
    return %c0_i32, %c0_i32_0 : i32, i32
  }
  func.func @transform_13(%arg0: i32) -> (i32, i32) {
    %c0_i32 = arith.constant 0 : i32
    %c0_i32_0 = arith.constant 0 : i32
    return %arg0, %c0_i32 : i32, i32
  }
}

module attributes {stable_mosaic.version = 14 : i64} {
  func.func @_matmul_body(%arg0: i32, %arg1: i32, %arg2: memref<512x1024xf32, #tpu.memory_space<vmem>>, %arg3: memref<1024x1000xf32, #tpu.memory_space<vmem>>, %arg4: memref<512x1000xf32, #tpu.memory_space<vmem>>, %arg5: memref<512x1000xf32, #tpu.memory_space<vmem>>) attributes {dimension_semantics = [#tpu.dimension_semantics<arbitrary>, #tpu.dimension_semantics<arbitrary>], iteration_bounds = array<i64: 8, 2>, scalar_prefetch = 0 : i64, scratch_operands = 0 : i64, tpu.core_type = #tpu.core_type<tc>, window_params = [{transform_indices = @transform_0, window_bounds = array<i64: 512, 1024>}, {transform_indices = @transform_1, window_bounds = array<i64: 1024, 1000>}, {transform_indices = @transform_2, window_bounds = array<i64: 512, 1000>}, {transform_indices = @transform_3, window_bounds = array<i64: 512, 1000>}]} {
    %get3A = arith.constant 0 : index
    %get3A_0 = arith.constant 0 : index
    %get3A_1 = vector.load %arg2[%get3A, %get3A_0] : memref<512x1024xf32, #tpu.memory_space<vmem>>, vector<512x1024xf32>
    %get3A_2 = arith.constant 0 : index
    %get3A_3 = arith.constant 0 : index
    %get3A_4 = vector.load %arg3[%get3A_2, %get3A_3] : memref<1024x1000xf32, #tpu.memory_space<vmem>>, vector<1024x1000xf32>
    %convert_element_type3A = arith.truncf %get3A_1 : vector<512x1024xf32> to vector<512x1024xbf16>
    %convert_element_type3A_5 = arith.truncf %get3A_4 : vector<1024x1000xf32> to vector<1024x1000xbf16>
    %dot_general3A = arith.constant dense<0.000000e+00> : vector<512x1000xf32>
    %dot_general3A_6 = tpu.matmul %convert_element_type3A, %convert_element_type3A_5, %dot_general3A {dimension_numbers = #tpu.dot_dimension_numbers<[1], [0], [0], [1], [0, 0, 1, 1], [], []>, transpose_lhs_hint = false} : vector<512x1024xbf16>, vector<1024x1000xbf16>, vector<512x1000xf32> -> vector<512x1000xf32>
    %eq3A = arith.constant 0 : i32
    %eq3A_7 = arith.cmpi eq, %arg1, %eq3A : i32
    %convert_element_type3A_8 = arith.extui %eq3A_7 : i1 to i32
    %cond3A = arith.constant 0 : i32
    %cond3A_9 = arith.cmpi ne, %convert_element_type3A_8, %cond3A : i32
    scf.if %cond3A_9 {
      %swap3A = arith.constant 0 : index
      %swap3A_15 = arith.constant 0 : index
      %swap3A_16 = vector.load %arg4[%swap3A, %swap3A_15] : memref<512x1000xf32, #tpu.memory_space<vmem>>, vector<512x1000xf32>
      tpu.vector_store %arg4[%swap3A, %swap3A_15], %dot_general3A_6 {strides = array<i32>} : memref<512x1000xf32, #tpu.memory_space<vmem>>, vector<512x1000xf32>,
    } else {
    }
    %eq3A_10 = arith.constant 1 : i32
    %eq3A_11 = arith.cmpi eq, %arg1, %eq3A_10 : i32
    %convert_element_type3A_12 = arith.extui %eq3A_11 : i1 to i32
    %cond3A_13 = arith.constant 0 : i32
    %cond3A_14 = arith.cmpi ne, %convert_element_type3A_12, %cond3A_13 : i32
    scf.if %cond3A_14 {
      %swap3A = arith.constant 0 : index
      %swap3A_15 = arith.constant 0 : index
      %swap3A_16 = vector.load %arg5[%swap3A, %swap3A_15] : memref<512x1000xf32, #tpu.memory_space<vmem>>, vector<512x1000xf32>
      tpu.vector_store %arg5[%swap3A, %swap3A_15], %dot_general3A_6 {strides = array<i32>} : memref<512x1000xf32, #tpu.memory_space<vmem>>, vector<512x1000xf32>,
    } else {
    }
    return
  }
  func.func @transform_0(%arg0: i32, %arg1: i32) -> (i32, i32) {
    %c0_i32 = arith.constant 0 : i32
    %c0_i32_0 = arith.constant 0 : i32
    return %arg0, %c0_i32 : i32, i32
  }
  func.func @transform_1(%arg0: i32, %arg1: i32) -> (i32, i32) {
    %c0_i32 = arith.constant 0 : i32
    %c0_i32_0 = arith.constant 0 : i32
    return %arg1, %c0_i32 : i32, i32
  }
  func.func @transform_2(%arg0: i32, %arg1: i32) -> (i32, i32) {
    %c0_i32 = arith.constant 0 : i32
    %c0_i32_0 = arith.constant 0 : i32
    return %arg0, %c0_i32 : i32, i32
  }
  func.func @transform_3(%arg0: i32, %arg1: i32) -> (i32, i32) {
    %c0_i32 = arith.constant 0 : i32
    %c0_i32_0 = arith.constant 0 : i32
    return %arg0, %c0_i32 : i32, i32
  }
}

</mosaic_0001>

<sc_bundles>
// kernel: kernel.5.cloned.1.call-start
scs
__scs_entry_jumppad:
0x0: {  	(pc) =	sbr.rel $0x88, $3  }
0x1: {  	(tag) =	ssettag $0x0;
	lr =	simm.s32 $0x1  }
0x2: {  	[smem:$0x3F95] =	sst lr;
	_ =	strace $0xD0000000  }
0x3: {  	_ = 	snop  }
0x4: {  	_ = 	snop  }
0x5: {  	_ = 	snop  }
0x6: {  	_ = 	snop  }
0x7: {  	_ = 	snop  }
__scs_overlays_trampoline_lowered:
0x8: {  	[smem:$0x3FA4] =	sst s0  }
0x9: {  	[smem:$0x3FA5] =	sst s1  }
0xa: {  	[smem:$0x3FA6] =	sst s2  }
0xb: {  	[smem:$0x3FA7] =	sst s3  }
0xc: {  	[smem:$0x3FA8] =	sst s4  }
0xd: {  	[smem:$0x3FA9] =	sst s5  }
0xe: {  	[smem:$0x3FAA] =	sst s6  }
0xf: {  	[smem:$0x3FAB] =	sst s7  }
0x10: {  	[smem:$0x3FAC] =	sst s8  }
0x11: {  	[smem:$0x3FAD] =	sst s9;
	s0 =	simm.s32 @!p0 $0x0  }
0x12: {  	s1 =	sld [smem:$0x3F93];
	s0 =	simm.s32 @p0 $0x1  }
0x13: {  	[smem:$0x3FAE] =	sst s0;
	s0 =	simm.s32 @!p1 $0x0  }
0x14: {  	s2 =	sld [smem:$0x3F92];
	s0 =	simm.s32 @p1 $0x1  }
0x15: {  	[smem:$0x3FAF] =	sst s0;
	s0 =	simm.s32 @!p2 $0x0  }
0x16: {  	s3 =	sld [smem:$0x3FDB];
	s0 =	simm.s32 @p2 $0x1  }
0x17: {  	s4 =	simm.s32 $0x1BF5;
	[smem:$0x3FB1] =	sst s0  }
0x18: {  	s0 =	sld [smem:$0x3F94];
	_ =	swait.ge [sflag:s4], $0x0  }
0x19: {  	s7 =	sld [smem:$0x3F95]  }
0x1a: {  	s8 =	sadd.s32 $0xFFFFE003, lr  }
0x1b: {  	s9 =	sadd.s32 $0xFFFFFEF7, lr;
	s5 =	simm.s32 $0xFFFFFFFF;
	p2 =	slt.u32 s8, $0xFFFFF086  }
0x1c: {  	p1 =	slt.u32 s9, $0xF7A;
	s5 =	simm.s32 @!p2 $0x0  }
0x1d: {  	s5 =	simm.s32 @p1 $0x1;
	p0 =	seq.s32 s7, s2  }
0x1e: {  	s7 =	smul.u32 @!p0 $0xF7A, s2;
	p2 =	seq.s32 @!p0 s5, $0x0  }
0x1f: {  	s9 =	smul.u32 $0xF7A, s1;
	s8 =	simm.s32 @!p0 $0x1BF5;
	p2 =	por !p2, p0  }
0x20: {  	[sflag:s8] =	ssyncset.s32 @!p0 $0xFFFFF086;
	s6 =	sadd.s32 @!p0 s3, s7;
	s7 =	simm.s32 @!p0 $0x108  }
0x21: {  	s3 =	sadd.s32 s3, s9;
	s6 =	sadd.s32 @!p0 $0x88, s6;
	s7 =	simm.s32 @p2 $0x1082  }
0x22: {  	[simem:s7], [sflag:s8] =	dma.local @!p0 [hbm:s6], $0xF7A  }
0x23: {  	s9 =	sor.u32 $0xD0000000, s2;
	s6 =	simm.s32 $0x108;
	_ =	swait.ge @!p0 [sflag:s8], $0x0  }
0x24: {  	s3 =	sadd.s32 $0x88, s3;
	s6 =	simm.s32 @!p1 $0x1082;
	[sflag:s4] =	ssyncset.s32 $0xFFFFF086  }
0x25: {  	[simem:s6], [sflag:s4] =	dma.local [hbm:s3], $0xF7A  }
0x26: {  	[smem:$0x3F95] =	sst s1;
	(tag) =	ssettag s2;
	_ =	strace s9  }
0x27: {  	s1 =	sld [smem:$0x3FA5]  }
0x28: {  	s2 =	sld [smem:$0x3FA6]  }
0x29: {  	s4 =	sld [smem:$0x3FA8]  }
0x2a: {  	p0 =	seq.s32 s5, $0x0;
	s5 =	sld [smem:$0x3FA9]  }
0x2b: {  	s6 =	sld [smem:$0x3FAA]  }
0x2c: {  	s7 =	sld [smem:$0x3FAB]  }
0x2d: {  	s3 =	simm.s32 $0x108;
	s8 =	sld [smem:$0x3FAC]  }
0x2e: {  	s3 =	simm.s32 @!p0 $0x1082;
	s9 =	sld [smem:$0x3FAD]  }
0x2f: {  	lr =	sadd.s32 s0, s3;
	s0 =	sld [smem:$0x3FA4]  }
0x30: {  	s3 =	sld [smem:$0x3FA7]  }
0x31: {  	[smem:$0x3FB0] =	sst s10  }
0x32: {  	s10 =	sld [smem:$0x3FAE];
	_ =	sdelay $0x3  }
0x33: {  	p0 =	seq.s32 s10, $0x1;
	s10 =	sld [smem:$0x3FB0];
	_ =	sdelay $0x3  }
0x34: {  	[smem:$0x3FB0] =	sst s10  }
0x35: {  	s10 =	sld [smem:$0x3FAF];
	_ =	sdelay $0x3  }
0x36: {  	p1 =	seq.s32 s10, $0x1;
	s10 =	sld [smem:$0x3FB0];
	_ =	sdelay $0x3  }
0x37: {  	[smem:$0x3FB0] =	sst s10  }
0x38: {  	s10 =	sld [smem:$0x3FB1]  }
0x39: {  	_ = 	snop;
	(pc) =	sbr.ind lr, $3  }
0x3a: {  	_ = 	snop  }
0x3b: {  	_ = 	snop  }
0x3c: {  	p2 =	seq.s32 s10, $0x1;
	s10 =	sld [smem:$0x3FB0]  }
0x3d: {  	_ =	shalt  }
0x3e: {  	_ =	shalt  }
0x3f: {  	_ =	shalt  }
0x40: {  	_ =	shalt  }
0x41: {  	_ =	shalt  }
0x42: {  	_ =	shalt  }
0x43: {  	_ =	shalt  }
0x44: {  	_ =	shalt  }
0x45: {  	_ =	shalt  }
0x46: {  	_ =	shalt  }
0x47: {  	_ =	shalt  }
0x48: {  	_ =	shalt  }
0x49: {  	_ =	shalt  }
0x4a: {  	_ =	shalt  }
0x4b: {  	_ =	shalt  }
0x4c: {  	_ =	shalt  }
0x4d: {  	_ =	shalt  }
0x4e: {  	_ =	shalt  }
0x4f: {  	_ =	shalt  }
0x50: {  	_ =	shalt  }
0x51: {  	_ =	shalt  }
0x52: {  	_ =	shalt  }
0x53: {  	_ =	shalt  }
0x54: {  	_ =	shalt  }
0x55: {  	_ =	shalt  }
0x56: {  	_ =	shalt  }
0x57: {  	_ =	shalt  }
0x58: {  	_ =	shalt  }
0x59: {  	_ =	shalt  }
0x5a: {  	_ =	shalt  }
0x5b: {  	_ =	shalt  }
0x5c: {  	_ =	shalt  }
0x5d: {  	_ =	shalt  }
0x5e: {  	_ =	shalt  }
0x5f: {  	_ =	shalt  }
0x60: {  	_ =	shalt  }
0x61: {  	_ =	shalt  }
0x62: {  	_ =	shalt  }
0x63: {  	_ =	shalt  }
0x64: {  	_ =	shalt  }
0x65: {  	_ =	shalt  }
0x66: {  	_ =	shalt  }
0x67: {  	_ =	shalt  }
0x68: {  	_ =	shalt  }
0x69: {  	_ =	shalt  }
0x6a: {  	_ =	shalt  }
0x6b: {  	_ =	shalt  }
0x6c: {  	_ =	shalt  }
0x6d: {  	_ =	shalt  }
0x6e: {  	_ =	shalt  }
0x6f: {  	_ =	shalt  }
0x70: {  	_ =	shalt  }
0x71: {  	_ =	shalt  }
0x72: {  	_ =	shalt  }
0x73: {  	_ =	shalt  }
0x74: {  	_ =	shalt  }
0x75: {  	_ =	shalt  }
0x76: {  	_ =	shalt  }
0x77: {  	_ =	shalt  }
0x78: {  	_ =	shalt  }
0x79: {  	_ =	shalt  }
0x7a: {  	_ =	shalt  }
0x7b: {  	_ =	shalt  }
0x7c: {  	_ =	shalt  }
0x7d: {  	_ =	shalt  }
0x7e: {  	_ =	shalt  }
0x7f: {  	_ =	shalt  }
0x80: {  	_ =	shalt  }
0x81: {  	_ =	shalt  }
0x82: {  	_ =	shalt  }
0x83: {  	_ =	shalt  }
0x84: {  	_ =	shalt  }
0x85: {  	_ =	shalt  }
0x86: {  	_ =	shalt  }
0x87: {  	_ =	shalt  }
.Lfunc_end0:
.L_simem_size_0:
called_computation_lowered:
.L_overlay_start_0:
0x88: {  	s0 =	sld [smem:$0x3FD9]  }
0x89: {  	s1 =	sld [smem:$0x3FFE];
	_ =	sdelay $0x3  }
0x8a: {  	s0 =	sadd.s32 s1, s0  }
0x8b: {  	[smem:$0x3FBC] =	sst s0  }
0x8c: {  	_ = 	snop  }
0x8d: {  	s0 =	sld [smem:$0x3FD0];
	_ =	sdelay $0x2  }
0x8e: {  	s13 =	simm.s32 $0xA;
	s2 =	simm.s32 $0x10  }
0x8f: {  	[smem:s2], [sflag:s13] =	dma.local [hbm:s0], $0x1  }
0x90: {  	_ =	swait.eq [sflag:s13], $0x1  }
0x91: {  	s14 =	sld [smem:$0x10];
	[sflag:s13] =	ssyncset.done $0x0  }
0x92: {  	s15 =	sld [smem:$0x11];
	[sflag:s13] =	ssyncadd.s32 $0xFFFFFFFF  }
0x93: {  	s16 =	sld [smem:$0x12];
	(tm) =	ssettm $0x1  }
0x94: {  	s3 =	sld [smem:$0x3FFB];
	_ =	sdelay $0x3  }
0x95: {  	_ =	strace s3  }
0x96: {  	s3 =	sld [smem:$0x3FFC];
	_ =	sdelay $0x3  }
0x97: {  	_ =	strace s3  }
0x98: {  	s3 =	sld [smem:$0x3FFD];
	_ =	sdelay $0x3  }
0x99: {  	_ =	strace s3  }
0x9a: {  	_ =	strace $0x8FFFFFFF  }
0x9b: {  	s17 =	sld [smem:$0x3FDB];
	_ =	sdelay $0x1  }
0x9c: {  	s4 =	simm.s32 $_scs_section_size  }
0x9d: {  	s5 =	simm.s32 $_size__tile_overlayer_lowered;
	s6 =	simm.s32 $_tile_overlayer_lowered  }
0x9e: {  	s20 =	simm.s32 $0x1BFF;
	s19 =	sshll.u32 s6, $0x1;
	s3 =	sadd.s32 s4, s17  }
0x9f: {  	s7 =	simm.s32 $0x0;
	s18 =	sshll.u32 s5, $0x1;
	s5 =	sadd.s32 s19, s3  }
0xa0: {  	[timem:s7], [sflag:s20] =	dma.local [hbm:s5], s18  }
0xa1: {  	_ =	swait.ge [sflag:s20], s18  }
0xa2: {  	s4 =	ssub.s32 $0x0, s18;
	[sflag:s20] =	ssyncset.done $0x0  }
0xa3: {  	[sflag:s20] =	ssyncadd.s32 s4;
	_ =	sdelay $0x1  }
0xa4: {  	s21 =	simm.s32 $0x1B8B  }
0xa5: {  	_ =	swait.ge [sflag:s21], $0x1  }
0xa6: {  	[sflag:s21] =	ssyncset.done $0x0  }
0xa7: {  	s23 =	simm.s32 $0x1B8E;
	s22 =	sld [smem:$0x3FFE];
	[sflag:s21] =	ssyncadd.s32 $0xFFFFFFFF  }
0xa8: {  	s24 =	simm.s32 $execute0_lowered;
	[smem:$0x3FD2] =	sst s23  }
0xa9: {  	s5 =	sshll.u32 s24, $0x1;
	_ =	strace $0x80000046;
	[dreg:$0x1] =	wrdreg $0xFFFFFFFF  }
0xaa: {  	s25 =	simm.s32 $_size_execute0_lowered;
	s3 =	sadd.s32 s3, s5;
	[dreg:$0x0] =	wrdreg $0x0  }
0xab: {  	s5 =	sshll.u32 s25, $0x1;
	[dreg:$0x2] =	wrdreg s3  }
0xac: {  	[dreg:$0x3] =	wrdreg s5  }
0xad: {  	[dreg:$0x4] =	wrdreg $0xC0  }
0xae: {  	_ =	task [dreg:s7], $0x5FFFF  }
0xaf: {  	[dreg:$0x1] =	wrdreg $0xFFFFFFFF  }
0xb0: {  	[dreg:$0x0] =	wrdreg $0x60  }
0xb1: {  	[dreg:$0x2] =	wrdreg s22  }
0xb2: {  	[dreg:$0x3] =	wrdreg s14  }
0xb3: {  	[dreg:$0x4] =	wrdreg s15  }
0xb4: {  	[dreg:$0x5] =	wrdreg s16  }
0xb5: {  	[dreg:$0x6] =	wrdreg $0x15A000  }
0xb6: {  	[dreg:$0x7] =	wrdreg $0x15E000  }
0xb7: {  	[dreg:$0x8] =	wrdreg $0x15E100  }
0xb8: {  	[dreg:$0x9] =	wrdreg $0x164900  }
0xb9: {  	[dreg:$0xa] =	wrdreg $0x16B100  }
0xba: {  	[dreg:$0xb] =	wrdreg $0x171900  }
0xbb: {  	[dreg:$0xc] =	wrdreg $0x178100  }
0xbc: {  	[dreg:$0xd] =	wrdreg $0x9  }
0xbd: {  	_ =	task.clear_ibuf [dreg:s7], $0xEFFFF;
	_ =	strace $0x90000046  }
0xbe: {  	s26 =	simm.s32 $0x9;
	_ =	strace $0x80000048  }
0xbf: {  	_ =	swait.ge [sflag:s26], $0x1  }
0xc0: {  	[sflag:s26] =	ssyncadd.s32 $0xFFFFFFFF  }
0xc1: {  	_ =	strace $0x90000048  }
0xc2: {  	_ =	sfence  }
0xc3: {  	s28 =	sld [smem:$0x0];
	_ =	sdelay $0x1  }
0xc4: {  	s29 =	srdreg.scid  }
0xc5: {  	s30 =	sshll.u32 s29, $0xD;
	s31 =	sshrl.u32 s29, $0x2  }
0xc6: {  	s1 =	sand.u32 $0x1, s29;
	s2 =	sand.u32 $0x4000, s30;
	s0 =	sadd.s32 s31, s28  }
0xc7: {  	s1 =	sor.u32 s2, s1;
	s0 =	sshll.u32 s0, $0x11  }
0xc8: {  	s0 =	sor.u32 s0, s1  }
0xc9: {  	s0 =	sadd.s32 $0x8F2B, s0  }
0xca: {  	[sflag:s0] =	ssyncadd.remote.s32 $0x1  }
0xcb: {  	_ =	sfence.sel $0xFFFF  }
0xcc: {  	[dreg:$0x0] =	wrdreg $0xFFFFFFFF;
	(pc) =	sbr.abs _section_cstart, $3  }
0xcd: {  	[dreg:$0x1] =	wrdreg $0xFFFFFFFF  }
0xce: {  	_ =	task.clear_ibuf [dreg:s7], $0x2FFFF;
	_ =	strace $0x9FFFFFFF  }
0xcf: {  	(tm) =	ssettm $0x7FFFFFFF  }
tec
execute0_lowered:
.L_overlay_start_1:
0x0: {  	(tag) =	ssettag $0x1  }
0x1: {  	s13 =	rddreg [dreg:$0x0]  }
0x2: {  	s4 =	rddreg [dreg:$0x1];
	s6 =	stileid.u32  }
0x3: {  	s2 =	rddreg [dreg:$0x2];
	s10 =	smul.u32 $0x1400, s6  }
0x4: {  	s0 =	rddreg [dreg:$0x3];
	v0 =	vlaneseq.u32  }
0x5: {  	s12 =	rddreg [dreg:$0x4];
	v1 =	vor.u32 s10, v0  }
0x6: {  	s11 =	rddreg [dreg:$0x5];
	v2 =	vcvt.s32.f32 v1  }
0x7: {  	s9 =	rddreg [dreg:$0x6]  }
0x8: {  	s8 =	rddreg [dreg:$0x7];
	v2 =	vmul.f32 $5.000000070e-02, v2  }
0x9: {  	s7 =	rddreg [dreg:$0x8]  }
0xa: {  	s5 =	rddreg [dreg:$0x9];
	v2 =	vtrunc.f32 v2  }
0xb: {  	s3 =	rddreg [dreg:$0xa];
	v2 =	vcvt.f32.s32 v2  }
0xc: {  	s1 =	rddreg [dreg:$0xb]  }
0xd: {  	s14 =	simm.s32 $0x0;
	s31 =	simm.s32 $0x1;
	s15 =	sshrl.u32 s10, $0x3;
	v3 =	vmul.u32 $0xFFFFFFEC, v2  }
0xe: {  	[smem:$0x7FF] =	sst s14;
	s30 =	sshll.u32 s6, $0x8;
	s15 =	sadd.s32 s15, s13;
	v1 =	vadd.s32 v2, v1  }
0xf: {  	_ =	strace $0x80000047;
	s16 =	sadd.s32 $0x10, s10;
	s15 =	sadd.s32 $0x1E00, s15;
	v6 =	vadd.s32 v3, v1  }
0x10: {  	[tilespmem:s14], [sflag:$0x1] =	stream.linear.gather [hbm4b:s15+s14], $0x1400, $0x38;
	v1 =	vmov s30;
	v3 =	vor.u32 s16, v0;
	vm0 =	vlt.s32 v6, $0xFFF;
	[tilespmem:$0x17E90] =	vst v63  }
0x11: {  	s17 =	sshll.u32 s6, $0x5;
	_ =	swait.ge [sflag:s31], $0x1400;
	v5 =	vcvt.s32.f32 v3;
	v8 =	vsub.s32 v2, v1;
	v4 =	vnsel vm0, $0xFFF, v6  }
0x12: {  	s13 =	sadd.s32 s17, s13;
	[sflag:s31] =	ssyncset.done $0x0;
	v2 =	vand.u32 $0x7F, v2;
	v8 =	vand.u32 $0xFFFFFF80, v8;
	v7 =	vsub.s32 v4, v1  }
0x13: {  	s17 =	sadd.s32 $0x4600, s13;
	s13 =	simm.s32 $0x2800;
	[sflag:s31] =	ssyncadd.s32 $0xFFFFEC00;
	v4 =	vand.u32 $0x7F, v4;
	v2 =	vor.u32 v2, v8;
	v7 =	vand.u32 $0xFFFFFF80, v7  }
0x14: {  	[tilespmem:s13], [sflag:$0x1] =	stream.linear.gather [hbm4b:s17+s14], $0x180, $0x38;
	v5 =	vmul.f32 $5.000000070e-02, v5;
	v4 =	vor.u32 v4, v7;
	[tilespmem:$0x17E90] =	vst v63  }
0x15: {  	_ =	swait.ge [sflag:s31], $0x180  }
0x16: {  	[sflag:s31] =	ssyncset.done $0x0;
	v5 =	vtrunc.f32 v5  }
0x17: {  	[sflag:s31] =	ssyncadd.s32 $0xFFFFFE80;
	v5 =	vcvt.f32.s32 v5  }
0x18: {  	v8 =	vld.idx.msk [tilespmem:v2+s13+$0x0], $0xffff  }
0x19: {  	v2 =	vmul.u32 $0xFFFFFFEC, v5;
	v7 =	vld.idx.msk [tilespmem:v4+s13+$0x0], $0xffff  }
0x1a: {  	s17 =	simm.s32 $0x0;
	v4 =	vadd.s32 v5, v3  }
0x1b: {  	v9 =	vld [tilespmem:s17+$0x0];
	v2 =	vadd.s32 v2, v4  }
0x1c: {  	s15 =	sadd.s32 $0x10, s16;
	vm15 =	vlt.s32 v6, $0x1000;
	v10 =	vsub.s32 v5, v1;
	vm14 =	vlt.s32 v2, $0xFFF  }
0x1d: {  	v3 =	vor.u32 s15, v0;
	v5 =	vand.u32 $0x7F, v5;
	v11 =	vnsel vm14, $0xFFF, v2  }
0x1e: {  	v4 =	vcvt.s32.f32 v3;
	v12 =	vsub.s32 v11, v1;
	vm1 =	veq.s32 v8, v7  }
0x1f: {  	v6 =	vand.u32 $0xFFFFFF80, v12;
	v7 =	vand.u32 $0x7F, v11;
	vm0 =	vmand vm15, vm1  }
0x20: {  	s18 =	simm.s32 $0xC0;
	s14 =	simm.s32 $0x80;
	s16 =	simm.s32 $0x40;
	v8 =	vand.u32 $0xFFFFFF80, v10;
	v6 =	vor.u32 v7, v6;
	v7 =	vnsel vm0, $0xFF800000, v9  }
.LBB2_1:
0x21: {  	p0 =	sne.s32 s18, $0x4FC0;
	v5 =	vor.u32 v5, v8;
	[tilespmem:s17+$0x0] =	vst v7;
	v8 =	vshra.s32 v7, $0x1F  }
0x22: {  	v4 =	vmul.f32 $5.000000070e-02, v4;
	v8 =	vor.u32 $0x80000000, v8  }
0x23: {  	v7 =	vxor.u32 v7, v8  }
0x24: {  	v4 =	vtrunc.f32 v4;
	[tilespmem:s17+$0x1400] =	vst v7  }
0x25: {  	v7 =	vcvt.f32.s32 v4;
	v6 =	vld.idx.msk [tilespmem:v6+s13+$0x0], $0xffff  }
0x26: {  	v8 =	vld.idx.msk [tilespmem:v5+s13+$0x0], $0xffff  }
0x27: {  	v4 =	vmul.u32 $0xFFFFFFEC, v7  }
0x28: {  	s15 =	sadd.s32 $0x10, s15;
	s17 =	sshra.s32 s16, $0x2;
	s16 =	smov.u32 s14;
	v5 =	vadd.s32 v7, v3  }
0x29: {  	s14 =	smov.u32 s18;
	v3 =	vor.u32 s15, v0;
	v9 =	vadd.s32 v4, v5;
	v10 =	vld [tilespmem:s17+$0x0]  }
.Ltmp0:
0x2a: {  	v4 =	vcvt.s32.f32 v3;
	vm0 =	vlt.s32 v9, $0xFFF;
	(pc) =	sbr.rel @p0 .LBB2_1-.Ltmp0, $4  }
0x2b: {  	v11 =	vsub.s32 v7, v1;
	v5 =	vand.u32 $0x7F, v7;
	v12 =	vnsel vm0, $0xFFF, v9  }
0x2c: {  	vm0 =	vlt.s32 v2, $0x1000;
	v2 =	vmovc v9;
	v7 =	vsub.s32 v12, v1;
	vm1 =	veq.s32 v8, v6  }
0x2d: {  	v6 =	vand.u32 $0xFFFFFF80, v7;
	v7 =	vand.u32 $0x7F, v12;
	vm0 =	vmand vm0, vm1  }
0x2e: {  	s18 =	sadd.s32 $0x40, s18;
	v8 =	vand.u32 $0xFFFFFF80, v11;
	v6 =	vor.u32 v7, v6;
	v7 =	vnsel vm0, $0xFF800000, v10  }
0x2f: {  	v0 =	vor.u32 v5, v8;
	v58 =	vshra.s32 v7, $0x1F;
	v4 =	vmul.f32 $5.000000070e-02, v4  }
0x30: {  	v5 =	vor.u32 $0x80000000, v58  }
0x31: {  	[tilespmem:s17+$0x0] =	vst v7;
	v5 =	vxor.u32 v7, v5;
	v4 =	vtrunc.f32 v4  }
0x32: {  	[tilespmem:s17+$0x1400] =	vst v5;
	v4 =	vcvt.f32.s32 v4  }
0x33: {  	v5 =	vld.idx.msk [tilespmem:v6+s13+$0x0], $0xffff  }
0x34: {  	v0 =	vld.idx.msk [tilespmem:v0+s13+$0x0], $0xffff;
	v59 =	vmul.u32 $0xFFFFFFEC, v4  }
0x35: {  	s15 =	sshra.s32 s16, $0x2;
	v3 =	vadd.s32 v4, v3  }
0x36: {  	v60 =	vld [tilespmem:s15+$0x0];
	v3 =	vadd.s32 v59, v3  }
0x37: {  	vm0 =	vlt.s32 v3, $0xFFF  }
0x38: {  	vm13 =	vlt.s32 v2, $0x1000;
	v61 =	vsub.s32 v4, v1;
	v62 =	vnsel vm0, $0xFFF, v3  }
0x39: {  	v4 =	vand.u32 $0x7F, v4;
	v1 =	vsub.s32 v62, v1;
	vm1 =	veq.s32 v0, v5  }
0x3a: {  	v0 =	vand.u32 $0xFFFFFF80, v1;
	v1 =	vand.u32 $0x7F, v62;
	vm0 =	vmand vm13, vm1  }
0x3b: {  	v2 =	vand.u32 $0xFFFFFF80, v61;
	v0 =	vor.u32 v1, v0;
	v1 =	vnsel vm0, $0xFF800000, v60  }
0x3c: {  	v2 =	vor.u32 v4, v2;
	v63 =	vshra.s32 v1, $0x1F  }
0x3d: {  	v4 =	vor.u32 $0x80000000, v63  }
0x3e: {  	[tilespmem:s15+$0x0] =	vst v1;
	v1 =	vxor.u32 v1, v4  }
0x3f: {  	[tilespmem:s15+$0x1400] =	vst v1  }
0x40: {  	v0 =	vld.idx.msk [tilespmem:v0+s13+$0x0], $0xffff  }
0x41: {  	v1 =	vld.idx.msk [tilespmem:v2+s13+$0x0], $0xffff  }
0x42: {  	s31 =	sshra.s32 s14, $0x2  }
0x43: {  	v2 =	vld [tilespmem:s31+$0x0];
	_ =	sdelay $0x2  }
0x44: {  	vm14 =	vlt.s32 v3, $0x1000;
	vm15 =	veq.s32 v1, v0  }
0x45: {  	vm0 =	vmand vm14, vm15  }
0x46: {  	v0 =	vnsel vm0, $0xFF800000, v2  }
0x47: {  	v1 =	vshra.s32 v0, $0x1F  }
0x48: {  	v1 =	vor.u32 $0x80000000, v1  }
0x49: {  	[tilespmem:s31+$0x0] =	vst v0;
	v0 =	vxor.u32 v0, v1  }
0x4a: {  	[tilespmem:s31+$0x1400] =	vst v0;
	v0 =	vimm.s32 $0x0  }
0x4b: {  	[tilespmem:$0x2980] =	vst v0  }
0x4c: {  	[tilespmem:$0x2990] =	vst v0  }
0x4d: {  	[tilespmem:$0x29A0] =	vst v0  }
0x4e: {  	[tilespmem:$0x29B0] =	vst v0  }
0x4f: {  	[tilespmem:$0x29C0] =	vst v0  }
0x50: {  	[tilespmem:$0x29D0] =	vst v0  }
0x51: {  	[tilespmem:$0x29E0] =	vst v0  }
0x52: {  	[tilespmem:$0x29F0] =	vst v0  }
0x53: {  	[tilespmem:$0x2A00] =	vst v0  }
0x54: {  	[tilespmem:$0x2A10] =	vst v0  }
0x55: {  	[tilespmem:$0x2A20] =	vst v0  }
0x56: {  	[tilespmem:$0x2A30] =	vst v0  }
0x57: {  	[tilespmem:$0x2A40] =	vst v0  }
0x58: {  	[tilespmem:$0x2A50] =	vst v0  }
0x59: {  	[tilespmem:$0x2A60] =	vst v0  }
0x5a: {  	s14 =	simm.s32 $0x2980;
	s15 =	simm.s32 $0x0;
	s13 =	simm.s32 $0x40;
	[tilespmem:$0x2A70] =	vst v0;
	v0 =	vimm.s32 $0x1  }
.LBB2_3:
0x5b: {  	p0 =	sne.s32 s13, $0x4FC0;
	v1 =	vld [tilespmem:s15+$0x1400];
	_ =	sdelay $0x4  }
0x5c: {  	v1 =	vshrl.u32 v1, $0x18  }
.Ltmp1:
0x5d: {  	(pc) =	sbr.rel @p0 .LBB2_3-.Ltmp1, $2  }
0x5e: {  	_ =	sdelay $0x2  }
0x5f: {  	s15 =	sshra.s32 s13, $0x2;
	s13 =	sadd.s32 $0x40, s13;
	[tilespmem:v1+s14+$0x0] =	vst.idx.add.s32.msk $0xffff, v0  }
0x60: {  	v1 =	vld [tilespmem:s15+$0x1400];
	_ =	sdelay $0x4  }
0x61: {  	v1 =	vshrl.u32 v1, $0x18;
	_ =	sdelay $0x3  }
0x62: {  	s13 =	sshll.u32 s6, $0xA;
	s29 =	simm.s32 $0x80;
	s16 =	simm.s32 $0x200  }
0x63: {  	s15 =	simm.s32 $0x2980;
	s17 =	simm.s32 $0x1;
	s13 =	sadd.s32 s13, s12;
	[tilespmem:v1+s14+$0x0] =	vst.idx.add.s32.msk $0xffff, v0  }
0x64: {  	[spmem:s13] =	stream.strided.scatter [tilespmem:s15], [sflag:$0x1], $0x100, s16, s29, $0x38;
	[tilespmem:$0x17E90] =	vst v63  }
0x65: {  	_ =	swait.ge [sflag:s17], $0x100  }
0x66: {  	[sflag:s17] =	ssyncset.done $0x0  }
0x67: {  	[sflag:s17] =	ssyncadd.s32 $0xFFFFFF00  }
0x68: {  	s18 =	simm.s32 $0x2A80;
	[bflag:$0x0] =	sbarrier.arrive $0xFFFF  }
0x69: {  	[tilespmem:s18], [sflag:$0x1] =	stream.strided.gather [spmem:s12], $0x1000, s16, s29, $0x38;
	[tilespmem:$0x17E90] =	vst v63  }
0x6a: {  	_ =	swait.ge [sflag:s17], $0x1000  }
0x6b: {  	s14 =	simm.s32 $0x0;
	[sflag:s17] =	ssyncset.done $0x0  }
0x6c: {  	s30 =	sand.u32 $0xF0, s14;
	[sflag:s17] =	ssyncadd.s32 $0xFFFFF000  }
0x6d: {  	v0 =	vld [tilespmem:s30+$0x2B80]  }
0x6e: {  	v1 =	vld [tilespmem:s30+$0x2A80]  }
0x6f: {  	v2 =	vld [tilespmem:s30+$0x2C80]  }
0x70: {  	v3 =	vld [tilespmem:s30+$0x2D80]  }
0x71: {  	v4 =	vld [tilespmem:s30+$0x2E80]  }
0x72: {  	v5 =	vld [tilespmem:s30+$0x2F80]  }
0x73: {  	v0 =	vadd.s32 v1, v0;
	v1 =	vld [tilespmem:s30+$0x3080]  }
0x74: {  	v0 =	vadd.s32 v0, v2;
	v2 =	vld [tilespmem:s30+$0x3180]  }
0x75: {  	v0 =	vadd.s32 v0, v3;
	v3 =	vld [tilespmem:s30+$0x3280]  }
0x76: {  	v60 =	vld [tilespmem:s30+$0x3380];
	v0 =	vadd.s32 v0, v4  }
0x77: {  	v61 =	vld [tilespmem:s30+$0x3480];
	v0 =	vadd.s32 v0, v5  }
0x78: {  	v0 =	vadd.s32 v0, v1;
	v1 =	vld [tilespmem:s30+$0x3580]  }
0x79: {  	v0 =	vadd.s32 v0, v2;
	v2 =	vld [tilespmem:s30+$0x3680]  }
0x7a: {  	v0 =	vadd.s32 v0, v3;
	v3 =	vld [tilespmem:s30+$0x3780]  }
0x7b: {  	v62 =	vld [tilespmem:s30+$0x3880];
	v0 =	vadd.s32 v0, v60  }
0x7c: {  	v63 =	vld [tilespmem:s30+$0x3980];
	v0 =	vadd.s32 v0, v61  }
0x7d: {  	v0 =	vadd.s32 v0, v1  }
0x7e: {  	v0 =	vadd.s32 v0, v2  }
0x7f: {  	v0 =	vadd.s32 v0, v3  }
0x80: {  	v0 =	vadd.s32 v0, v62  }
0x81: {  	s31 =	simm.s32 $0x10;
	v0 =	vadd.s32 v0, v63  }
0x82: {  	s16 =	sand.u32 $0xF0, s31;
	[tilespmem:s15+$0x0] =	vst v0  }
0x83: {  	s17 =	simm.s32 $0x20;
	v0 =	vld [tilespmem:s16+$0x2B80]  }
.LBB2_5:
0x84: {  	p0 =	sne.s32 s17, $0xF0;
	v1 =	vld [tilespmem:s16+$0x2A80]  }
0x85: {  	v2 =	vld [tilespmem:s16+$0x2C80]  }
0x86: {  	v3 =	vld [tilespmem:s16+$0x2D80]  }
0x87: {  	v4 =	vld [tilespmem:s16+$0x2E80]  }
0x88: {  	v5 =	vld [tilespmem:s16+$0x2F80]  }
0x89: {  	v0 =	vadd.s32 v1, v0;
	v1 =	vld [tilespmem:s16+$0x3080]  }
0x8a: {  	v0 =	vadd.s32 v0, v2;
	v2 =	vld [tilespmem:s16+$0x3180]  }
0x8b: {  	v0 =	vadd.s32 v0, v3;
	v3 =	vld [tilespmem:s16+$0x3280]  }
0x8c: {  	v0 =	vadd.s32 v0, v4;
	v4 =	vld [tilespmem:s16+$0x3380]  }
0x8d: {  	v0 =	vadd.s32 v0, v5;
	v5 =	vld [tilespmem:s16+$0x3480]  }
0x8e: {  	v0 =	vadd.s32 v0, v1;
	v1 =	vld [tilespmem:s16+$0x3580]  }
0x8f: {  	v0 =	vadd.s32 v0, v2;
	v2 =	vld [tilespmem:s16+$0x3680]  }
0x90: {  	v0 =	vadd.s32 v0, v3;
	v3 =	vld [tilespmem:s16+$0x3780]  }
0x91: {  	v0 =	vadd.s32 v0, v4;
	v4 =	vld [tilespmem:s16+$0x3880]  }
0x92: {  	v0 =	vadd.s32 v0, v5;
	v5 =	vld [tilespmem:s16+$0x3980]  }
0x93: {  	v0 =	vadd.s32 v0, v1  }
0x94: {  	v0 =	vadd.s32 v0, v2  }
.Ltmp2:
0x95: {  	v0 =	vadd.s32 v0, v3;
	(pc) =	sbr.rel @p0 .LBB2_5-.Ltmp2, $4  }
0x96: {  	v0 =	vadd.s32 v0, v4  }
0x97: {  	s15 =	sadd.s32 $0x10, s15;
	v0 =	vadd.s32 v0, v5  }
0x98: {  	s16 =	sand.u32 $0xF0, s17;
	[tilespmem:s15+$0x0] =	vst v0  }
0x99: {  	s17 =	sadd.s32 $0x10, s17;
	v0 =	vld [tilespmem:s16+$0x2B80]  }
0x9a: {  	v1 =	vld [tilespmem:s16+$0x2A80]  }
0x9b: {  	v2 =	vld [tilespmem:s16+$0x2C80]  }
0x9c: {  	v3 =	vld [tilespmem:s16+$0x2D80]  }
0x9d: {  	v4 =	vld [tilespmem:s16+$0x2E80]  }
0x9e: {  	v5 =	vld [tilespmem:s16+$0x2F80]  }
0x9f: {  	v0 =	vadd.s32 v1, v0;
	v1 =	vld [tilespmem:s16+$0x3080]  }
0xa0: {  	v0 =	vadd.s32 v0, v2;
	v2 =	vld [tilespmem:s16+$0x3180]  }
0xa1: {  	v0 =	vadd.s32 v0, v3;
	v3 =	vld [tilespmem:s16+$0x3280]  }
0xa2: {  	v60 =	vld [tilespmem:s16+$0x3380];
	v0 =	vadd.s32 v0, v4  }
0xa3: {  	v61 =	vld [tilespmem:s16+$0x3480];
	v0 =	vadd.s32 v0, v5  }
0xa4: {  	v0 =	vadd.s32 v0, v1;
	v1 =	vld [tilespmem:s16+$0x3580]  }
0xa5: {  	v0 =	vadd.s32 v0, v2;
	v2 =	vld [tilespmem:s16+$0x3680]  }
0xa6: {  	v0 =	vadd.s32 v0, v3;
	v3 =	vld [tilespmem:s16+$0x3780]  }
0xa7: {  	v62 =	vld [tilespmem:s16+$0x3880];
	v0 =	vadd.s32 v0, v60  }
0xa8: {  	v63 =	vld [tilespmem:s16+$0x3980];
	v0 =	vadd.s32 v0, v61  }
0xa9: {  	s20 =	simm.s32 $0xFF;
	v0 =	vadd.s32 v0, v1  }
0xaa: {  	v1 =	vmov s20;
	v0 =	vadd.s32 v0, v2  }
0xab: {  	v0 =	vadd.s32 v0, v3  }
0xac: {  	v0 =	vadd.s32 v0, v62  }
0xad: {  	s15 =	sadd.s32 $0x10, s15;
	v0 =	vadd.s32 v0, v63  }
0xae: {  	s21 =	simm.s32 $0x2980;
	[tilespmem:s15+$0x0] =	vst v0  }
0xaf: {  	v0 =	vld.idx.msk [tilespmem:v1+s21+$0x0], $0xffff;
	_ =	sdelay $0x4  }
0xb0: {  	(v2sf) =	vpush v0, $0x0;
	_ =	sdelay $0x1  }
0xb1: {  	s19 =	simm.s32 $0xFE  }
0xb2: {  	v0 =	vmov s19  }
0xb3: {  	s18 =	simm.s32 $0xFD  }
0xb4: {  	s16 =	simm.s32 $0xFC;
	v1 =	vmov s18  }
0xb5: {  	v2 =	vmov s16;
	_ =	sdelay $0x1  }
0xb6: {  	v0 =	vld.idx.msk [tilespmem:v0+s21+$0x0], $0xffff;
	_ =	sdelay $0x1  }
0xb7: {  	v1 =	vld.idx.msk [tilespmem:v1+s21+$0x0], $0xffff  }
0xb8: {  	v2 =	vld.idx.msk [tilespmem:v2+s21+$0x0], $0xffff;
	_ =	sdelay $0x1  }
0xb9: {  	(v2sf) =	vpush v0, $0x0;
	_ =	sdelay $0x1  }
0xba: {  	s31 =	spop (v2sf);
	(v2sf) =	vpush v1, $0x0  }
0xbb: {  	(v2sf) =	vpush v2, $0x0;
	_ =	sdelay $0x1  }
0xbc: {  	s17 =	simm.s32 $0xFB  }
0xbd: {  	v3 =	vmov s17;
	_ =	sdelay $0x2  }
0xbe: {  	s24 =	simm.s32 $0xFA;
	s23 =	sadd.s32 $0x0, s31  }
0xbf: {  	p0 =	por $0x1, $0x1;
	s25 =	simm.s32 $0x0;
	p1 =	sgt.s32 s23, $0x665  }
0xc0: {  	s15 =	simm.s32 $0x0;
	v0 =	vld.idx.msk [tilespmem:v3+s21+$0x0], $0xffff;
	s22 =	smov.u32 s23;
	p1 =	por !p0, !p1  }
.LBB2_7:
0xc1: {  	p0 =	sne.s32 s24, $0x0  }
0xc2: {  	v1 =	vmov s24;
	p1 =	por !p1, !p1;
	s26 =	smov.u32 s24;
	s24 =	sadd.s32 $0xFFFFFFFF, s24  }
.Ltmp3:
0xc3: {  	s14 =	smov.u32 @p1 s20;
	s15 =	smov.u32 @p1 s25;
	(pc) =	sbr.rel @p0 .LBB2_7-.Ltmp3, $4  }
0xc4: {  	s20 =	smov.u32 s19;
	s19 =	smov.u32 s18;
	s25 =	spop (v2sf)  }
0xc5: {  	s18 =	smov.u32 s16;
	s16 =	smov.u32 s17;
	s23 =	sadd.s32 s23, s25  }
0xc6: {  	p1 =	slt.s32 s22, $0x666;
	s17 =	smov.u32 s26;
	p2 =	sgt.s32 s23, $0x665  }
0xc7: {  	s25 =	smov.u32 s22;
	s22 =	smov.u32 s23;
	(v2sf) =	vpush v0, $0x0;
	v0 =	vld.idx.msk [tilespmem:v1+s21+$0x0], $0xffff;
	p1 =	por !p1, !p2  }
0xc8: {  	_ =	sdelay $0x3  }
0xc9: {  	(v2sf) =	vpush v0, $0x0;
	_ =	sdelay $0x4  }
0xca: {  	v0 =	vimm.s32 $0x0  }
0xcb: {  	[tilespmem:$0x2980] =	vst v0  }
0xcc: {  	[tilespmem:$0x2990] =	vst v0  }
0xcd: {  	[tilespmem:$0x29A0] =	vst v0  }
0xce: {  	s21 =	spop (v2sf);
	p0 =	por !p1, !p1;
	p4 =	slt.s32 s22, $0x666;
	[tilespmem:$0x29B0] =	vst v0  }
0xcf: {  	s21 =	sadd.s32 s23, s21;
	s29 =	spop (v2sf);
	s14 =	smov.u32 @p0 s20;
	[tilespmem:$0x29C0] =	vst v0  }
0xd0: {  	s15 =	smov.u32 @p0 s25;
	p2 =	sgt.s32 s21, $0x665;
	s20 =	sadd.s32 s21, s29;
	[tilespmem:$0x29D0] =	vst v0  }
0xd1: {  	p5 =	slt.s32 s21, $0x666;
	p1 =	por !p4, !p2;
	p3 =	sgt.s32 s20, $0x665;
	[tilespmem:$0x29E0] =	vst v0  }
0xd2: {  	p2 =	slt.s32 s20, $0x666;
	p1 =	por !p1, !p1;
	p6 =	por !p5, !p3;
	[tilespmem:$0x29F0] =	vst v0  }
0xd3: {  	s14 =	smov.u32 @p1 s19;
	p0 =	por !p6, !p6;
	[tilespmem:$0x2A00] =	vst v0;
	s30 =	spop (v2sf)  }
0xd4: {  	[tilespmem:$0x2A10] =	vst v0;
	s14 =	smov.u32 @p0 s18;
	s18 =	sadd.s32 s20, s30;
	s31 =	spop (v2sf)  }
0xd5: {  	s15 =	smov.u32 @p1 s22;
	[tilespmem:$0x2A20] =	vst v0;
	p3 =	sgt.s32 s18, $0x665;
	s19 =	sadd.s32 s18, s31  }
0xd6: {  	[tilespmem:$0x2A30] =	vst v0;
	p4 =	slt.s32 s18, $0x666;
	p1 =	por !p2, !p3;
	p5 =	sgt.s32 s19, $0x665  }
0xd7: {  	[tilespmem:$0x2A40] =	vst v0;
	p1 =	por !p1, !p1;
	p6 =	por !p4, !p5  }
0xd8: {  	[tilespmem:$0x2A50] =	vst v0;
	s15 =	smov.u32 @p0 s21;
	s14 =	smov.u32 @p1 s16;
	p0 =	por !p6, !p6  }
0xd9: {  	[tilespmem:$0x2A60] =	vst v0;
	s15 =	smov.u32 @p1 s20;
	s16 =	simm.s32 $0x2980;
	s14 =	smov.u32 @p0 s17  }
0xda: {  	[tilespmem:$0x2A70] =	vst v0;
	v0 =	vimm.s32 $0x1;
	s15 =	smov.u32 @p0 s18;
	s18 =	simm.s32 $0x0;
	s17 =	simm.s32 $0x40;
	v1 =	vmov s14  }
.LBB2_9:
0xdb: {  	p0 =	sne.s32 s17, $0x4FC0;
	v2 =	vld [tilespmem:s18+$0x1400];
	_ =	sdelay $0x4  }
0xdc: {  	v3 =	vshrl.u32 v2, $0x18  }
0xdd: {  	v2 =	vshrl.u32 v2, $0x10;
	vm0 =	veq.s32 v3, v1  }
0xde: {  	v2 =	vand.u32 $0xFF, v2  }
.Ltmp4:
0xdf: {  	(pc) =	sbr.rel @p0 .LBB2_9-.Ltmp4, $2  }
0xe0: {  	_ =	sdelay $0x2  }
0xe1: {  	s18 =	sshra.s32 s17, $0x2;
	s17 =	sadd.s32 $0x40, s17;
	[tilespmem:v2+s16+$0x0] =	vst.idx.add.s32.msk vm0, v0  }
0xe2: {  	v2 =	vld [tilespmem:s18+$0x1400];
	_ =	sdelay $0x4  }
0xe3: {  	v3 =	vshrl.u32 v2, $0x18  }
0xe4: {  	v2 =	vshrl.u32 v2, $0x10;
	vm0 =	veq.s32 v3, v1  }
0xe5: {  	v1 =	vand.u32 $0xFF, v2;
	_ =	sdelay $0x3  }
0xe6: {  	s17 =	sadd.s32 $0x80, s13;
	s26 =	simm.s32 $0x80  }
0xe7: {  	s19 =	simm.s32 $0x200;
	s28 =	simm.s32 $0x1;
	[tilespmem:v1+s16+$0x0] =	vst.idx.add.s32.msk vm0, v0;
	s16 =	simm.s32 $0x2980  }
0xe8: {  	[spmem:s17] =	stream.strided.scatter [tilespmem:s16], [sflag:$0x1], $0x100, s19, s26, $0x38;
	[tilespmem:$0x17E90] =	vst v63  }
0xe9: {  	_ =	swait.ge [sflag:s28], $0x100  }
0xea: {  	[sflag:s28] =	ssyncset.done $0x0  }
0xeb: {  	[sflag:s28] =	ssyncadd.s32 $0xFFFFFF00  }
0xec: {  	s20 =	sadd.s32 $0x80, s12;
	s21 =	simm.s32 $0x2A80;
	[bflag:$0x0] =	sbarrier.arrive $0xFFFF  }
0xed: {  	[tilespmem:s21], [sflag:$0x1] =	stream.strided.gather [spmem:s20], $0x1000, s19, s26, $0x38;
	[tilespmem:$0x17E90] =	vst v63  }
0xee: {  	_ =	swait.ge [sflag:s28], $0x1000  }
0xef: {  	s29 =	simm.s32 $0x0;
	[sflag:s28] =	ssyncset.done $0x0  }
0xf0: {  	s30 =	sand.u32 $0xF0, s29;
	[sflag:s28] =	ssyncadd.s32 $0xFFFFF000  }
0xf1: {  	v0 =	vld [tilespmem:s30+$0x2B80]  }
0xf2: {  	v1 =	vld [tilespmem:s30+$0x2A80]  }
0xf3: {  	v2 =	vld [tilespmem:s30+$0x2C80]  }
0xf4: {  	v3 =	vld [tilespmem:s30+$0x2D80]  }
0xf5: {  	v4 =	vld [tilespmem:s30+$0x2E80]  }
0xf6: {  	v5 =	vld [tilespmem:s30+$0x2F80]  }
0xf7: {  	v0 =	vadd.s32 v1, v0;
	v1 =	vld [tilespmem:s30+$0x3080]  }
0xf8: {  	v0 =	vadd.s32 v0, v2;
	v2 =	vld [tilespmem:s30+$0x3180]  }
0xf9: {  	v0 =	vadd.s32 v0, v3;
	v3 =	vld [tilespmem:s30+$0x3280]  }
0xfa: {  	v60 =	vld [tilespmem:s30+$0x3380];
	v0 =	vadd.s32 v0, v4  }
0xfb: {  	v61 =	vld [tilespmem:s30+$0x3480];
	v0 =	vadd.s32 v0, v5  }
0xfc: {  	v0 =	vadd.s32 v0, v1;
	v1 =	vld [tilespmem:s30+$0x3580]  }
0xfd: {  	v0 =	vadd.s32 v0, v2;
	v2 =	vld [tilespmem:s30+$0x3680]  }
0xfe: {  	v0 =	vadd.s32 v0, v3;
	v3 =	vld [tilespmem:s30+$0x3780]  }
0xff: {  	v62 =	vld [tilespmem:s30+$0x3880];
	v0 =	vadd.s32 v0, v60  }
0x100: {  	v63 =	vld [tilespmem:s30+$0x3980];
	v0 =	vadd.s32 v0, v61  }
0x101: {  	v0 =	vadd.s32 v0, v1  }
0x102: {  	v0 =	vadd.s32 v0, v2  }
0x103: {  	v0 =	vadd.s32 v0, v3  }
0x104: {  	v0 =	vadd.s32 v0, v62  }
0x105: {  	s31 =	simm.s32 $0x10;
	v0 =	vadd.s32 v0, v63  }
0x106: {  	s17 =	sand.u32 $0xF0, s31;
	[tilespmem:s16+$0x0] =	vst v0  }
0x107: {  	s18 =	simm.s32 $0x20;
	v0 =	vld [tilespmem:s17+$0x2B80]  }
.LBB2_11:
0x108: {  	p0 =	sne.s32 s18, $0xF0;
	v1 =	vld [tilespmem:s17+$0x2A80]  }
0x109: {  	v2 =	vld [tilespmem:s17+$0x2C80]  }
0x10a: {  	v3 =	vld [tilespmem:s17+$0x2D80]  }
0x10b: {  	v4 =	vld [tilespmem:s17+$0x2E80]  }
0x10c: {  	v5 =	vld [tilespmem:s17+$0x2F80]  }
0x10d: {  	v0 =	vadd.s32 v1, v0;
	v1 =	vld [tilespmem:s17+$0x3080]  }
0x10e: {  	v0 =	vadd.s32 v0, v2;
	v2 =	vld [tilespmem:s17+$0x3180]  }
0x10f: {  	v0 =	vadd.s32 v0, v3;
	v3 =	vld [tilespmem:s17+$0x3280]  }
0x110: {  	v0 =	vadd.s32 v0, v4;
	v4 =	vld [tilespmem:s17+$0x3380]  }
0x111: {  	v0 =	vadd.s32 v0, v5;
	v5 =	vld [tilespmem:s17+$0x3480]  }
0x112: {  	v0 =	vadd.s32 v0, v1;
	v1 =	vld [tilespmem:s17+$0x3580]  }
0x113: {  	v0 =	vadd.s32 v0, v2;
	v2 =	vld [tilespmem:s17+$0x3680]  }
0x114: {  	v0 =	vadd.s32 v0, v3;
	v3 =	vld [tilespmem:s17+$0x3780]  }
0x115: {  	v0 =	vadd.s32 v0, v4;
	v4 =	vld [tilespmem:s17+$0x3880]  }
0x116: {  	v0 =	vadd.s32 v0, v5;
	v5 =	vld [tilespmem:s17+$0x3980]  }
0x117: {  	v0 =	vadd.s32 v0, v1  }
0x118: {  	v0 =	vadd.s32 v0, v2  }
.Ltmp5:
0x119: {  	v0 =	vadd.s32 v0, v3;
	(pc) =	sbr.rel @p0 .LBB2_11-.Ltmp5, $4  }
0x11a: {  	v0 =	vadd.s32 v0, v4  }
0x11b: {  	s16 =	sadd.s32 $0x10, s16;
	v0 =	vadd.s32 v0, v5  }
0x11c: {  	s17 =	sand.u32 $0xF0, s18;
	[tilespmem:s16+$0x0] =	vst v0  }
0x11d: {  	s18 =	sadd.s32 $0x10, s18;
	v0 =	vld [tilespmem:s17+$0x2B80]  }
0x11e: {  	v1 =	vld [tilespmem:s17+$0x2A80]  }
0x11f: {  	v2 =	vld [tilespmem:s17+$0x2C80]  }
0x120: {  	v3 =	vld [tilespmem:s17+$0x2D80]  }
0x121: {  	v4 =	vld [tilespmem:s17+$0x2E80]  }
0x122: {  	v5 =	vld [tilespmem:s17+$0x2F80]  }
0x123: {  	v0 =	vadd.s32 v1, v0;
	v1 =	vld [tilespmem:s17+$0x3080]  }
0x124: {  	v0 =	vadd.s32 v0, v2;
	v2 =	vld [tilespmem:s17+$0x3180]  }
0x125: {  	v0 =	vadd.s32 v0, v3;
	v3 =	vld [tilespmem:s17+$0x3280]  }
0x126: {  	v60 =	vld [tilespmem:s17+$0x3380];
	v0 =	vadd.s32 v0, v4  }
0x127: {  	v61 =	vld [tilespmem:s17+$0x3480];
	v0 =	vadd.s32 v0, v5  }
0x128: {  	v0 =	vadd.s32 v0, v1;
	v1 =	vld [tilespmem:s17+$0x3580]  }
0x129: {  	v0 =	vadd.s32 v0, v2;
	v2 =	vld [tilespmem:s17+$0x3680]  }
0x12a: {  	v0 =	vadd.s32 v0, v3;
	v3 =	vld [tilespmem:s17+$0x3780]  }
0x12b: {  	v62 =	vld [tilespmem:s17+$0x3880];
	v0 =	vadd.s32 v0, v60  }
0x12c: {  	v63 =	vld [tilespmem:s17+$0x3980];
	v0 =	vadd.s32 v0, v61  }
0x12d: {  	s23 =	simm.s32 $0xFF;
	v0 =	vadd.s32 v0, v1  }
0x12e: {  	v1 =	vmov s23;
	v0 =	vadd.s32 v0, v2  }
0x12f: {  	v0 =	vadd.s32 v0, v3  }
0x130: {  	v0 =	vadd.s32 v0, v62  }
0x131: {  	s16 =	sadd.s32 $0x10, s16;
	v0 =	vadd.s32 v0, v63  }
0x132: {  	s24 =	simm.s32 $0x2980;
	[tilespmem:s16+$0x0] =	vst v0  }
0x133: {  	v0 =	vld.idx.msk [tilespmem:v1+s24+$0x0], $0xffff;
	_ =	sdelay $0x4  }
0x134: {  	(v2sf) =	vpush v0, $0x0;
	_ =	sdelay $0x1  }
0x135: {  	s21 =	simm.s32 $0xFE  }
0x136: {  	v0 =	vmov s21  }
0x137: {  	s20 =	simm.s32 $0xFD  }
0x138: {  	s18 =	simm.s32 $0xFC;
	v1 =	vmov s20  }
0x139: {  	v2 =	vmov s18;
	_ =	sdelay $0x1  }
0x13a: {  	v0 =	vld.idx.msk [tilespmem:v0+s24+$0x0], $0xffff;
	_ =	sdelay $0x1  }
0x13b: {  	v1 =	vld.idx.msk [tilespmem:v1+s24+$0x0], $0xffff  }
0x13c: {  	v2 =	vld.idx.msk [tilespmem:v2+s24+$0x0], $0xffff;
	_ =	sdelay $0x1  }
0x13d: {  	(v2sf) =	vpush v0, $0x0;
	_ =	sdelay $0x1  }
0x13e: {  	s31 =	spop (v2sf);
	(v2sf) =	vpush v1, $0x0  }
0x13f: {  	(v2sf) =	vpush v2, $0x0;
	_ =	sdelay $0x1  }
0x140: {  	s19 =	simm.s32 $0xFB  }
0x141: {  	v3 =	vmov s19;
	_ =	sdelay $0x1  }
0x142: {  	s15 =	ssub.s32 $0x666, s15  }
0x143: {  	s28 =	simm.s32 $0xFA;
	s25 =	simm.s32 $0x0;
	s26 =	sadd.s32 $0x0, s31  }
0x144: {  	p0 =	sgt.s32 s15, $0x0;
	s17 =	simm.s32 $0x0;
	p1 =	sge.s32 s26, s15  }
0x145: {  	s16 =	simm.s32 $0x0;
	v0 =	vld.idx.msk [tilespmem:v3+s24+$0x0], $0xffff;
	s22 =	smov.u32 s26;
	p1 =	por !p0, !p1  }
.LBB2_13:
0x146: {  	p0 =	sne.s32 s28, $0x0  }
0x147: {  	v1 =	vmov s28;
	p1 =	por !p1, !p1;
	s29 =	smov.u32 s28;
	s28 =	sadd.s32 $0xFFFFFFFF, s28  }
.Ltmp6:
0x148: {  	s17 =	smov.u32 @p1 s23;
	s16 =	smov.u32 @p1 s25;
	(pc) =	sbr.rel @p0 .LBB2_13-.Ltmp6, $4  }
0x149: {  	s23 =	smov.u32 s21;
	s21 =	smov.u32 s20;
	s25 =	spop (v2sf)  }
0x14a: {  	s20 =	smov.u32 s18;
	s18 =	smov.u32 s19;
	s26 =	sadd.s32 s26, s25  }
0x14b: {  	p1 =	slt.s32 s22, s15;
	s19 =	smov.u32 s29;
	p2 =	sge.s32 s26, s15  }
0x14c: {  	s25 =	smov.u32 s22;
	s22 =	smov.u32 s26;
	(v2sf) =	vpush v0, $0x0;
	v0 =	vld.idx.msk [tilespmem:v1+s24+$0x0], $0xffff;
	p1 =	por !p1, !p2  }
0x14d: {  	_ =	sdelay $0x3  }
0x14e: {  	(v2sf) =	vpush v0, $0x0;
	_ =	sdelay $0x7  }
0x14f: {  	v0 =	vimm.s32 $0x0  }
0x150: {  	[tilespmem:$0x2980] =	vst v0  }
0x151: {  	s24 =	spop (v2sf);
	p0 =	por !p1, !p1;
	p4 =	slt.s32 s22, s15;
	[tilespmem:$0x2990] =	vst v0  }
0x152: {  	s17 =	smov.u32 @p0 s23;
	s23 =	sadd.s32 s26, s24;
	s29 =	spop (v2sf);
	[tilespmem:$0x29A0] =	vst v0  }
0x153: {  	p2 =	sge.s32 s23, s15;
	s24 =	sadd.s32 s23, s29;
	p5 =	slt.s32 s23, s15;
	[tilespmem:$0x29B0] =	vst v0  }
0x154: {  	p1 =	por !p4, !p2;
	p4 =	sge.s32 s24, s15;
	p6 =	slt.s32 s24, s15;
	[tilespmem:$0x29C0] =	vst v0  }
0x155: {  	p1 =	por !p1, !p1;
	p2 =	por !p5, !p4;
	[tilespmem:$0x29D0] =	vst v0;
	s30 =	spop (v2sf)  }
0x156: {  	s17 =	smov.u32 @p1 s21;
	[tilespmem:$0x29E0] =	vst v0;
	s26 =	sadd.s32 s24, s30;
	s28 =	spop (v2sf)  }
0x157: {  	[tilespmem:$0x29F0] =	vst v0;
	p2 =	por !p2, !p2;
	p5 =	sge.s32 s26, s15;
	s31 =	sadd.s32 s26, s28  }
0x158: {  	[tilespmem:$0x2A00] =	vst v0;
	p4 =	por !p6, !p5;
	p6 =	slt.s32 s26, s15;
	p3 =	sge.s32 s31, s15  }
0x159: {  	[tilespmem:$0x2A10] =	vst v0;
	s17 =	smov.u32 @p2 s20;
	p4 =	por !p4, !p4;
	p3 =	por !p6, !p3  }
0x15a: {  	s16 =	smov.u32 @p0 s25;
	[tilespmem:$0x2A20] =	vst v0;
	s17 =	smov.u32 @p4 s18;
	p0 =	por !p3, !p3  }
0x15b: {  	[tilespmem:$0x2A30] =	vst v0;
	s17 =	smov.u32 @p0 s19  }
0x15c: {  	s14 =	sshll.u32 s14, $0x18;
	s16 =	smov.u32 @p1 s22;
	[tilespmem:$0x2A40] =	vst v0;
	s17 =	sshll.u32 s17, $0x10  }
0x15d: {  	[tilespmem:$0x2A50] =	vst v0;
	s16 =	smov.u32 @p2 s23;
	s14 =	sor.u32 s14, s17  }
0x15e: {  	[tilespmem:$0x2A60] =	vst v0;
	s16 =	smov.u32 @p4 s24;
	s18 =	simm.s32 $0x40;
	s17 =	sshrl.u32 s14, $0x10  }
0x15f: {  	[tilespmem:$0x2A70] =	vst v0;
	v0 =	vimm.s32 $0x1;
	s16 =	smov.u32 @p0 s26;
	s19 =	simm.s32 $0x0;
	v1 =	vmov s17;
	s17 =	simm.s32 $0x2980  }
.LBB2_15:
0x160: {  	p0 =	sne.s32 s18, $0x4FC0;
	v2 =	vld [tilespmem:s19+$0x1400];
	_ =	sdelay $0x4  }
0x161: {  	v3 =	vshrl.u32 v2, $0x10  }
0x162: {  	v2 =	vshrl.u32 v2, $0x8;
	vm0 =	veq.s32 v3, v1  }
0x163: {  	v2 =	vand.u32 $0xFF, v2  }
.Ltmp7:
0x164: {  	(pc) =	sbr.rel @p0 .LBB2_15-.Ltmp7, $2  }
0x165: {  	_ =	sdelay $0x2  }
0x166: {  	s19 =	sshra.s32 s18, $0x2;
	s18 =	sadd.s32 $0x40, s18;
	[tilespmem:v2+s17+$0x0] =	vst.idx.add.s32.msk vm0, v0  }
0x167: {  	v2 =	vld [tilespmem:s19+$0x1400];
	_ =	sdelay $0x4  }
0x168: {  	v3 =	vshrl.u32 v2, $0x10  }
0x169: {  	v2 =	vshrl.u32 v2, $0x8;
	vm0 =	veq.s32 v3, v1  }
0x16a: {  	v1 =	vand.u32 $0xFF, v2;
	_ =	sdelay $0x3  }
0x16b: {  	s18 =	sadd.s32 $0x100, s13;
	s26 =	simm.s32 $0x80  }
0x16c: {  	s20 =	simm.s32 $0x200;
	s28 =	simm.s32 $0x1;
	[tilespmem:v1+s17+$0x0] =	vst.idx.add.s32.msk vm0, v0;
	s17 =	simm.s32 $0x2980  }
0x16d: {  	[spmem:s18] =	stream.strided.scatter [tilespmem:s17], [sflag:$0x1], $0x100, s20, s26, $0x38;
	[tilespmem:$0x17E90] =	vst v63  }
0x16e: {  	_ =	swait.ge [sflag:s28], $0x100  }
0x16f: {  	[sflag:s28] =	ssyncset.done $0x0  }
0x170: {  	[sflag:s28] =	ssyncadd.s32 $0xFFFFFF00  }
0x171: {  	s21 =	sadd.s32 $0x100, s12;
	s22 =	simm.s32 $0x2A80;
	[bflag:$0x0] =	sbarrier.arrive $0xFFFF  }
0x172: {  	[tilespmem:s22], [sflag:$0x1] =	stream.strided.gather [spmem:s21], $0x1000, s20, s26, $0x38;
	[tilespmem:$0x17E90] =	vst v63  }
0x173: {  	_ =	swait.ge [sflag:s28], $0x1000  }
0x174: {  	s29 =	simm.s32 $0x0;
	[sflag:s28] =	ssyncset.done $0x0  }
0x175: {  	s30 =	sand.u32 $0xF0, s29;
	[sflag:s28] =	ssyncadd.s32 $0xFFFFF000  }
0x176: {  	v0 =	vld [tilespmem:s30+$0x2B80]  }
0x177: {  	v1 =	vld [tilespmem:s30+$0x2A80]  }
0x178: {  	v2 =	vld [tilespmem:s30+$0x2C80]  }
0x179: {  	v3 =	vld [tilespmem:s30+$0x2D80]  }
0x17a: {  	v4 =	vld [tilespmem:s30+$0x2E80]  }
0x17b: {  	v5 =	vld [tilespmem:s30+$0x2F80]  }
0x17c: {  	v0 =	vadd.s32 v1, v0;
	v1 =	vld [tilespmem:s30+$0x3080]  }
0x17d: {  	v0 =	vadd.s32 v0, v2;
	v2 =	vld [tilespmem:s30+$0x3180]  }
0x17e: {  	v0 =	vadd.s32 v0, v3;
	v3 =	vld [tilespmem:s30+$0x3280]  }
0x17f: {  	v60 =	vld [tilespmem:s30+$0x3380];
	v0 =	vadd.s32 v0, v4  }
0x180: {  	v61 =	vld [tilespmem:s30+$0x3480];
	v0 =	vadd.s32 v0, v5  }
0x181: {  	v0 =	vadd.s32 v0, v1;
	v1 =	vld [tilespmem:s30+$0x3580]  }
0x182: {  	v0 =	vadd.s32 v0, v2;
	v2 =	vld [tilespmem:s30+$0x3680]  }
0x183: {  	v0 =	vadd.s32 v0, v3;
	v3 =	vld [tilespmem:s30+$0x3780]  }
0x184: {  	v62 =	vld [tilespmem:s30+$0x3880];
	v0 =	vadd.s32 v0, v60  }
0x185: {  	v63 =	vld [tilespmem:s30+$0x3980];
	v0 =	vadd.s32 v0, v61  }
0x186: {  	v0 =	vadd.s32 v0, v1  }
0x187: {  	v0 =	vadd.s32 v0, v2  }
0x188: {  	v0 =	vadd.s32 v0, v3  }
0x189: {  	v0 =	vadd.s32 v0, v62  }
0x18a: {  	s31 =	simm.s32 $0x10;
	v0 =	vadd.s32 v0, v63  }
0x18b: {  	s18 =	sand.u32 $0xF0, s31;
	[tilespmem:s17+$0x0] =	vst v0  }
0x18c: {  	s19 =	simm.s32 $0x20;
	v0 =	vld [tilespmem:s18+$0x2B80]  }
.LBB2_17:
0x18d: {  	p0 =	sne.s32 s19, $0xF0;
	v1 =	vld [tilespmem:s18+$0x2A80]  }
0x18e: {  	v2 =	vld [tilespmem:s18+$0x2C80]  }
0x18f: {  	v3 =	vld [tilespmem:s18+$0x2D80]  }
0x190: {  	v4 =	vld [tilespmem:s18+$0x2E80]  }
0x191: {  	v5 =	vld [tilespmem:s18+$0x2F80]  }
0x192: {  	v0 =	vadd.s32 v1, v0;
	v1 =	vld [tilespmem:s18+$0x3080]  }
0x193: {  	v0 =	vadd.s32 v0, v2;
	v2 =	vld [tilespmem:s18+$0x3180]  }
0x194: {  	v0 =	vadd.s32 v0, v3;
	v3 =	vld [tilespmem:s18+$0x3280]  }
0x195: {  	v0 =	vadd.s32 v0, v4;
	v4 =	vld [tilespmem:s18+$0x3380]  }
0x196: {  	v0 =	vadd.s32 v0, v5;
	v5 =	vld [tilespmem:s18+$0x3480]  }
0x197: {  	v0 =	vadd.s32 v0, v1;
	v1 =	vld [tilespmem:s18+$0x3580]  }
0x198: {  	v0 =	vadd.s32 v0, v2;
	v2 =	vld [tilespmem:s18+$0x3680]  }
0x199: {  	v0 =	vadd.s32 v0, v3;
	v3 =	vld [tilespmem:s18+$0x3780]  }
0x19a: {  	v0 =	vadd.s32 v0, v4;
	v4 =	vld [tilespmem:s18+$0x3880]  }
0x19b: {  	v0 =	vadd.s32 v0, v5;
	v5 =	vld [tilespmem:s18+$0x3980]  }
0x19c: {  	v0 =	vadd.s32 v0, v1  }
0x19d: {  	v0 =	vadd.s32 v0, v2  }
.Ltmp8:
0x19e: {  	v0 =	vadd.s32 v0, v3;
	(pc) =	sbr.rel @p0 .LBB2_17-.Ltmp8, $4  }
0x19f: {  	v0 =	vadd.s32 v0, v4  }
0x1a0: {  	s17 =	sadd.s32 $0x10, s17;
	v0 =	vadd.s32 v0, v5  }
0x1a1: {  	s18 =	sand.u32 $0xF0, s19;
	[tilespmem:s17+$0x0] =	vst v0  }
0x1a2: {  	s19 =	sadd.s32 $0x10, s19;
	v0 =	vld [tilespmem:s18+$0x2B80]  }
0x1a3: {  	v1 =	vld [tilespmem:s18+$0x2A80]  }
0x1a4: {  	v2 =	vld [tilespmem:s18+$0x2C80]  }
0x1a5: {  	v3 =	vld [tilespmem:s18+$0x2D80]  }
0x1a6: {  	v4 =	vld [tilespmem:s18+$0x2E80]  }
0x1a7: {  	v5 =	vld [tilespmem:s18+$0x2F80]  }
0x1a8: {  	v0 =	vadd.s32 v1, v0;
	v1 =	vld [tilespmem:s18+$0x3080]  }
0x1a9: {  	v0 =	vadd.s32 v0, v2;
	v2 =	vld [tilespmem:s18+$0x3180]  }
0x1aa: {  	v0 =	vadd.s32 v0, v3;
	v3 =	vld [tilespmem:s18+$0x3280]  }
0x1ab: {  	v60 =	vld [tilespmem:s18+$0x3380];
	v0 =	vadd.s32 v0, v4  }
0x1ac: {  	v61 =	vld [tilespmem:s18+$0x3480];
	v0 =	vadd.s32 v0, v5  }
0x1ad: {  	v0 =	vadd.s32 v0, v1;
	v1 =	vld [tilespmem:s18+$0x3580]  }
0x1ae: {  	v0 =	vadd.s32 v0, v2;
	v2 =	vld [tilespmem:s18+$0x3680]  }
0x1af: {  	v0 =	vadd.s32 v0, v3;
	v3 =	vld [tilespmem:s18+$0x3780]  }
0x1b0: {  	v62 =	vld [tilespmem:s18+$0x3880];
	v0 =	vadd.s32 v0, v60  }
0x1b1: {  	v63 =	vld [tilespmem:s18+$0x3980];
	v0 =	vadd.s32 v0, v61  }
0x1b2: {  	s23 =	simm.s32 $0xFF;
	v0 =	vadd.s32 v0, v1  }
0x1b3: {  	v1 =	vmov s23;
	v0 =	vadd.s32 v0, v2  }
0x1b4: {  	v0 =	vadd.s32 v0, v3  }
0x1b5: {  	v0 =	vadd.s32 v0, v62  }
0x1b6: {  	s17 =	sadd.s32 $0x10, s17;
	v0 =	vadd.s32 v0, v63  }
0x1b7: {  	s24 =	simm.s32 $0x2980;
	[tilespmem:s17+$0x0] =	vst v0  }
0x1b8: {  	v0 =	vld.idx.msk [tilespmem:v1+s24+$0x0], $0xffff;
	_ =	sdelay $0x4  }
0x1b9: {  	(v2sf) =	vpush v0, $0x0;
	_ =	sdelay $0x1  }
0x1ba: {  	s21 =	simm.s32 $0xFE  }
0x1bb: {  	v0 =	vmov s21  }
0x1bc: {  	s20 =	simm.s32 $0xFD  }
0x1bd: {  	s17 =	simm.s32 $0xFC;
	v1 =	vmov s20  }
0x1be: {  	v2 =	vmov s17;
	_ =	sdelay $0x1  }
0x1bf: {  	v0 =	vld.idx.msk [tilespmem:v0+s24+$0x0], $0xffff;
	_ =	sdelay $0x1  }
0x1c0: {  	v1 =	vld.idx.msk [tilespmem:v1+s24+$0x0], $0xffff  }
0x1c1: {  	v2 =	vld.idx.msk [tilespmem:v2+s24+$0x0], $0xffff;
	_ =	sdelay $0x1  }
0x1c2: {  	(v2sf) =	vpush v0, $0x0;
	_ =	sdelay $0x1  }
0x1c3: {  	s22 =	spop (v2sf);
	(v2sf) =	vpush v1, $0x0  }
0x1c4: {  	(v2sf) =	vpush v2, $0x0;
	_ =	sdelay $0x1  }
0x1c5: {  	s19 =	simm.s32 $0xFB  }
0x1c6: {  	v3 =	vmov s19;
	_ =	sdelay $0x1  }
0x1c7: {  	s15 =	ssub.s32 s15, s16  }
0x1c8: {  	s28 =	simm.s32 $0xFA;
	s25 =	simm.s32 $0x0;
	s26 =	sadd.s32 $0x0, s22  }
0x1c9: {  	s16 =	simm.s32 $0x0;
	p0 =	sgt.s32 s15, $0x0;
	p1 =	sge.s32 s26, s15  }
0x1ca: {  	s18 =	simm.s32 $0x0;
	v0 =	vld.idx.msk [tilespmem:v3+s24+$0x0], $0xffff;
	s22 =	smov.u32 s26;
	p1 =	por !p0, !p1  }
.LBB2_19:
0x1cb: {  	p0 =	sne.s32 s28, $0x0  }
0x1cc: {  	v1 =	vmov s28;
	p1 =	por !p1, !p1;
	s29 =	smov.u32 s28;
	s28 =	sadd.s32 $0xFFFFFFFF, s28  }
.Ltmp9:
0x1cd: {  	s18 =	smov.u32 @p1 s23;
	s16 =	smov.u32 @p1 s25;
	(pc) =	sbr.rel @p0 .LBB2_19-.Ltmp9, $4  }
0x1ce: {  	s23 =	smov.u32 s21;
	s21 =	smov.u32 s20;
	s25 =	spop (v2sf)  }
0x1cf: {  	s20 =	smov.u32 s17;
	s17 =	smov.u32 s19;
	s26 =	sadd.s32 s26, s25  }
0x1d0: {  	p1 =	slt.s32 s22, s15;
	s19 =	smov.u32 s29;
	p2 =	sge.s32 s26, s15  }
0x1d1: {  	s25 =	smov.u32 s22;
	s22 =	smov.u32 s26;
	(v2sf) =	vpush v0, $0x0;
	v0 =	vld.idx.msk [tilespmem:v1+s24+$0x0], $0xffff;
	p1 =	por !p1, !p2  }
0x1d2: {  	_ =	sdelay $0x3  }
0x1d3: {  	(v2sf) =	vpush v0, $0x0;
	_ =	sdelay $0x7  }
0x1d4: {  	v0 =	vimm.s32 $0x0  }
0x1d5: {  	[tilespmem:$0x2980] =	vst v0  }
0x1d6: {  	s24 =	spop (v2sf);
	p0 =	por !p1, !p1;
	p4 =	slt.s32 s22, s15;
	[tilespmem:$0x2990] =	vst v0  }
0x1d7: {  	s18 =	smov.u32 @p0 s23;
	s23 =	sadd.s32 s26, s24;
	s28 =	spop (v2sf);
	[tilespmem:$0x29A0] =	vst v0  }
0x1d8: {  	p2 =	sge.s32 s23, s15;
	s24 =	sadd.s32 s23, s28;
	p5 =	slt.s32 s23, s15;
	[tilespmem:$0x29B0] =	vst v0  }
0x1d9: {  	p1 =	por !p4, !p2;
	p4 =	sge.s32 s24, s15;
	p6 =	slt.s32 s24, s15;
	[tilespmem:$0x29C0] =	vst v0  }
0x1da: {  	p1 =	por !p1, !p1;
	p2 =	por !p5, !p4;
	[tilespmem:$0x29D0] =	vst v0;
	s29 =	spop (v2sf)  }
0x1db: {  	s18 =	smov.u32 @p1 s21;
	[tilespmem:$0x29E0] =	vst v0;
	s26 =	sadd.s32 s24, s29;
	s28 =	spop (v2sf)  }
0x1dc: {  	[tilespmem:$0x29F0] =	vst v0;
	p2 =	por !p2, !p2;
	p5 =	sge.s32 s26, s15;
	s30 =	sadd.s32 s26, s28  }
0x1dd: {  	[tilespmem:$0x2A00] =	vst v0;
	p4 =	por !p6, !p5;
	p6 =	slt.s32 s26, s15;
	p3 =	sge.s32 s30, s15  }
0x1de: {  	[tilespmem:$0x2A10] =	vst v0;
	s18 =	smov.u32 @p2 s20;
	p4 =	por !p4, !p4;
	p3 =	por !p6, !p3  }
0x1df: {  	s16 =	smov.u32 @p0 s25;
	[tilespmem:$0x2A20] =	vst v0;
	s18 =	smov.u32 @p4 s17;
	p0 =	por !p3, !p3  }
0x1e0: {  	s16 =	smov.u32 @p1 s22;
	[tilespmem:$0x2A30] =	vst v0;
	s18 =	smov.u32 @p0 s19  }
0x1e1: {  	[tilespmem:$0x2A40] =	vst v0;
	s16 =	smov.u32 @p2 s23;
	s31 =	sshll.u32 s18, $0x8  }
0x1e2: {  	[tilespmem:$0x2A50] =	vst v0;
	s16 =	smov.u32 @p4 s24;
	s14 =	sor.u32 s14, s31  }
0x1e3: {  	[tilespmem:$0x2A60] =	vst v0;
	s16 =	smov.u32 @p0 s26;
	s17 =	sshrl.u32 s14, $0x8  }
0x1e4: {  	[tilespmem:$0x2A70] =	vst v0;
	v0 =	vimm.s32 $0x1;
	s19 =	simm.s32 $0x0;
	s18 =	simm.s32 $0x40;
	v1 =	vmov s17;
	s17 =	simm.s32 $0x2980  }
.LBB2_21:
0x1e5: {  	p0 =	sne.s32 s18, $0x4FC0;
	v2 =	vld [tilespmem:s19+$0x1400];
	_ =	sdelay $0x4  }
0x1e6: {  	v3 =	vshrl.u32 v2, $0x8  }
0x1e7: {  	vm0 =	veq.s32 v3, v1  }
0x1e8: {  	v2 =	vand.u32 $0xFF, v2  }
.Ltmp10:
0x1e9: {  	(pc) =	sbr.rel @p0 .LBB2_21-.Ltmp10, $2  }
0x1ea: {  	_ =	sdelay $0x2  }
0x1eb: {  	s19 =	sshra.s32 s18, $0x2;
	s18 =	sadd.s32 $0x40, s18;
	[tilespmem:v2+s17+$0x0] =	vst.idx.add.s32.msk vm0, v0  }
0x1ec: {  	v2 =	vld [tilespmem:s19+$0x1400];
	_ =	sdelay $0x4  }
0x1ed: {  	v3 =	vshrl.u32 v2, $0x8  }
0x1ee: {  	vm0 =	veq.s32 v3, v1  }
0x1ef: {  	v1 =	vand.u32 $0xFF, v2;
	_ =	sdelay $0x3  }
0x1f0: {  	s18 =	sadd.s32 $0x180, s13;
	s26 =	simm.s32 $0x80  }
0x1f1: {  	s28 =	simm.s32 $0x200;
	s13 =	simm.s32 $0x2980;
	s29 =	simm.s32 $0x1;
	[tilespmem:v1+s17+$0x0] =	vst.idx.add.s32.msk vm0, v0  }
0x1f2: {  	[spmem:s18] =	stream.strided.scatter [tilespmem:s13], [sflag:$0x1], $0x100, s28, s26, $0x38;
	[tilespmem:$0x17E90] =	vst v63  }
0x1f3: {  	_ =	swait.ge [sflag:s29], $0x100  }
0x1f4: {  	[sflag:s29] =	ssyncset.done $0x0  }
0x1f5: {  	[sflag:s29] =	ssyncadd.s32 $0xFFFFFF00  }
0x1f6: {  	s12 =	sadd.s32 $0x180, s12;
	s20 =	simm.s32 $0x2A80;
	[bflag:$0x0] =	sbarrier.arrive $0xFFFF  }
0x1f7: {  	[tilespmem:s20], [sflag:$0x1] =	stream.strided.gather [spmem:s12], $0x1000, s28, s26, $0x38;
	[tilespmem:$0x17E90] =	vst v63  }
0x1f8: {  	_ =	swait.ge [sflag:s29], $0x1000  }
0x1f9: {  	s30 =	simm.s32 $0x0;
	[sflag:s29] =	ssyncset.done $0x0  }
0x1fa: {  	s12 =	sand.u32 $0xF0, s30;
	[sflag:s29] =	ssyncadd.s32 $0xFFFFF000  }
0x1fb: {  	v0 =	vld [tilespmem:s12+$0x2B80]  }
0x1fc: {  	v1 =	vld [tilespmem:s12+$0x2A80]  }
0x1fd: {  	v2 =	vld [tilespmem:s12+$0x2C80]  }
0x1fe: {  	v3 =	vld [tilespmem:s12+$0x2D80]  }
0x1ff: {  	v4 =	vld [tilespmem:s12+$0x2E80]  }
0x200: {  	v5 =	vld [tilespmem:s12+$0x2F80]  }
0x201: {  	v0 =	vadd.s32 v1, v0;
	v1 =	vld [tilespmem:s12+$0x3080]  }
0x202: {  	v0 =	vadd.s32 v0, v2;
	v2 =	vld [tilespmem:s12+$0x3180]  }
0x203: {  	v0 =	vadd.s32 v0, v3;
	v3 =	vld [tilespmem:s12+$0x3280]  }
0x204: {  	v60 =	vld [tilespmem:s12+$0x3380];
	v0 =	vadd.s32 v0, v4  }
0x205: {  	v61 =	vld [tilespmem:s12+$0x3480];
	v0 =	vadd.s32 v0, v5  }
0x206: {  	v0 =	vadd.s32 v0, v1;
	v1 =	vld [tilespmem:s12+$0x3580]  }
0x207: {  	v0 =	vadd.s32 v0, v2;
	v2 =	vld [tilespmem:s12+$0x3680]  }
0x208: {  	v0 =	vadd.s32 v0, v3;
	v3 =	vld [tilespmem:s12+$0x3780]  }
0x209: {  	v62 =	vld [tilespmem:s12+$0x3880];
	v0 =	vadd.s32 v0, v60  }
0x20a: {  	v63 =	vld [tilespmem:s12+$0x3980];
	v0 =	vadd.s32 v0, v61  }
0x20b: {  	v0 =	vadd.s32 v0, v1  }
0x20c: {  	v0 =	vadd.s32 v0, v2  }
0x20d: {  	v0 =	vadd.s32 v0, v3  }
0x20e: {  	v0 =	vadd.s32 v0, v62  }
0x20f: {  	s31 =	simm.s32 $0x10;
	v0 =	vadd.s32 v0, v63  }
0x210: {  	s12 =	sand.u32 $0xF0, s31;
	[tilespmem:s13+$0x0] =	vst v0  }
0x211: {  	s17 =	simm.s32 $0x20;
	v0 =	vld [tilespmem:s12+$0x2B80]  }
.LBB2_23:
0x212: {  	p0 =	sne.s32 s17, $0xF0;
	v1 =	vld [tilespmem:s12+$0x2A80]  }
0x213: {  	v2 =	vld [tilespmem:s12+$0x2C80]  }
0x214: {  	v3 =	vld [tilespmem:s12+$0x2D80]  }
0x215: {  	v4 =	vld [tilespmem:s12+$0x2E80]  }
0x216: {  	v5 =	vld [tilespmem:s12+$0x2F80]  }
0x217: {  	v0 =	vadd.s32 v1, v0;
	v1 =	vld [tilespmem:s12+$0x3080]  }
0x218: {  	v0 =	vadd.s32 v0, v2;
	v2 =	vld [tilespmem:s12+$0x3180]  }
0x219: {  	v0 =	vadd.s32 v0, v3;
	v3 =	vld [tilespmem:s12+$0x3280]  }
0x21a: {  	v0 =	vadd.s32 v0, v4;
	v4 =	vld [tilespmem:s12+$0x3380]  }
0x21b: {  	v0 =	vadd.s32 v0, v5;
	v5 =	vld [tilespmem:s12+$0x3480]  }
0x21c: {  	v0 =	vadd.s32 v0, v1;
	v1 =	vld [tilespmem:s12+$0x3580]  }
0x21d: {  	v0 =	vadd.s32 v0, v2;
	v2 =	vld [tilespmem:s12+$0x3680]  }
0x21e: {  	v0 =	vadd.s32 v0, v3;
	v3 =	vld [tilespmem:s12+$0x3780]  }
0x21f: {  	v0 =	vadd.s32 v0, v4;
	v4 =	vld [tilespmem:s12+$0x3880]  }
0x220: {  	v0 =	vadd.s32 v0, v5;
	v5 =	vld [tilespmem:s12+$0x3980]  }
0x221: {  	v0 =	vadd.s32 v0, v1  }
0x222: {  	v0 =	vadd.s32 v0, v2  }
.Ltmp11:
0x223: {  	v0 =	vadd.s32 v0, v3;
	(pc) =	sbr.rel @p0 .LBB2_23-.Ltmp11, $4  }
0x224: {  	v0 =	vadd.s32 v0, v4  }
0x225: {  	s13 =	sadd.s32 $0x10, s13;
	v0 =	vadd.s32 v0, v5  }
0x226: {  	s12 =	sand.u32 $0xF0, s17;
	[tilespmem:s13+$0x0] =	vst v0  }
0x227: {  	s17 =	sadd.s32 $0x10, s17;
	v0 =	vld [tilespmem:s12+$0x2B80]  }
0x228: {  	v1 =	vld [tilespmem:s12+$0x2A80]  }
0x229: {  	v2 =	vld [tilespmem:s12+$0x2C80]  }
0x22a: {  	v3 =	vld [tilespmem:s12+$0x2D80]  }
0x22b: {  	v4 =	vld [tilespmem:s12+$0x2E80]  }
0x22c: {  	v5 =	vld [tilespmem:s12+$0x2F80]  }
0x22d: {  	v0 =	vadd.s32 v1, v0;
	v1 =	vld [tilespmem:s12+$0x3080]  }
0x22e: {  	v0 =	vadd.s32 v0, v2;
	v2 =	vld [tilespmem:s12+$0x3180]  }
0x22f: {  	v0 =	vadd.s32 v0, v3;
	v3 =	vld [tilespmem:s12+$0x3280]  }
0x230: {  	v60 =	vld [tilespmem:s12+$0x3380];
	v0 =	vadd.s32 v0, v4  }
0x231: {  	v61 =	vld [tilespmem:s12+$0x3480];
	v0 =	vadd.s32 v0, v5  }
0x232: {  	v0 =	vadd.s32 v0, v1;
	v1 =	vld [tilespmem:s12+$0x3580]  }
0x233: {  	v0 =	vadd.s32 v0, v2;
	v2 =	vld [tilespmem:s12+$0x3680]  }
0x234: {  	v0 =	vadd.s32 v0, v3;
	v3 =	vld [tilespmem:s12+$0x3780]  }
0x235: {  	v62 =	vld [tilespmem:s12+$0x3880];
	v0 =	vadd.s32 v0, v60  }
0x236: {  	v63 =	vld [tilespmem:s12+$0x3980];
	v0 =	vadd.s32 v0, v61  }
0x237: {  	s21 =	simm.s32 $0xFF;
	v0 =	vadd.s32 v0, v1  }
0x238: {  	v1 =	vmov s21;
	v0 =	vadd.s32 v0, v2  }
0x239: {  	v0 =	vadd.s32 v0, v3  }
0x23a: {  	v0 =	vadd.s32 v0, v62  }
0x23b: {  	s30 =	sadd.s32 $0x10, s13;
	v0 =	vadd.s32 v0, v63  }
0x23c: {  	s22 =	simm.s32 $0x2980;
	[tilespmem:s30+$0x0] =	vst v0  }
0x23d: {  	v0 =	vld.idx.msk [tilespmem:v1+s22+$0x0], $0xffff;
	_ =	sdelay $0x4  }
0x23e: {  	(v2sf) =	vpush v0, $0x0;
	_ =	sdelay $0x1  }
0x23f: {  	s20 =	simm.s32 $0xFE  }
0x240: {  	v0 =	vmov s20  }
0x241: {  	s18 =	simm.s32 $0xFD  }
0x242: {  	s17 =	simm.s32 $0xFC;
	v1 =	vmov s18  }
0x243: {  	v2 =	vmov s17;
	_ =	sdelay $0x1  }
0x244: {  	v0 =	vld.idx.msk [tilespmem:v0+s22+$0x0], $0xffff;
	_ =	sdelay $0x1  }
0x245: {  	v1 =	vld.idx.msk [tilespmem:v1+s22+$0x0], $0xffff  }
0x246: {  	v2 =	vld.idx.msk [tilespmem:v2+s22+$0x0], $0xffff;
	_ =	sdelay $0x1  }
0x247: {  	(v2sf) =	vpush v0, $0x0;
	_ =	sdelay $0x1  }
0x248: {  	s31 =	spop (v2sf);
	(v2sf) =	vpush v1, $0x0  }
0x249: {  	(v2sf) =	vpush v2, $0x0;
	_ =	sdelay $0x1  }
0x24a: {  	s19 =	simm.s32 $0xFB  }
0x24b: {  	v3 =	vmov s19;
	_ =	sdelay $0x1  }
0x24c: {  	s25 =	simm.s32 $0xFA  }
0x24d: {  	s24 =	simm.s32 $0x0;
	s12 =	ssub.s32 s15, s16;
	s23 =	sadd.s32 $0x0, s31  }
0x24e: {  	s13 =	simm.s32 $0x0;
	p0 =	sgt.s32 s12, $0x0;
	p1 =	sge.s32 s23, s12  }
0x24f: {  	s15 =	simm.s32 $0x0;
	v0 =	vld.idx.msk [tilespmem:v3+s22+$0x0], $0xffff;
	s16 =	smov.u32 s23;
	p1 =	por !p0, !p1  }
.LBB2_25:
0x250: {  	p0 =	sne.s32 s25, $0x0  }
0x251: {  	v1 =	vmov s25;
	p1 =	por !p1, !p1;
	s26 =	smov.u32 s25;
	s25 =	sadd.s32 $0xFFFFFFFF, s25  }
.Ltmp12:
0x252: {  	s15 =	smov.u32 @p1 s21;
	s13 =	smov.u32 @p1 s24;
	(pc) =	sbr.rel @p0 .LBB2_25-.Ltmp12, $4  }
0x253: {  	s21 =	smov.u32 s20;
	s20 =	smov.u32 s18;
	s24 =	spop (v2sf)  }
0x254: {  	s18 =	smov.u32 s17;
	s17 =	smov.u32 s19;
	s23 =	sadd.s32 s23, s24  }
0x255: {  	p1 =	slt.s32 s16, s12;
	s19 =	smov.u32 s26;
	p2 =	sge.s32 s23, s12  }
0x256: {  	s24 =	smov.u32 s16;
	s16 =	smov.u32 s23;
	(v2sf) =	vpush v0, $0x0;
	v0 =	vld.idx.msk [tilespmem:v1+s22+$0x0], $0xffff;
	p1 =	por !p1, !p2  }
0x257: {  	_ =	sdelay $0x3  }
0x258: {  	(v2sf) =	vpush v0, $0x0;
	_ =	sdelay $0x8  }
0x259: {  	p0 =	por !p1, !p1  }
0x25a: {  	s22 =	spop (v2sf);
	p5 =	slt.s32 s16, s12;
	s15 =	smov.u32 @p0 s21  }
0x25b: {  	s21 =	sadd.s32 s23, s22;
	s28 =	spop (v2sf);
	s13 =	smov.u32 @p0 s24  }
0x25c: {  	p2 =	sge.s32 s21, s12;
	s22 =	sadd.s32 s21, s28;
	p3 =	slt.s32 s21, s12  }
0x25d: {  	p1 =	por !p5, !p2;
	p4 =	sge.s32 s22, s12;
	p6 =	slt.s32 s22, s12  }
0x25e: {  	p1 =	por !p1, !p1;
	p3 =	por !p3, !p4;
	s29 =	spop (v2sf)  }
0x25f: {  	s15 =	smov.u32 @p1 s20;
	s23 =	sadd.s32 s22, s29;
	s25 =	spop (v2sf)  }
0x260: {  	p3 =	por !p3, !p3;
	p5 =	sge.s32 s23, s12;
	s30 =	sadd.s32 s23, s25  }
0x261: {  	p4 =	por !p6, !p5;
	p6 =	slt.s32 s23, s12;
	p2 =	sge.s32 s30, s12  }
0x262: {  	s15 =	smov.u32 @p3 s18;
	p4 =	por !p4, !p4;
	p2 =	por !p6, !p2  }
0x263: {  	s13 =	smov.u32 @p1 s16;
	s15 =	smov.u32 @p4 s17;
	p0 =	por !p2, !p2  }
0x264: {  	s31 =	simm.s32 $0x0;
	s13 =	smov.u32 @p3 s21;
	s15 =	smov.u32 @p0 s19  }
0x265: {  	v1 =	vimm.s32 $0x0;
	v4 =	vld [tilespmem:s31+$0x1400];
	s13 =	smov.u32 @p4 s22;
	s14 =	sor.u32 s14, s15  }
0x266: {  	v2 =	vimm.s32 $0x0;
	v3 =	vimm.s32 $0x0;
	s13 =	smov.u32 @p0 s23;
	v0 =	vmov s14;
	s14 =	simm.s32 $0x40  }
.LBB2_27:
0x267: {  	p0 =	sne.s32 s14, $0x4FC0  }
.Ltmp13:
0x268: {  	_ = 	snop;
	(pc) =	sbr.rel @p0 .LBB2_27-.Ltmp13, $4  }
0x269: {  	_ = 	snop  }
0x26a: {  	s15 =	sshra.s32 s14, $0x2;
	s14 =	sadd.s32 $0x40, s14;
	vm0 =	vgt.u32 v4, v0;
	vm1 =	veq.s32 v4, v0  }
0x26b: {  	v4 =	vld [tilespmem:s15+$0x1400];
	v5 =	vsel vm0, $0x1, v1;
	v6 =	vsel vm1, $0x1, v1  }
0x26c: {  	v2 =	vadd.s32 v5, v2;
	v3 =	vadd.s32 v6, v3  }
0x26d: {  	_ =	sdelay $0x2  }
0x26e: {  	vm0 =	vgt.u32 v4, v0  }
0x26f: {  	vm1 =	veq.s32 v4, v0;
	v63 =	vsel vm0, $0x1, v1  }
0x270: {  	v1 =	vsel vm1, $0x1, v1;
	v2 =	vadd.s32 v63, v2  }
0x271: {  	v1 =	vadd.s32 v1, v3;
	(xrf0) =	vadd.scan.msk.s32 $0xffff, v2  }
0x272: {  	(xrf0) =	vadd.scan.msk.s32 $0xffff, v1;
	_ =	sdelay $0x4  }
0x273: {  	v1, _, _ =	vpop (xrf0)  }
0x274: {  	v2, _, _ =	vpop (xrf0)  }
0x275: {  	v2 =	vbroadcast v2, $0xF  }
0x276: {  	vm14 =	vcmask $0x704;
	v1 =	vbroadcast v1, $0xF  }
0x277: {  	vm15 =	vcmask $0x3F04;
	v2 =	vnsel vm14, $0x0, v2  }
0x278: {  	s14 =	sshll.u32 s6, $0x4;
	v1 =	vsel vm15, v2, v1  }
0x279: {  	s16 =	simm.s32 $0x3A80;
	s31 =	simm.s32 $0x1;
	s15 =	sadd.s32 s14, s11;
	[tilespmem:$0x3A80] =	vst v1  }
0x27a: {  	[spmem:s15] =	stream.linear.scatter [tilespmem:s16], [sflag:$0x1], $0x10, $0x38;
	[tilespmem:$0x17E90] =	vst v63  }
0x27b: {  	_ =	swait.ge [sflag:s31], $0x10  }
0x27c: {  	[sflag:s31] =	ssyncset.done $0x0  }
0x27d: {  	v1 =	vimm.f32 $0.0e+00;
	s15 =	simm.s32 $0x0;
	[sflag:s31] =	ssyncadd.s32 $0xFFFFFFF0  }
.LBB2_29:
0x27e: {  	p0 =	sne.s32 s15, $0x19C0  }
.Ltmp14:
0x27f: {  	_ = 	snop;
	(pc) =	sbr.rel @p0 .LBB2_29-.Ltmp14, $3  }
0x280: {  	_ =	sdelay $0x1  }
0x281: {  	s16 =	sshra.s32 s15, $0x2  }
0x282: {  	s15 =	sadd.s32 $0x40, s15;
	[tilespmem:s16+$0x3C00] =	vst v1  }
0x283: {  	v1 =	vimm.s32 $0x0;
	s15 =	simm.s32 $0x40;
	s16 =	simm.s32 $0x0  }
.LBB2_31:
0x284: {  	p0 =	sne.s32 s15, $0x19C0;
	[tilespmem:s16+$0x4280] =	vst v1;
	s16 =	smov.u32 s15;
	s15 =	sadd.s32 $0x40, s15  }
.Ltmp15:
0x285: {  	(pc) =	sbr.rel @p0 .LBB2_31-.Ltmp15, $2  }
0x286: {  	_ =	sdelay $0x2  }
0x287: {  	s16 =	sshra.s32 s16, $0x2  }
0x288: {  	[tilespmem:s16+$0x4280] =	vst v1  }
0x289: {  	s19 =	simm.s32 $0x3B00;
	[bflag:$0x0] =	sbarrier.arrive $0xFFFF  }
0x28a: {  	[tilespmem:s19], [sflag:$0x1] =	stream.linear.gather [spmem:s11], $0x100, $0x38;
	[tilespmem:$0x17E90] =	vst v63  }
0x28b: {  	s11 =	simm.s32 $0x0  }
0x28c: {  	v1 =	vmov s11  }
0x28d: {  	v2 =	vor.u32 $0x1, v1  }
0x28e: {  	s31 =	simm.s32 $0x1  }
0x28f: {  	_ =	swait.ge [sflag:s31], $0x100  }
0x290: {  	[sflag:s31] =	ssyncset.done $0x0  }
0x291: {  	[sflag:s31] =	ssyncadd.s32 $0xFFFFFF00  }
0x292: {  	v2 =	vld.idx.msk [tilespmem:v2+s19+$0x0], $0xffff;
	_ =	sdelay $0x4  }
0x293: {  	s18 =	simm.s32 $0x10;
	(v2sf) =	vpush v2, $0x0  }
0x294: {  	v2 =	vmov s18  }
0x295: {  	s17 =	simm.s32 $0x20;
	v3 =	vor.u32 $0x1, v2  }
0x296: {  	v4 =	vmov s17;
	v6 =	vld.idx.msk [tilespmem:v1+s19+$0x0], $0xffff  }
0x297: {  	v5 =	vor.u32 $0x1, v4;
	_ =	sdelay $0x2  }
0x298: {  	v3 =	vld.idx.msk [tilespmem:v3+s19+$0x0], $0xffff  }
0x299: {  	(v2sf) =	vpush v6, $0x0;
	v2 =	vld.idx.msk [tilespmem:v2+s19+$0x0], $0xffff  }
0x29a: {  	v5 =	vld.idx.msk [tilespmem:v5+s19+$0x0], $0xffff  }
0x29b: {  	v4 =	vld.idx.msk [tilespmem:v4+s19+$0x0], $0xffff;
	_ =	sdelay $0x1  }
0x29c: {  	(v2sf) =	vpush v3, $0x0  }
0x29d: {  	(v2sf) =	vpush v2, $0x0  }
0x29e: {  	s16 =	simm.s32 $0x30;
	(v2sf) =	vpush v5, $0x0  }
0x29f: {  	v1 =	vmov s16;
	s25 =	spop (v2sf);
	(v2sf) =	vpush v4, $0x0  }
0x2a0: {  	v7 =	vor.u32 $0x1, v1  }
0x2a1: {  	s15 =	sadd.s32 $0x0, s13  }
0x2a2: {  	s20 =	ssub.s32 s12, s15  }
0x2a3: {  	s24 =	simm.s32 $0x50;
	s21 =	simm.s32 $0x0;
	p0 =	sgt.s32 s20, $0x0  }
0x2a4: {  	s23 =	simm.s32 $0x0;
	s15 =	simm.s32 $0x40;
	s20 =	simm.s32 @!p0 $0x0  }
0x2a5: {  	s22 =	simm.s32 $0x0;
	p0 =	seq.s32 s14, $0x0;
	v3 =	vmov s15;
	v2 =	vld.idx.msk [tilespmem:v7+s19+$0x0], $0xffff;
	p2 =	slt.s32 s25, s20  }
.LBB2_33:
0x2a6: {  	p1 =	seq.s32 s24, $0xF0  }
0x2a7: {  	s20 =	smov.u32 @p2 s25;
	s26 =	spop (v2sf);
	s28 =	smov.u32 s18  }
0x2a8: {  	v4 =	vor.u32 $0x1, v3;
	v5 =	vld.idx.msk [tilespmem:v1+s19+$0x0], $0xffff;
	v1 =	vmov v3;
	s18 =	smov.u32 s17;
	s17 =	smov.u32 s16;
	s23 =	sadd.s32 s23, s25  }
0x2a9: {  	p2 =	slt.u32 s21, s6;
	s16 =	sadd.s32 s26, s20;
	s25 =	sadd.s32 s23, s13  }
.Ltmp16:
0x2aa: {  	s11 =	smov.u32 @p0 s20;
	s16 =	simm.s32 @!p2 $0x0;
	(pc) =	sbr.rel @!p1 .LBB2_33-.Ltmp16, $4  }
0x2ab: {  	s20 =	ssub.s32 s12, s25;
	s22 =	sadd.s32 s22, s16;
	s16 =	smov.u32 s15  }
0x2ac: {  	p0 =	sgt.s32 s20, $0x0;
	s15 =	smov.u32 s24;
	(v2sf) =	vpush v2, $0x0  }
0x2ad: {  	s20 =	simm.s32 @!p0 $0x0;
	p0 =	seq.s32 s14, s28;
	v2 =	vld.idx.msk [tilespmem:v4+s19+$0x0], $0xffff;
	s25 =	spop (v2sf)  }
0x2ae: {  	s21 =	sadd.s32 $0x1, s21;
	s24 =	sadd.s32 $0x10, s24;
	v3 =	vmov s15;
	(v2sf) =	vpush v5, $0x0;
	p2 =	slt.s32 s25, s20  }
0x2af: {  	v4 =	vor.u32 $0x1, v3;
	_ =	sdelay $0x3  }
0x2b0: {  	v1 =	vld.idx.msk [tilespmem:v1+s19+$0x0], $0xffff  }
0x2b1: {  	s24 =	spop (v2sf);
	s23 =	sadd.s32 s23, s25;
	(v2sf) =	vpush v2, $0x0;
	v2 =	vld.idx.msk [tilespmem:v4+s19+$0x0], $0xffff  }
0x2b2: {  	s20 =	smov.u32 @p2 s25;
	p1 =	slt.u32 s21, s6;
	s26 =	sadd.s32 s23, s13  }
0x2b3: {  	v3 =	vld.idx.msk [tilespmem:v3+s19+$0x0], $0xffff;
	s30 =	sadd.s32 $0x1, s21;
	s19 =	sadd.s32 s24, s20;
	s24 =	ssub.s32 s12, s26  }
0x2b4: {  	s25 =	spop (v2sf);
	s11 =	smov.u32 @p0 s20;
	p0 =	sgt.s32 s24, $0x0  }
0x2b5: {  	s31 =	sadd.s32 $0x1, s30;
	s28 =	spop (v2sf);
	(v2sf) =	vpush v1, $0x0;
	s24 =	simm.s32 @!p0 $0x0  }
0x2b6: {  	s29 =	sadd.s32 s23, s25;
	s19 =	simm.s32 @!p1 $0x0;
	p1 =	slt.s32 s25, s24;
	(v2sf) =	vpush v2, $0x0  }
0x2b7: {  	s24 =	smov.u32 @p1 s25;
	p1 =	slt.u32 s30, s6;
	s30 =	simm.s32 $0x0  }
0x2b8: {  	s23 =	sadd.s32 s29, s13;
	v4 =	vld [tilespmem:s30+$0x1400]  }
0x2b9: {  	s23 =	ssub.s32 s12, s23  }
0x2ba: {  	s19 =	sadd.s32 s22, s19;
	p0 =	seq.s32 s14, s18;
	s20 =	sadd.s32 s28, s24  }
0x2bb: {  	s11 =	smov.u32 @p0 s24;
	p0 =	sgt.s32 s23, $0x0;
	s20 =	simm.s32 @!p1 $0x0  }
0x2bc: {  	s23 =	simm.s32 @!p0 $0x0;
	p0 =	seq.s32 s14, s17;
	s22 =	spop (v2sf)  }
0x2bd: {  	v2 =	vimm.s32 $0x0;
	s19 =	sadd.s32 s19, s20;
	p1 =	slt.s32 s22, s23;
	s18 =	sadd.s32 s29, s22;
	vm0 =	veq.s32 v4, v0  }
0x2be: {  	(v2sf) =	vpush v3, $0x0;
	s23 =	smov.u32 @p1 s22;
	s21 =	spop (v2sf);
	s22 =	sadd.s32 s18, s13;
	v5 =	vsel vm0, $0x1, v2  }
0x2bf: {  	p1 =	slt.u32 s31, s6;
	s20 =	sadd.s32 s21, s23;
	s21 =	ssub.s32 s12, s22;
	(xrf0) =	vadd.scan.msk.s32 $0xffff, v5  }
0x2c0: {  	s20 =	simm.s32 @!p1 $0x0;
	p1 =	sgt.s32 s21, $0x0;
	s22 =	spop (v2sf)  }
0x2c1: {  	s17 =	sadd.s32 $0x1, s31;
	s21 =	simm.s32 @!p1 $0x0;
	s18 =	sadd.s32 s18, s22  }
0x2c2: {  	s11 =	smov.u32 @p0 s23;
	p0 =	slt.s32 s22, s21;
	s24 =	sadd.s32 s18, s13  }
0x2c3: {  	s29 =	simm.s32 $0x0;
	s21 =	smov.u32 @p0 s22;
	s12 =	ssub.s32 s12, s24  }
0x2c4: {  	s25 =	spop (v2sf);
	p0 =	slt.u32 s17, s6;
	p1 =	sgt.s32 s12, $0x0  }
0x2c5: {  	v5 =	vmov s29;
	s13 =	sadd.s32 s25, s21;
	s12 =	simm.s32 @!p1 $0x0;
	v6, _, _ =	vpop (xrf0);
	s18 =	spop (v2sf)  }
0x2c6: {  	v5 =	vadd.s32 $0xFFFFFFFF, v5;
	s13 =	simm.s32 @!p0 $0x0;
	p1 =	seq.s32 s14, s16;
	(v2sf) =	vpush v6, $0xF;
	p0 =	slt.s32 s18, s12  }
0x2c7: {  	v5 =	vbroadcast v5, $0x0;
	s11 =	smov.u32 @p1 s21;
	p1 =	seq.s32 s14, s15;
	s12 =	smov.u32 @p0 s18  }
0x2c8: {  	s11 =	smov.u32 @p1 s12  }
0x2c9: {  	v5 =	vadd.s32 v6, v5;
	v3 =	vmov s11  }
0x2ca: {  	vm1 =	vlt.s32 v5, v3  }
0x2cb: {  	vm2 =	vgt.u32 v4, v0;
	vm0 =	vmand vm0, vm1  }
0x2cc: {  	vm0 =	vmor vm2, vm0  }
0x2cd: {  	s26 =	sadd.s32 $0x1, s17;
	s28 =	spop (v2sf);
	v4 =	vsel vm0, $0x1, v2  }
0x2ce: {  	s19 =	sadd.s32 s19, s20;
	p0 =	slt.u32 s26, s6;
	s16 =	sadd.s32 s28, s12;
	(xrf0) =	vadd.scan.msk.s32 $0xffff, v4  }
0x2cf: {  	s13 =	sadd.s32 s19, s13;
	s16 =	simm.s32 @!p0 $0x0  }
0x2d0: {  	s13 =	sadd.s32 s13, s16  }
0x2d1: {  	v4 =	vmov s13  }
0x2d2: {  	v4 =	vadd.s32 $0xFFFFFFFF, v4  }
0x2d3: {  	v4 =	vbroadcast v4, $0x0  }
0x2d4: {  	v5, _, _ =	vpop (xrf0)  }
0x2d5: {  	v62 =	vld [tilespmem:s30+$0x0];
	s31 =	spop (v2sf);
	v4 =	vadd.s32 v5, v4;
	(v2sf) =	vpush v5, $0xF;
	_ =	sdelay $0x3  }
0x2d6: {  	v1 =	vlaneseq.u32;
	s12 =	simm.s32 $0x3C00  }
0x2d7: {  	v63 =	vor.u32 s10, v1;
	s11 =	simm.s32 $0x4280;
	[tilespmem:v4+s12+$0x0] =	vst.idx.msk vm0, v62  }
0x2d8: {  	s14 =	simm.s32 $0x10;
	s16 =	simm.s32 $0x80;
	s15 =	sadd.s32 $0x0, s31;
	[tilespmem:v4+s11+$0x0] =	vst.idx.msk vm0, v63  }
.LBB2_35:
0x2d9: {  	p0 =	sne.s32 s16, $0x4FC0;
	v4 =	vld [tilespmem:s14+$0x1400];
	_ =	sdelay $0x4  }
0x2da: {  	vm0 =	vgt.u32 v4, v0;
	vm1 =	veq.s32 v4, v0  }
0x2db: {  	v4 =	vsel vm1, $0x1, v2  }
0x2dc: {  	(xrf0) =	vadd.scan.msk.s32 $0xffff, v4  }
0x2dd: {  	s17 =	spop (v2sf)  }
0x2de: {  	s13 =	sadd.s32 s13, s17  }
0x2df: {  	v4 =	vmov s15;
	v5 =	vmov s13  }
0x2e0: {  	v4 =	vadd.s32 $0xFFFFFFFF, v4;
	v5 =	vadd.s32 $0xFFFFFFFF, v5  }
0x2e1: {  	v4 =	vbroadcast v4, $0x0;
	v5 =	vbroadcast v5, $0x0  }
0x2e2: {  	v6, _, _ =	vpop (xrf0)  }
0x2e3: {  	v4 =	vadd.s32 v6, v4;
	(v2sf) =	vpush v6, $0xF  }
0x2e4: {  	vm2 =	vlt.s32 v4, v3  }
0x2e5: {  	vm1 =	vmand vm1, vm2  }
0x2e6: {  	vm0 =	vmor vm0, vm1  }
0x2e7: {  	v4 =	vsel vm0, $0x1, v2  }
0x2e8: {  	(xrf0) =	vadd.scan.msk.s32 $0xffff, v4;
	_ =	sdelay $0x5  }
0x2e9: {  	v4, _, _ =	vpop (xrf0)  }
0x2ea: {  	v6 =	vld [tilespmem:s14+$0x0];
	v5 =	vadd.s32 v4, v5;
	(v2sf) =	vpush v4, $0xF;
	_ =	sdelay $0x1  }
.Ltmp17:
0x2eb: {  	(pc) =	sbr.rel @p0 .LBB2_35-.Ltmp17, $4  }
0x2ec: {  	s14 =	spop (v2sf)  }
0x2ed: {  	s10 =	sadd.s32 $0x10, s10;
	s15 =	sadd.s32 s15, s14  }
0x2ee: {  	v4 =	vor.u32 s10, v1;
	[tilespmem:v5+s12+$0x0] =	vst.idx.msk vm0, v6  }
0x2ef: {  	s14 =	sshra.s32 s16, $0x2;
	s16 =	sadd.s32 $0x40, s16;
	[tilespmem:v5+s11+$0x0] =	vst.idx.msk vm0, v4  }
0x2f0: {  	v4 =	vld [tilespmem:s14+$0x1400];
	_ =	sdelay $0x4  }
0x2f1: {  	vm0 =	veq.s32 v4, v0  }
0x2f2: {  	v5 =	vsel vm0, $0x1, v2  }
0x2f3: {  	(xrf0) =	vadd.scan.msk.s32 $0xffff, v5;
	_ =	sdelay $0x2  }
0x2f4: {  	v60 =	vmov s15  }
0x2f5: {  	v5 =	vadd.s32 $0xFFFFFFFF, v60  }
0x2f6: {  	v5 =	vbroadcast v5, $0x0  }
0x2f7: {  	v6, _, _ =	vpop (xrf0)  }
0x2f8: {  	v5 =	vadd.s32 v6, v5  }
0x2f9: {  	vm1 =	vlt.s32 v5, v3  }
0x2fa: {  	vm2 =	vgt.u32 v4, v0;
	vm0 =	vmand vm0, vm1  }
0x2fb: {  	vm0 =	vmor vm2, vm0  }
0x2fc: {  	v61 =	vsel vm0, $0x1, v2  }
0x2fd: {  	(xrf0) =	vadd.scan.msk.s32 $0xffff, v61;
	_ =	sdelay $0x4  }
0x2fe: {  	(v2sf) =	vpush v6, $0xF  }
0x2ff: {  	v0, _, _ =	vpop (xrf0)  }
0x300: {  	(v2sf) =	vpush v0, $0xF  }
0x301: {  	s22 =	spop (v2sf)  }
0x302: {  	s13 =	sadd.s32 s13, s22  }
0x303: {  	v62 =	vmov s13  }
0x304: {  	v2 =	vadd.s32 $0xFFFFFFFF, v62  }
0x305: {  	v2 =	vbroadcast v2, $0x0;
	_ =	sdelay $0x1  }
0x306: {  	v63 =	vld [tilespmem:s14+$0x0];
	v0 =	vadd.s32 v0, v2;
	_ =	sdelay $0x3  }
0x307: {  	s23 =	sadd.s32 $0x10, s10;
	s10 =	smul.u32 $0x680, s6  }
0x308: {  	v1 =	vor.u32 s23, v1;
	[tilespmem:v0+s12+$0x0] =	vst.idx.msk vm0, v63  }
0x309: {  	s25 =	sadd.s32 s10, s9;
	s24 =	spop (v2sf);
	s12 =	simm.s32 $0x3C00;
	[tilespmem:v0+s11+$0x0] =	vst.idx.msk vm0, v1  }
0x30a: {  	[spmem:s25] =	stream.linear.scatter [tilespmem:s12], [sflag:$0x1], $0x680, $0x38;
	[tilespmem:$0x17E90] =	vst v63  }
0x30b: {  	s11 =	simm.s32 $0x1;
	s26 =	spop (v2sf)  }
0x30c: {  	_ =	swait.ge [sflag:s11], $0x680  }
0x30d: {  	[sflag:s11] =	ssyncset.done $0x0  }
0x30e: {  	s29 =	simm.s32 $0x4280;
	s28 =	sadd.s32 s10, s8;
	[sflag:s11] =	ssyncadd.s32 $0xFFFFF980  }
0x30f: {  	[spmem:s28] =	stream.linear.scatter [tilespmem:s29], [sflag:$0x1], $0x680, $0x38;
	[tilespmem:$0x17E90] =	vst v63  }
0x310: {  	_ =	swait.ge [sflag:s11], $0x680  }
0x311: {  	[sflag:s11] =	ssyncset.done $0x0  }
0x312: {  	[sflag:s11] =	ssyncadd.s32 $0xFFFFF980  }
0x313: {  	s30 =	simm.s32 $0x5C80;
	[bflag:$0x0] =	sbarrier.arrive $0xFFFF  }
0x314: {  	[tilespmem:s30], [sflag:$0x1] =	stream.linear.gather [spmem:s9], $0x6800, $0x38;
	[tilespmem:$0x17E90] =	vst v63  }
0x315: {  	_ =	swait.ge [sflag:s11], $0x6800  }
0x316: {  	[sflag:s11] =	ssyncset.done $0x0  }
0x317: {  	s31 =	simm.s32 $0xC480;
	[sflag:s11] =	ssyncadd.s32 $0xFFFF9800  }
0x318: {  	[tilespmem:s31], [sflag:$0x1] =	stream.linear.gather [spmem:s8], $0x6800, $0x38;
	[tilespmem:$0x17E90] =	vst v63  }
0x319: {  	_ =	swait.ge [sflag:s11], $0x6800  }
0x31a: {  	s9 =	simm.s32 $0x0;
	[sflag:s11] =	ssyncset.done $0x0  }
0x31b: {  	s8 =	simm.s32 $0x0;
	[sflag:s11] =	ssyncadd.s32 $0xFFFF9800;
	s11 =	simm.s32 $0x0  }
.LBB2_37:
0x31c: {  	s12 =	sshll.u32 s9, $0x2;
	s13 =	sand.u32 $0x7, s8  }
0x31d: {  	s12 =	sand.u32 $0xFFFFFE00, s12;
	s13 =	sshll.u32 s13, $0x6  }
0x31e: {  	s12 =	sor.u32 s13, s12  }
0x31f: {  	s12 =	sshrl.u32 s12, $0x2  }
0x320: {  	s31 =	sadd.s32 $0xC480, s12  }
0x321: {  	s12 =	sadd.s32 $0x5C80, s12;
	v0 =	vmov s31  }
0x322: {  	v2 =	vmov s12;
	_ =	sdelay $0x2  }
0x323: {  	s14 =	simm.s32 $0x0  }
0x324: {  	v1 =	vld.idx.msk [tilespmem:v0+s14+$0x0 ss:$0x1], $0xffff  }
0x325: {  	v4 =	vimm.f32 $0.0e+00;
	v3 =	vimm.s32 $0x0;
	s13 =	simm.s32 $0x1A00;
	s12 =	sshll.u32 s11, $0x4;
	v5 =	vld.idx.msk [tilespmem:v2+s14+$0x0 ss:$0x1], $0xffff  }
.LBB2_38:
0x326: {  	p0 =	sne.s32 s13, $0x18600  }
.Ltmp18:
0x327: {  	_ = 	snop;
	(pc) =	sbr.rel @p0 .LBB2_38-.Ltmp18, $4  }
0x328: {  	_ = 	snop  }
0x329: {  	s14 =	sshra.s32 s13, $0x2;
	s13 =	sadd.s32 $0x1A00, s13  }
0x32a: {  	v3 =	vadd.s32 v3, v1;
	v1 =	vld.idx.msk [tilespmem:v0+s14+$0x0 ss:$0x1], $0xffff  }
0x32b: {  	v4 =	vadd.f32 v5, v4;
	v5 =	vld.idx.msk [tilespmem:v2+s14+$0x0 ss:$0x1], $0xffff  }
0x32c: {  	s11 =	sadd.s32 $0x1, s11  }
0x32d: {  	p0 =	sne.s32 s11, $0x68  }
.Ltmp19:
0x32e: {  	_ = 	snop;
	(pc) =	sbr.rel @p0 .LBB2_37-.Ltmp19, $4  }
0x32f: {  	_ = 	snop  }
0x330: {  	v1 =	vadd.s32 v3, v1;
	v0 =	vadd.f32 v5, v4  }
0x331: {  	[tilespmem:s12+$0x4F80] =	vst v1  }
0x332: {  	s9 =	sadd.s32 $0x10, s9;
	s8 =	sadd.s32 $0x1, s8;
	[tilespmem:s12+$0x4900] =	vst v0  }
0x333: {  	s8 =	simm.s32 $0x4F80  }
0x334: {  	v0 =	vld [tilespmem:s8+$0x0];
	_ =	sdelay $0x4  }
0x335: {  	v1 =	vcvt.s32.f32 v0;
	_ =	sdelay $0x1  }
0x336: {  	v1 =	vmul.f32 $5.000000070e-02, v1;
	_ =	sdelay $0x1  }
0x337: {  	v1 =	vtrunc.f32 v1  }
0x338: {  	v2 =	vcvt.f32.s32 v1;
	_ =	sdelay $0x1  }
0x339: {  	v1 =	vmul.u32 $0xFFFFFFEC, v2  }
0x33a: {  	v0 =	vadd.s32 v2, v0  }
0x33b: {  	v1 =	vadd.s32 v1, v0  }
0x33c: {  	v0 =	vcvt.s32.f32 v1  }
0x33d: {  	v3 =	vlaneseq.u32  }
0x33e: {  	v3 =	vmul.u32 $0xFFFFFFFF, v3;
	v4 =	vcvt.s32.f32 v2;
	v5 =	vmul.f32 $9.999999740e-06, v0  }
0x33f: {  	s9 =	simm.s32 $0x0  }
0x340: {  	v0 =	vadd.s32 $0x666, v3;
	v3 =	vmov s9;
	v4 =	vadd.f32 v4, v5  }
0x341: {  	vm0 =	vlt.u32 v3, v0  }
0x342: {  	s9 =	simm.s32 $0x12C80;
	v3 =	vnsel vm0, $0x7F800000, v4  }
0x343: {  	s11 =	simm.s32 $0x4900;
	[tilespmem:s9+$0x0] =	vst v3  }
0x344: {  	v3 =	vld [tilespmem:s11+$0x0];
	_ =	sdelay $0x4  }
0x345: {  	v63 =	vshra.s32 v3, $0x1F  }
0x346: {  	v4 =	vor.u32 $0x80000000, v63  }
0x347: {  	v3 =	vxor.u32 v4, v3  }
0x348: {  	s13 =	simm.s32 $0x13300;
	v3 =	vxor.u32 $0x80000000, v3  }
0x349: {  	s14 =	simm.s32 $0x13980;
	s16 =	simm.s32 $0x14000;
	s12 =	simm.s32 $0x10;
	[tilespmem:s13+$0x0] =	vst v3  }
0x34a: {  	s15 =	simm.s32 $0x14010;
	s13 =	simm.s32 $0x13310;
	[tilespmem:s14+$0x0] =	vst v2;
	s14 =	simm.s32 $0x13990  }
.LBB2_41:
0x34b: {  	[tilespmem:s16+$0x0] =	vst v1;
	s8 =	sadd.s32 $0x10, s8;
	s9 =	sadd.s32 $0x10, s9;
	s11 =	sadd.s32 $0x10, s11  }
0x34c: {  	p0 =	sne.s32 s12, $0x670;
	s17 =	smov.u32 s12;
	s12 =	sadd.s32 $0x10, s12;
	v1 =	vld [tilespmem:s8+$0x0]  }
0x34d: {  	s16 =	smov.u32 s15;
	_ =	sdelay $0x3  }
0x34e: {  	v2 =	vcvt.s32.f32 v1;
	_ =	sdelay $0x1  }
0x34f: {  	v2 =	vmul.f32 $5.000000070e-02, v2;
	_ =	sdelay $0x1  }
0x350: {  	v2 =	vtrunc.f32 v2  }
0x351: {  	v2 =	vcvt.f32.s32 v2;
	_ =	sdelay $0x1  }
0x352: {  	v3 =	vmul.u32 $0xFFFFFFEC, v2;
	v1 =	vadd.s32 v2, v1;
	_ =	sdelay $0x1  }
0x353: {  	v1 =	vadd.s32 v3, v1  }
0x354: {  	v3 =	vcvt.s32.f32 v1;
	_ =	sdelay $0x1  }
0x355: {  	v4 =	vcvt.s32.f32 v2;
	v3 =	vmul.f32 $9.999999740e-06, v3;
	_ =	sdelay $0x1  }
0x356: {  	v5 =	vmov s17;
	v3 =	vadd.f32 v4, v3  }
0x357: {  	vm0 =	vlt.u32 v5, v0  }
0x358: {  	v3 =	vnsel vm0, $0x7F800000, v3  }
0x359: {  	[tilespmem:s9+$0x0] =	vst v3  }
0x35a: {  	v3 =	vld [tilespmem:s11+$0x0];
	_ =	sdelay $0x4  }
0x35b: {  	v4 =	vshra.s32 v3, $0x1F  }
.Ltmp20:
0x35c: {  	v4 =	vor.u32 $0x80000000, v4;
	(pc) =	sbr.rel @p0 .LBB2_41-.Ltmp20, $4  }
0x35d: {  	v3 =	vxor.u32 v4, v3  }
0x35e: {  	v3 =	vxor.u32 $0x80000000, v3  }
0x35f: {  	[tilespmem:s13+$0x0] =	vst v3  }
0x360: {  	s15 =	sadd.s32 $0x10, s15;
	s13 =	sadd.s32 $0x10, s13;
	[tilespmem:s14+$0x0] =	vst v2;
	s14 =	sadd.s32 $0x10, s14  }
0x361: {  	[tilespmem:s16+$0x0] =	vst v1;
	s8 =	simm.s32 $0x0;
	v0 =	vimm.s32 $0x0  }
.LBB2_43:
0x362: {  	p0 =	sne.s32 s8, $0x19C0  }
.Ltmp21:
0x363: {  	_ = 	snop;
	(pc) =	sbr.rel @p0 .LBB2_43-.Ltmp21, $3  }
0x364: {  	_ =	sdelay $0x1  }
0x365: {  	s9 =	sshra.s32 s8, $0x2  }
0x366: {  	s8 =	sadd.s32 $0x40, s8;
	[tilespmem:s9+$0x14680] =	vst v0  }
0x367: {  	s8 =	simm.s32 $0x0;
	v0 =	vimm.s32 $0x0  }
.LBB2_45:
0x368: {  	p0 =	sne.s32 s8, $0x19C0  }
.Ltmp22:
0x369: {  	_ = 	snop;
	(pc) =	sbr.rel @p0 .LBB2_45-.Ltmp22, $3  }
0x36a: {  	_ =	sdelay $0x1  }
0x36b: {  	s9 =	sshra.s32 s8, $0x2  }
0x36c: {  	s8 =	sadd.s32 $0x40, s8;
	[tilespmem:s9+$0x14D00] =	vst v0  }
0x36d: {  	v0 =	vimm.f32 $0.0e+00;
	s8 =	simm.s32 $0x40;
	s17 =	simm.s32 $0x0  }
.LBB2_47:
0x36e: {  	p0 =	sne.s32 s8, $0x19C0;
	[tilespmem:s17+$0x15380] =	vst v0;
	s9 =	smov.u32 s8;
	s8 =	sadd.s32 $0x40, s8  }
.Ltmp23:
0x36f: {  	(pc) =	sbr.rel @p0 .LBB2_47-.Ltmp23, $2  }
0x370: {  	_ =	sdelay $0x2  }
0x371: {  	s17 =	sshra.s32 s9, $0x2  }
0x372: {  	s8 =	smul.u32 $0x68, s6;
	s9 =	simm.s32 $0x0  }
0x373: {  	s11 =	simm.s32 $0x12C80;
	s12 =	simm.s32 $0x13300;
	s13 =	simm.s32 $0x4F80  }
0x374: {  	s14 =	simm.s32 $0x13980;
	s15 =	simm.s32 $0x14680;
	s16 =	simm.s32 $0x14000  }
0x375: {  	[tilespmem:s17+$0x15380] =	vst v0;
	v0 =	vimm.s32 $0x0;
	vm0 =	vmxor vm0, vm0;
	vm1 =	vmmov $0x1;
	s17 =	simm.s32 $0x14D00;
	s18 =	simm.s32 $0x4900;
	s19 =	simm.s32 $0x15380  }
.LBB2_49:
0x376: {  	s20 =	sadd.s32 s8, s9  }
0x377: {  	v1 =	vmov s20;
	_ =	sdelay $0x1  }
0x378: {  	s21 =	simm.s32 $0x0  }
0x379: {  	v5 =	vld [tilespmem:s21+$0x13300]  }
0x37a: {  	v6 =	vld [tilespmem:s21+$0x4F80]  }
0x37b: {  	v2 =	vld.idx.msk [tilespmem:v1+s12+$0x0], $0xffff  }
0x37c: {  	v4 =	vld.idx.msk [tilespmem:v1+s13+$0x0], $0xffff  }
0x37d: {  	v7 =	vld [tilespmem:s21+$0x12C80]  }
0x37e: {  	v3 =	vld.idx.msk [tilespmem:v1+s11+$0x0], $0xffff;
	_ =	sdelay $0x1  }
0x37f: {  	s22 =	simm.s32 $0x10  }
0x380: {  	vm2 =	veq.s32 v5, v2;
	vm3 =	vlt.s32 v6, v4;
	vm4 =	vgt.s32 v5, v2;
	v5 =	vld [tilespmem:s22+$0x13300]  }
0x381: {  	v8 =	vld [tilespmem:s22+$0x4F80];
	vm2 =	vmand vm2, vm3  }
0x382: {  	vm3 =	veq.f32 v7, v3;
	vm2 =	vmor vm4, vm2  }
0x383: {  	vm15 =	vlt.f32 v7, v3;
	v7 =	vld [tilespmem:s22+$0x12C80];
	vm2 =	vmand vm3, vm2  }
0x384: {  	s21 =	simm.s32 $0x80;
	v6 =	vimm.s32 $0x0;
	vm2 =	vmor vm15, vm2  }
.LBB2_50:
0x385: {  	s22 =	sshra.s32 s21, $0x2;
	v9 =	vsel vm2, $0x1, v0;
	v10 =	vmov v5;
	p0 =	sne.s32 s21, $0x19C0  }
.Ltmp24:
0x386: {  	s21 =	sadd.s32 $0x40, s21;
	v5 =	vld [tilespmem:s22+$0x13300];
	vm2 =	veq.s32 v10, v2;
	vm3 =	vlt.s32 v8, v4;
	v6 =	vadd.s32 v9, v6;
	(pc) =	sbr.rel @p0 .LBB2_50-.Ltmp24, $4  }
0x387: {  	vm4 =	vgt.s32 v10, v2;
	v8 =	vld [tilespmem:s22+$0x4F80];
	vm2 =	vmand vm2, vm3  }
0x388: {  	vm3 =	veq.f32 v7, v3;
	vm2 =	vmor vm4, vm2  }
0x389: {  	vm4 =	vlt.f32 v7, v3;
	v7 =	vld [tilespmem:s22+$0x12C80];
	vm2 =	vmand vm3, vm2  }
0x38a: {  	vm2 =	vmor vm4, vm2  }
0x38b: {  	_ = 	snop  }
0x38c: {  	vm3 =	veq.s32 v5, v2;
	vm4 =	vlt.s32 v8, v4  }
0x38d: {  	vm13 =	vgt.s32 v5, v2;
	vm3 =	vmand vm3, vm4  }
0x38e: {  	vm3 =	vmor vm13, vm3;
	vm14 =	veq.f32 v7, v3  }
0x38f: {  	vm15 =	vlt.f32 v7, v3;
	vm3 =	vmand vm14, vm3  }
0x390: {  	v2 =	vsel vm2, $0x1, v0;
	vm2 =	vmor vm15, vm3  }
0x391: {  	v2 =	vadd.s32 v2, v6;
	v3 =	vsel vm2, $0x1, v0  }
0x392: {  	v2 =	vadd.s32 v3, v2  }
0x393: {  	(xrf0) =	vadd.scan.msk.s32 $0xffff, v2;
	_ =	sdelay $0x4  }
0x394: {  	p0 =	slt.u32 s20, $0x666;
	vm2 =	vmmov vm0  }
0x395: {  	vm2 =	vmneg @p0 vm2;
	v2, _, _ =	vpop (xrf0)  }
0x396: {  	vm2 =	vmand vm2, vm1;
	v2 =	vbroadcast v2, $0xF  }
0x397: {  	v3 =	vld.idx.msk [tilespmem:v1+s14+$0x0], $0xffff;
	_ =	sdelay $0x4  }
0x398: {  	[tilespmem:v2+s15+$0x0] =	vst.idx.msk vm2, v3  }
0x399: {  	v3 =	vld.idx.msk [tilespmem:v1+s16+$0x0], $0xffff;
	_ =	sdelay $0x4  }
0x39a: {  	s9 =	sadd.s32 $0x1, s9;
	[tilespmem:v2+s17+$0x0] =	vst.idx.msk vm2, v3  }
0x39b: {  	p0 =	sne.s32 s9, $0x68;
	v1 =	vld.idx.msk [tilespmem:v1+s18+$0x0], $0xffff  }
.Ltmp25:
0x39c: {  	_ = 	snop;
	(pc) =	sbr.rel @p0 .LBB2_49-.Ltmp25, $2  }
0x39d: {  	_ =	sdelay $0x2  }
0x39e: {  	[tilespmem:v2+s19+$0x0] =	vst.idx.msk vm2, v1  }
0x39f: {  	s8 =	sadd.s32 s10, s7;
	s9 =	simm.s32 $0x14680  }
0x3a0: {  	[spmem:s8] =	stream.linear.scatter [tilespmem:s9], [sflag:$0x1], $0x680, $0x38;
	[tilespmem:$0x17E90] =	vst v63  }
0x3a1: {  	s8 =	simm.s32 $0x1  }
0x3a2: {  	_ =	swait.ge [sflag:s8], $0x680  }
0x3a3: {  	[sflag:s8] =	ssyncset.done $0x0  }
0x3a4: {  	s29 =	sadd.s32 s10, s5;
	s11 =	simm.s32 $0x14D00;
	[sflag:s8] =	ssyncadd.s32 $0xFFFFF980  }
0x3a5: {  	[spmem:s29] =	stream.linear.scatter [tilespmem:s11], [sflag:$0x1], $0x680, $0x38;
	[tilespmem:$0x17E90] =	vst v63  }
0x3a6: {  	_ =	swait.ge [sflag:s8], $0x680  }
0x3a7: {  	[sflag:s8] =	ssyncset.done $0x0  }
0x3a8: {  	s30 =	sadd.s32 s10, s3;
	s31 =	simm.s32 $0x15380;
	[sflag:s8] =	ssyncadd.s32 $0xFFFFF980  }
0x3a9: {  	[spmem:s30] =	stream.linear.scatter [tilespmem:s31], [sflag:$0x1], $0x680, $0x38;
	[tilespmem:$0x17E90] =	vst v63  }
0x3aa: {  	_ =	swait.ge [sflag:s8], $0x680  }
0x3ab: {  	[sflag:s8] =	ssyncset.done $0x0  }
0x3ac: {  	[sflag:s8] =	ssyncadd.s32 $0xFFFFF980  }
0x3ad: {  	p0 =	sne.s32 s6, $0x0;
	[bflag:$0x0] =	sbarrier.arrive $0xFFFF  }
0x3ae: {  	_ =	sfence.sel @p0 $0x180000  }
0x3af: {  	[bflag:$0x0] =	sbarrier.arrive @p0 $0xFFFF  }
0x3b0: {  	_ =	strace @p0 $0x90000047  }
0x3b1: {  	[bflag:$0x2] =	sbarrier.arrive @p0 $0xFFFF  }
0x3b2: {  	_ =	shalt @p0  }
.LBB2_53:
0x3b3: {  	s6 =	simm.s32 $0xC480;
	s30 =	simm.s32 $0x0;
	s9 =	simm.s32 $0x680  }
0x3b4: {  	[tilespmem:s6], [sflag:$0x1] =	stream.linear.gather [spmem:s7], $0x6800, $0x38;
	[tilespmem:$0x17E90] =	vst v63  }
0x3b5: {  	s10 =	simm.s32 $0xD00;
	s31 =	sand.u32 $0x70, s30;
	_ =	swait.ge [sflag:s8], $0x6800  }
0x3b6: {  	s9 =	sand.u32 $0xFF80, s9;
	s6 =	sor.u32 $0xC480, s31;
	[sflag:s8] =	ssyncset.done $0x0  }
0x3b7: {  	s7 =	sand.u32 $0xFF80, s30;
	[sflag:s8] =	ssyncadd.s32 $0xFFFF9800;
	s8 =	sadd.s32 s9, s6  }
0x3b8: {  	s12 =	simm.s32 $0x1380;
	s11 =	sand.u32 $0xFF80, s10;
	s7 =	sadd.s32 s7, s6;
	v0 =	vld [tilespmem:s8+$0x0]  }
0x3b9: {  	s15 =	simm.s32 $0x1A00;
	s14 =	sand.u32 $0xFF80, s12;
	s13 =	sadd.s32 s11, s6;
	v1 =	vld [tilespmem:s7+$0x0]  }
0x3ba: {  	s18 =	simm.s32 $0x2080;
	s17 =	sand.u32 $0xFF80, s15;
	s16 =	sadd.s32 s14, s6;
	v2 =	vld [tilespmem:s13+$0x0]  }
0x3bb: {  	s21 =	simm.s32 $0x2700;
	s20 =	sand.u32 $0xFF80, s18;
	s19 =	sadd.s32 s17, s6;
	v3 =	vld [tilespmem:s16+$0x0]  }
0x3bc: {  	s24 =	simm.s32 $0x2D80;
	s23 =	sand.u32 $0xFF80, s21;
	s22 =	sadd.s32 s20, s6;
	v4 =	vld [tilespmem:s19+$0x0]  }
0x3bd: {  	s28 =	simm.s32 $0x3400;
	s26 =	sand.u32 $0xFF80, s24;
	s25 =	sadd.s32 s23, s6;
	v5 =	vld [tilespmem:s22+$0x0]  }
0x3be: {  	s30 =	sand.u32 $0xFF80, s28;
	s31 =	simm.s32 $0x3A80;
	s29 =	sadd.s32 s26, s6;
	v0 =	vadd.s32 v1, v0;
	v1 =	vld [tilespmem:s25+$0x0]  }
0x3bf: {  	s10 =	sand.u32 $0xFF80, s31;
	s11 =	simm.s32 $0x4100;
	s8 =	sadd.s32 s30, s6;
	v0 =	vadd.s32 v0, v2;
	v2 =	vld [tilespmem:s29+$0x0]  }
0x3c0: {  	s14 =	simm.s32 $0x4780;
	s12 =	sadd.s32 s10, s6;
	s13 =	sand.u32 $0xFF80, s11;
	v0 =	vadd.s32 v0, v3;
	v3 =	vld [tilespmem:s8+$0x0]  }
0x3c1: {  	s17 =	simm.s32 $0x4E00;
	v60 =	vld [tilespmem:s12+$0x0];
	s16 =	sand.u32 $0xFF80, s14;
	s15 =	sadd.s32 s13, s6;
	v0 =	vadd.s32 v0, v4  }
0x3c2: {  	s20 =	simm.s32 $0x5480;
	s19 =	sand.u32 $0xFF80, s17;
	s18 =	sadd.s32 s16, s6;
	v61 =	vld [tilespmem:s15+$0x0];
	v0 =	vadd.s32 v0, v5  }
0x3c3: {  	s23 =	simm.s32 $0x5B00;
	s22 =	sand.u32 $0xFF80, s20;
	s21 =	sadd.s32 s19, s6;
	v0 =	vadd.s32 v0, v1;
	v1 =	vld [tilespmem:s18+$0x0]  }
0x3c4: {  	s26 =	simm.s32 $0x6180;
	s24 =	sadd.s32 s22, s6;
	s25 =	sand.u32 $0xFF80, s23;
	v0 =	vadd.s32 v0, v2;
	v2 =	vld [tilespmem:s21+$0x0]  }
0x3c5: {  	s28 =	sadd.s32 s25, s6;
	s29 =	sand.u32 $0xFF80, s26;
	v0 =	vadd.s32 v0, v3;
	v3 =	vld [tilespmem:s24+$0x0]  }
0x3c6: {  	v62 =	vld [tilespmem:s28+$0x0];
	s6 =	sadd.s32 s29, s6;
	v0 =	vadd.s32 v0, v60  }
0x3c7: {  	v63 =	vld [tilespmem:s6+$0x0];
	v0 =	vadd.s32 v0, v61  }
0x3c8: {  	v0 =	vadd.s32 v0, v1  }
0x3c9: {  	v0 =	vadd.s32 v0, v2  }
0x3ca: {  	s31 =	simm.s32 $0x690;
	s7 =	simm.s32 $0x10;
	v0 =	vadd.s32 v0, v3  }
0x3cb: {  	s9 =	simm.s32 $0x20;
	s11 =	sand.u32 $0xFF80, s31;
	s30 =	sand.u32 $0x70, s7;
	v0 =	vadd.s32 v0, v62  }
0x3cc: {  	s10 =	sand.u32 $0xFF80, s7;
	s8 =	sor.u32 $0xC480, s30;
	s6 =	simm.s32 $0x13980;
	v0 =	vadd.s32 v0, v63  }
.LBB2_54:
0x3cd: {  	p0 =	sne.s32 s9, $0x670;
	s11 =	sadd.s32 s11, s8;
	s12 =	sadd.s32 $0xD00, s7;
	[tilespmem:s6+$0x0] =	vst v0  }
0x3ce: {  	s10 =	sadd.s32 s10, s8;
	v0 =	vld [tilespmem:s11+$0x0];
	s11 =	sand.u32 $0xFF80, s12;
	s12 =	sadd.s32 $0x1380, s7  }
0x3cf: {  	v1 =	vld [tilespmem:s10+$0x0];
	s10 =	sadd.s32 s11, s8;
	s11 =	sand.u32 $0xFF80, s12;
	s12 =	sadd.s32 $0x1A00, s7  }
0x3d0: {  	v2 =	vld [tilespmem:s10+$0x0];
	s10 =	sadd.s32 s11, s8;
	s11 =	sand.u32 $0xFF80, s12;
	s12 =	sadd.s32 $0x2080, s7  }
0x3d1: {  	v3 =	vld [tilespmem:s10+$0x0];
	s10 =	sadd.s32 s11, s8;
	s11 =	sand.u32 $0xFF80, s12;
	s12 =	sadd.s32 $0x2700, s7  }
0x3d2: {  	v4 =	vld [tilespmem:s10+$0x0];
	s10 =	sadd.s32 s11, s8;
	s11 =	sand.u32 $0xFF80, s12;
	s12 =	sadd.s32 $0x2D80, s7  }
0x3d3: {  	v5 =	vld [tilespmem:s10+$0x0];
	s10 =	sadd.s32 s11, s8;
	s11 =	sand.u32 $0xFF80, s12;
	s12 =	sadd.s32 $0x3400, s7  }
0x3d4: {  	v0 =	vadd.s32 v1, v0;
	v1 =	vld [tilespmem:s10+$0x0];
	s10 =	sadd.s32 s11, s8;
	s11 =	sand.u32 $0xFF80, s12;
	s12 =	sadd.s32 $0x3A80, s7  }
0x3d5: {  	v0 =	vadd.s32 v0, v2;
	v2 =	vld [tilespmem:s10+$0x0];
	s10 =	sadd.s32 s11, s8;
	s11 =	sand.u32 $0xFF80, s12;
	s12 =	sadd.s32 $0x4100, s7  }
0x3d6: {  	v0 =	vadd.s32 v0, v3;
	v3 =	vld [tilespmem:s10+$0x0];
	s10 =	sadd.s32 s11, s8;
	s11 =	sand.u32 $0xFF80, s12;
	s12 =	sadd.s32 $0x4780, s7  }
0x3d7: {  	v0 =	vadd.s32 v0, v4;
	v4 =	vld [tilespmem:s10+$0x0];
	s10 =	sadd.s32 s11, s8;
	s11 =	sand.u32 $0xFF80, s12;
	s12 =	sadd.s32 $0x4E00, s7  }
0x3d8: {  	v0 =	vadd.s32 v0, v5;
	v5 =	vld [tilespmem:s10+$0x0];
	s10 =	sadd.s32 s11, s8;
	s11 =	sand.u32 $0xFF80, s12;
	s12 =	sadd.s32 $0x5480, s7  }
0x3d9: {  	v0 =	vadd.s32 v0, v1;
	v1 =	vld [tilespmem:s10+$0x0];
	s10 =	sadd.s32 s11, s8;
	s11 =	sand.u32 $0xFF80, s12;
	s12 =	sadd.s32 $0x5B00, s7  }
0x3da: {  	s7 =	sadd.s32 $0x6180, s7;
	v0 =	vadd.s32 v0, v2;
	v2 =	vld [tilespmem:s10+$0x0];
	s10 =	sadd.s32 s11, s8;
	s11 =	sand.u32 $0xFF80, s12  }
0x3db: {  	v0 =	vadd.s32 v0, v3;
	v3 =	vld [tilespmem:s10+$0x0];
	s10 =	sadd.s32 s11, s8;
	s11 =	sand.u32 $0xFF80, s7;
	s7 =	smov.u32 s9  }
0x3dc: {  	v0 =	vadd.s32 v0, v4;
	v4 =	vld [tilespmem:s10+$0x0];
	s8 =	sadd.s32 s11, s8  }
0x3dd: {  	v0 =	vadd.s32 v0, v5;
	v5 =	vld [tilespmem:s8+$0x0]  }
.Ltmp26:
0x3de: {  	v0 =	vadd.s32 v0, v1;
	(pc) =	sbr.rel @p0 .LBB2_54-.Ltmp26, $4  }
0x3df: {  	v0 =	vadd.s32 v0, v2  }
0x3e0: {  	s6 =	sadd.s32 $0x10, s6;
	v0 =	vadd.s32 v0, v3  }
0x3e1: {  	s10 =	sand.u32 $0xFF80, s9;
	s11 =	sadd.s32 $0x680, s9;
	s8 =	sand.u32 $0x70, s9;
	v0 =	vadd.s32 v0, v4  }
0x3e2: {  	s11 =	sand.u32 $0xFF80, s11;
	s9 =	sadd.s32 $0x10, s9;
	s8 =	sor.u32 $0xC480, s8;
	v0 =	vadd.s32 v0, v5  }
0x3e3: {  	s9 =	sadd.s32 s11, s8;
	s31 =	sadd.s32 $0xD00, s7;
	[tilespmem:s6+$0x0] =	vst v0  }
0x3e4: {  	s10 =	sadd.s32 s10, s8;
	s13 =	sadd.s32 $0x1380, s7;
	v0 =	vld [tilespmem:s9+$0x0];
	s12 =	sand.u32 $0xFF80, s31  }
0x3e5: {  	s15 =	sadd.s32 $0x1A00, s7;
	v1 =	vld [tilespmem:s10+$0x0];
	s14 =	sand.u32 $0xFF80, s13;
	s9 =	sadd.s32 s12, s8  }
0x3e6: {  	s18 =	sadd.s32 $0x2080, s7;
	s17 =	sand.u32 $0xFF80, s15;
	s16 =	sadd.s32 s14, s8;
	v2 =	vld [tilespmem:s9+$0x0]  }
0x3e7: {  	s21 =	sadd.s32 $0x2700, s7;
	s20 =	sand.u32 $0xFF80, s18;
	s19 =	sadd.s32 s17, s8;
	v3 =	vld [tilespmem:s16+$0x0]  }
0x3e8: {  	s24 =	sadd.s32 $0x2D80, s7;
	s23 =	sand.u32 $0xFF80, s21;
	s22 =	sadd.s32 s20, s8;
	v4 =	vld [tilespmem:s19+$0x0]  }
0x3e9: {  	s28 =	sadd.s32 $0x3400, s7;
	s26 =	sand.u32 $0xFF80, s24;
	s25 =	sadd.s32 s23, s8;
	v5 =	vld [tilespmem:s22+$0x0]  }
0x3ea: {  	s30 =	sand.u32 $0xFF80, s28;
	s31 =	sadd.s32 $0x3A80, s7;
	s29 =	sadd.s32 s26, s8;
	v0 =	vadd.s32 v1, v0;
	v1 =	vld [tilespmem:s25+$0x0]  }
0x3eb: {  	s10 =	sadd.s32 s30, s8;
	s11 =	sand.u32 $0xFF80, s31;
	s12 =	sadd.s32 $0x4100, s7;
	v0 =	vadd.s32 v0, v2;
	v2 =	vld [tilespmem:s29+$0x0]  }
0x3ec: {  	s15 =	sadd.s32 $0x4780, s7;
	s13 =	sadd.s32 s11, s8;
	s14 =	sand.u32 $0xFF80, s12;
	v0 =	vadd.s32 v0, v3;
	v3 =	vld [tilespmem:s10+$0x0]  }
0x3ed: {  	s18 =	sadd.s32 $0x4E00, s7;
	s17 =	sand.u32 $0xFF80, s15;
	v54 =	vld [tilespmem:s13+$0x0];
	s16 =	sadd.s32 s14, s8;
	v0 =	vadd.s32 v0, v4  }
0x3ee: {  	s21 =	sadd.s32 $0x5480, s7;
	s20 =	sand.u32 $0xFF80, s18;
	s19 =	sadd.s32 s17, s8;
	v55 =	vld [tilespmem:s16+$0x0];
	v0 =	vadd.s32 v0, v5  }
0x3ef: {  	s24 =	sadd.s32 $0x5B00, s7;
	s23 =	sand.u32 $0xFF80, s21;
	s22 =	sadd.s32 s20, s8;
	v0 =	vadd.s32 v0, v1;
	v1 =	vld [tilespmem:s19+$0x0]  }
0x3f0: {  	s28 =	sadd.s32 $0x6180, s7;
	s26 =	sand.u32 $0xFF80, s24;
	s25 =	sadd.s32 s23, s8;
	v0 =	vadd.s32 v0, v2;
	v2 =	vld [tilespmem:s22+$0x0]  }
0x3f1: {  	s7 =	sand.u32 $0xFF80, s28;
	s29 =	sadd.s32 s26, s8;
	v0 =	vadd.s32 v0, v3;
	v3 =	vld [tilespmem:s25+$0x0]  }
0x3f2: {  	s7 =	sadd.s32 s7, s8;
	v56 =	vld [tilespmem:s29+$0x0];
	v0 =	vadd.s32 v0, v54  }
0x3f3: {  	v57 =	vld [tilespmem:s7+$0x0];
	v0 =	vadd.s32 v0, v55  }
0x3f4: {  	v0 =	vadd.s32 v0, v1  }
0x3f5: {  	v0 =	vadd.s32 v0, v2  }
0x3f6: {  	v0 =	vadd.s32 v0, v3  }
0x3f7: {  	v0 =	vadd.s32 v0, v56  }
0x3f8: {  	s30 =	sadd.s32 $0x10, s6;
	v0 =	vadd.s32 v0, v57  }
0x3f9: {  	s31 =	simm.s32 $0x0;
	s9 =	simm.s32 $0x1;
	s8 =	simm.s32 $0x13980;
	[tilespmem:s30+$0x0] =	vst v0  }
0x3fa: {  	[hbm4b:s4+s31] =	stream.linear.scatter [tilespmem:s8], [sflag:$0x1], $0x680, $0x38;
	[tilespmem:$0x17E90] =	vst v63  }
0x3fb: {  	_ =	swait.ge [sflag:s9], $0x680  }
0x3fc: {  	[sflag:s9] =	ssyncset.done $0x0  }
0x3fd: {  	s11 =	sand.u32 $0x70, s31;
	s10 =	simm.s32 $0xC480;
	[sflag:s9] =	ssyncadd.s32 $0xFFFFF980  }
0x3fe: {  	[tilespmem:s10], [sflag:$0x1] =	stream.linear.gather [spmem:s5], $0x6800, $0x38;
	[tilespmem:$0x17E90] =	vst v63  }
0x3ff: {  	s12 =	simm.s32 $0x680;
	s6 =	sand.u32 $0xFF80, s31;
	_ =	swait.ge [sflag:s9], $0x6800  }
0x400: {  	s13 =	sand.u32 $0xFF80, s12;
	s4 =	sor.u32 $0xC480, s11;
	[sflag:s9] =	ssyncset.done $0x0  }
0x401: {  	s14 =	simm.s32 $0xD00;
	s5 =	sadd.s32 s13, s4;
	[sflag:s9] =	ssyncadd.s32 $0xFFFF9800  }
0x402: {  	s15 =	sand.u32 $0xFF80, s14;
	s16 =	simm.s32 $0x1380;
	s6 =	sadd.s32 s6, s4;
	v0 =	vld [tilespmem:s5+$0x0]  }
0x403: {  	s18 =	simm.s32 $0x1A00;
	s17 =	sand.u32 $0xFF80, s16;
	v1 =	vld [tilespmem:s6+$0x0];
	s5 =	sadd.s32 s15, s4  }
0x404: {  	s21 =	simm.s32 $0x2080;
	s20 =	sand.u32 $0xFF80, s18;
	s19 =	sadd.s32 s17, s4;
	v2 =	vld [tilespmem:s5+$0x0]  }
0x405: {  	s24 =	simm.s32 $0x2700;
	s23 =	sand.u32 $0xFF80, s21;
	s22 =	sadd.s32 s20, s4;
	v3 =	vld [tilespmem:s19+$0x0]  }
0x406: {  	s28 =	simm.s32 $0x2D80;
	s26 =	sand.u32 $0xFF80, s24;
	s25 =	sadd.s32 s23, s4;
	v58 =	vld [tilespmem:s22+$0x0]  }
0x407: {  	s30 =	sand.u32 $0xFF80, s28;
	s31 =	simm.s32 $0x3400;
	s29 =	sadd.s32 s26, s4;
	v59 =	vld [tilespmem:s25+$0x0]  }
0x408: {  	s8 =	simm.s32 $0x3A80;
	s7 =	sand.u32 $0xFF80, s31;
	s6 =	sadd.s32 s30, s4;
	v0 =	vadd.s32 v1, v0;
	v1 =	vld [tilespmem:s29+$0x0]  }
0x409: {  	s11 =	simm.s32 $0x4100;
	s10 =	sand.u32 $0xFF80, s8;
	s9 =	sadd.s32 s7, s4;
	v0 =	vadd.s32 v0, v2;
	v2 =	vld [tilespmem:s6+$0x0]  }
0x40a: {  	s14 =	simm.s32 $0x4780;
	s13 =	sand.u32 $0xFF80, s11;
	s12 =	sadd.s32 s10, s4;
	v0 =	vadd.s32 v0, v3;
	v3 =	vld [tilespmem:s9+$0x0]  }
0x40b: {  	s16 =	sand.u32 $0xFF80, s14;
	s17 =	simm.s32 $0x4E00;
	v60 =	vld [tilespmem:s12+$0x0];
	s15 =	sadd.s32 s13, s4;
	v0 =	vadd.s32 v0, v58  }
0x40c: {  	s18 =	sadd.s32 s16, s4;
	s20 =	simm.s32 $0x5480;
	s19 =	sand.u32 $0xFF80, s17;
	v61 =	vld [tilespmem:s15+$0x0];
	v0 =	vadd.s32 v0, v59  }
0x40d: {  	s23 =	simm.s32 $0x5B00;
	s22 =	sand.u32 $0xFF80, s20;
	s21 =	sadd.s32 s19, s4;
	v0 =	vadd.s32 v0, v1;
	v1 =	vld [tilespmem:s18+$0x0]  }
0x40e: {  	s26 =	simm.s32 $0x6180;
	s25 =	sand.u32 $0xFF80, s23;
	s24 =	sadd.s32 s22, s4;
	v0 =	vadd.s32 v0, v2;
	v2 =	vld [tilespmem:s21+$0x0]  }
0x40f: {  	s28 =	sadd.s32 s25, s4;
	s29 =	sand.u32 $0xFF80, s26;
	v0 =	vadd.s32 v0, v3;
	v3 =	vld [tilespmem:s24+$0x0]  }
0x410: {  	v62 =	vld [tilespmem:s28+$0x0];
	s4 =	sadd.s32 s29, s4;
	v0 =	vadd.s32 v0, v60  }
0x411: {  	v63 =	vld [tilespmem:s4+$0x0];
	v0 =	vadd.s32 v0, v61  }
0x412: {  	v0 =	vadd.s32 v0, v1  }
0x413: {  	v0 =	vadd.s32 v0, v2  }
0x414: {  	s31 =	simm.s32 $0x690;
	s5 =	simm.s32 $0x10;
	v0 =	vadd.s32 v0, v3  }
0x415: {  	s7 =	simm.s32 $0x20;
	s30 =	sand.u32 $0x70, s5;
	s8 =	sand.u32 $0xFF80, s5;
	v0 =	vadd.s32 v0, v62  }
0x416: {  	s6 =	sor.u32 $0xC480, s30;
	s4 =	simm.s32 $0x14000;
	s9 =	sand.u32 $0xFF80, s31;
	v0 =	vadd.s32 v0, v63  }
.LBB2_56:
0x417: {  	p0 =	sne.s32 s7, $0x670;
	s9 =	sadd.s32 s9, s6;
	s10 =	sadd.s32 $0xD00, s5;
	[tilespmem:s4+$0x0] =	vst v0  }
0x418: {  	s8 =	sadd.s32 s8, s6;
	v0 =	vld [tilespmem:s9+$0x0];
	s9 =	sand.u32 $0xFF80, s10;
	s10 =	sadd.s32 $0x1380, s5  }
0x419: {  	v1 =	vld [tilespmem:s8+$0x0];
	s8 =	sadd.s32 s9, s6;
	s9 =	sand.u32 $0xFF80, s10;
	s10 =	sadd.s32 $0x1A00, s5  }
0x41a: {  	v2 =	vld [tilespmem:s8+$0x0];
	s8 =	sadd.s32 s9, s6;
	s9 =	sand.u32 $0xFF80, s10;
	s10 =	sadd.s32 $0x2080, s5  }
0x41b: {  	v3 =	vld [tilespmem:s8+$0x0];
	s8 =	sadd.s32 s9, s6;
	s9 =	sand.u32 $0xFF80, s10;
	s10 =	sadd.s32 $0x2700, s5  }
0x41c: {  	v4 =	vld [tilespmem:s8+$0x0];
	s8 =	sadd.s32 s9, s6;
	s9 =	sand.u32 $0xFF80, s10;
	s10 =	sadd.s32 $0x2D80, s5  }
0x41d: {  	v5 =	vld [tilespmem:s8+$0x0];
	s8 =	sadd.s32 s9, s6;
	s9 =	sand.u32 $0xFF80, s10;
	s10 =	sadd.s32 $0x3400, s5  }
0x41e: {  	v0 =	vadd.s32 v1, v0;
	v1 =	vld [tilespmem:s8+$0x0];
	s8 =	sadd.s32 s9, s6;
	s9 =	sand.u32 $0xFF80, s10;
	s10 =	sadd.s32 $0x3A80, s5  }
0x41f: {  	v0 =	vadd.s32 v0, v2;
	v2 =	vld [tilespmem:s8+$0x0];
	s8 =	sadd.s32 s9, s6;
	s9 =	sand.u32 $0xFF80, s10;
	s10 =	sadd.s32 $0x4100, s5  }
0x420: {  	v0 =	vadd.s32 v0, v3;
	v3 =	vld [tilespmem:s8+$0x0];
	s8 =	sadd.s32 s9, s6;
	s9 =	sand.u32 $0xFF80, s10;
	s10 =	sadd.s32 $0x4780, s5  }
0x421: {  	v0 =	vadd.s32 v0, v4;
	v4 =	vld [tilespmem:s8+$0x0];
	s8 =	sadd.s32 s9, s6;
	s9 =	sand.u32 $0xFF80, s10;
	s10 =	sadd.s32 $0x4E00, s5  }
0x422: {  	v0 =	vadd.s32 v0, v5;
	v5 =	vld [tilespmem:s8+$0x0];
	s8 =	sadd.s32 s9, s6;
	s9 =	sand.u32 $0xFF80, s10;
	s10 =	sadd.s32 $0x5480, s5  }
0x423: {  	v0 =	vadd.s32 v0, v1;
	v1 =	vld [tilespmem:s8+$0x0];
	s8 =	sadd.s32 s9, s6;
	s9 =	sand.u32 $0xFF80, s10;
	s10 =	sadd.s32 $0x5B00, s5  }
0x424: {  	s5 =	sadd.s32 $0x6180, s5;
	v0 =	vadd.s32 v0, v2;
	v2 =	vld [tilespmem:s8+$0x0];
	s8 =	sadd.s32 s9, s6;
	s9 =	sand.u32 $0xFF80, s10  }
0x425: {  	v0 =	vadd.s32 v0, v3;
	v3 =	vld [tilespmem:s8+$0x0];
	s8 =	sadd.s32 s9, s6;
	s9 =	sand.u32 $0xFF80, s5;
	s5 =	smov.u32 s7  }
0x426: {  	v0 =	vadd.s32 v0, v4;
	v4 =	vld [tilespmem:s8+$0x0];
	s6 =	sadd.s32 s9, s6  }
0x427: {  	v0 =	vadd.s32 v0, v5;
	v5 =	vld [tilespmem:s6+$0x0]  }
.Ltmp27:
0x428: {  	v0 =	vadd.s32 v0, v1;
	(pc) =	sbr.rel @p0 .LBB2_56-.Ltmp27, $4  }
0x429: {  	v0 =	vadd.s32 v0, v2  }
0x42a: {  	s4 =	sadd.s32 $0x10, s4;
	v0 =	vadd.s32 v0, v3  }
0x42b: {  	s8 =	sand.u32 $0xFF80, s7;
	s9 =	sadd.s32 $0x680, s7;
	s6 =	sand.u32 $0x70, s7;
	v0 =	vadd.s32 v0, v4  }
0x42c: {  	s9 =	sand.u32 $0xFF80, s9;
	s7 =	sadd.s32 $0x10, s7;
	s6 =	sor.u32 $0xC480, s6;
	v0 =	vadd.s32 v0, v5  }
0x42d: {  	s7 =	sadd.s32 s9, s6;
	s26 =	sadd.s32 $0xD00, s5;
	[tilespmem:s4+$0x0] =	vst v0  }
0x42e: {  	s8 =	sadd.s32 s8, s6;
	s29 =	sadd.s32 $0x1380, s5;
	v0 =	vld [tilespmem:s7+$0x0];
	s28 =	sand.u32 $0xFF80, s26  }
0x42f: {  	s31 =	sadd.s32 $0x1A00, s5;
	v1 =	vld [tilespmem:s8+$0x0];
	s30 =	sand.u32 $0xFF80, s29;
	s7 =	sadd.s32 s28, s6  }
0x430: {  	s12 =	sadd.s32 $0x2080, s5;
	s11 =	sand.u32 $0xFF80, s31;
	s10 =	sadd.s32 s30, s6;
	v2 =	vld [tilespmem:s7+$0x0]  }
0x431: {  	s15 =	sadd.s32 $0x2700, s5;
	s14 =	sand.u32 $0xFF80, s12;
	s13 =	sadd.s32 s11, s6;
	v3 =	vld [tilespmem:s10+$0x0]  }
0x432: {  	s18 =	sadd.s32 $0x2D80, s5;
	s17 =	sand.u32 $0xFF80, s15;
	s16 =	sadd.s32 s14, s6;
	v4 =	vld [tilespmem:s13+$0x0]  }
0x433: {  	s21 =	sadd.s32 $0x3400, s5;
	s20 =	sand.u32 $0xFF80, s18;
	s19 =	sadd.s32 s17, s6;
	v5 =	vld [tilespmem:s16+$0x0]  }
0x434: {  	s24 =	sadd.s32 $0x3A80, s5;
	s23 =	sand.u32 $0xFF80, s21;
	s22 =	sadd.s32 s20, s6;
	v0 =	vadd.s32 v1, v0;
	v1 =	vld [tilespmem:s19+$0x0]  }
0x435: {  	s26 =	sand.u32 $0xFF80, s24;
	s25 =	sadd.s32 s23, s6;
	s28 =	sadd.s32 $0x4100, s5;
	v0 =	vadd.s32 v0, v2;
	v2 =	vld [tilespmem:s22+$0x0]  }
0x436: {  	s31 =	sadd.s32 $0x4780, s5;
	s29 =	sadd.s32 s26, s6;
	s30 =	sand.u32 $0xFF80, s28;
	v0 =	vadd.s32 v0, v3;
	v3 =	vld [tilespmem:s25+$0x0]  }
0x437: {  	s9 =	sand.u32 $0xFF80, s31;
	v60 =	vld [tilespmem:s29+$0x0];
	s10 =	sadd.s32 $0x4E00, s5;
	s8 =	sadd.s32 s30, s6;
	v0 =	vadd.s32 v0, v4  }
0x438: {  	s11 =	sadd.s32 s9, s6;
	s13 =	sadd.s32 $0x5480, s5;
	s12 =	sand.u32 $0xFF80, s10;
	v61 =	vld [tilespmem:s8+$0x0];
	v0 =	vadd.s32 v0, v5  }
0x439: {  	s16 =	sadd.s32 $0x5B00, s5;
	s15 =	sand.u32 $0xFF80, s13;
	s14 =	sadd.s32 s12, s6;
	v0 =	vadd.s32 v0, v1;
	v1 =	vld [tilespmem:s11+$0x0]  }
0x43a: {  	s18 =	sand.u32 $0xFF80, s16;
	s17 =	sadd.s32 s15, s6;
	s19 =	sadd.s32 $0x6180, s5;
	v0 =	vadd.s32 v0, v2;
	v2 =	vld [tilespmem:s14+$0x0]  }
0x43b: {  	s20 =	sadd.s32 s18, s6;
	s5 =	sand.u32 $0xFF80, s19;
	v0 =	vadd.s32 v0, v3;
	v3 =	vld [tilespmem:s17+$0x0]  }
0x43c: {  	v62 =	vld [tilespmem:s20+$0x0];
	s5 =	sadd.s32 s5, s6;
	v0 =	vadd.s32 v0, v60  }
0x43d: {  	v63 =	vld [tilespmem:s5+$0x0];
	v0 =	vadd.s32 v0, v61  }
0x43e: {  	v0 =	vadd.s32 v0, v1  }
0x43f: {  	v0 =	vadd.s32 v0, v2  }
0x440: {  	v0 =	vadd.s32 v0, v3  }
0x441: {  	v0 =	vadd.s32 v0, v62  }
0x442: {  	s21 =	sadd.s32 $0x10, s4;
	v0 =	vadd.s32 v0, v63  }
0x443: {  	s24 =	simm.s32 $0x1;
	s23 =	simm.s32 $0x14000;
	s22 =	simm.s32 $0x0;
	[tilespmem:s21+$0x0] =	vst v0  }
0x444: {  	[hbm4b:s2+s22] =	stream.linear.scatter [tilespmem:s23], [sflag:$0x1], $0x680, $0x38;
	[tilespmem:$0x17E90] =	vst v63  }
0x445: {  	_ =	swait.ge [sflag:s24], $0x680  }
0x446: {  	[sflag:s24] =	ssyncset.done $0x0  }
0x447: {  	s25 =	simm.s32 $0x5C80;
	[sflag:s24] =	ssyncadd.s32 $0xFFFFF980  }
0x448: {  	[tilespmem:s25], [sflag:$0x1] =	stream.linear.gather [spmem:s3], $0x6800, $0x38;
	[tilespmem:$0x17E90] =	vst v63  }
0x449: {  	s26 =	sand.u32 $0x70, s22;
	_ =	swait.ge [sflag:s24], $0x6800  }
0x44a: {  	s28 =	sand.u32 $0xFF80, s22;
	s2 =	sor.u32 $0x5C80, s26;
	[sflag:s24] =	ssyncset.done $0x0  }
0x44b: {  	s29 =	simm.s32 $0x680;
	s3 =	sadd.s32 s28, s2;
	[sflag:s24] =	ssyncadd.s32 $0xFFFF9800  }
0x44c: {  	s30 =	sand.u32 $0xFF80, s29;
	v0 =	vld [tilespmem:s3+$0x0]  }
0x44d: {  	s31 =	simm.s32 $0xD00;
	s3 =	sadd.s32 s30, s2  }
0x44e: {  	s4 =	sand.u32 $0xFF80, s31;
	v1 =	vld [tilespmem:s3+$0x0]  }
0x44f: {  	s5 =	simm.s32 $0x1380;
	s3 =	sadd.s32 s4, s2  }
0x450: {  	s6 =	sand.u32 $0xFF80, s5;
	v2 =	vld [tilespmem:s3+$0x0]  }
0x451: {  	s7 =	simm.s32 $0x1A00;
	s3 =	sadd.s32 s6, s2;
	v0 =	vadd.f32 $0.0e+00, v0  }
0x452: {  	s8 =	sand.u32 $0xFF80, s7;
	v3 =	vld [tilespmem:s3+$0x0]  }
0x453: {  	s9 =	simm.s32 $0x2080;
	s3 =	sadd.s32 s8, s2;
	v0 =	vadd.f32 v1, v0  }
0x454: {  	s10 =	sand.u32 $0xFF80, s9;
	v1 =	vld [tilespmem:s3+$0x0]  }
0x455: {  	s11 =	simm.s32 $0x2700;
	s3 =	sadd.s32 s10, s2;
	v0 =	vadd.f32 v2, v0  }
0x456: {  	s12 =	sand.u32 $0xFF80, s11;
	v2 =	vld [tilespmem:s3+$0x0]  }
0x457: {  	s13 =	simm.s32 $0x2D80;
	s3 =	sadd.s32 s12, s2;
	v0 =	vadd.f32 v3, v0  }
0x458: {  	s14 =	sand.u32 $0xFF80, s13;
	v3 =	vld [tilespmem:s3+$0x0]  }
0x459: {  	s15 =	simm.s32 $0x3400;
	s3 =	sadd.s32 s14, s2;
	v0 =	vadd.f32 v1, v0  }
0x45a: {  	s16 =	sand.u32 $0xFF80, s15;
	v1 =	vld [tilespmem:s3+$0x0]  }
0x45b: {  	s17 =	simm.s32 $0x3A80;
	s3 =	sadd.s32 s16, s2;
	v0 =	vadd.f32 v2, v0  }
0x45c: {  	s18 =	sand.u32 $0xFF80, s17;
	v2 =	vld [tilespmem:s3+$0x0]  }
0x45d: {  	s19 =	simm.s32 $0x4100;
	s3 =	sadd.s32 s18, s2;
	v0 =	vadd.f32 v3, v0  }
0x45e: {  	s20 =	sand.u32 $0xFF80, s19;
	v3 =	vld [tilespmem:s3+$0x0]  }
0x45f: {  	s21 =	simm.s32 $0x4780;
	s3 =	sadd.s32 s20, s2;
	v0 =	vadd.f32 v1, v0  }
0x460: {  	s22 =	sand.u32 $0xFF80, s21;
	v1 =	vld [tilespmem:s3+$0x0]  }
0x461: {  	s23 =	simm.s32 $0x4E00;
	s3 =	sadd.s32 s22, s2;
	v0 =	vadd.f32 v2, v0  }
0x462: {  	s24 =	sand.u32 $0xFF80, s23;
	v2 =	vld [tilespmem:s3+$0x0]  }
0x463: {  	s25 =	simm.s32 $0x5480;
	s3 =	sadd.s32 s24, s2;
	v0 =	vadd.f32 v3, v0  }
0x464: {  	s26 =	sand.u32 $0xFF80, s25;
	v3 =	vld [tilespmem:s3+$0x0]  }
0x465: {  	s28 =	simm.s32 $0x5B00;
	s3 =	sadd.s32 s26, s2;
	v0 =	vadd.f32 v1, v0  }
0x466: {  	s29 =	sand.u32 $0xFF80, s28;
	v1 =	vld [tilespmem:s3+$0x0]  }
0x467: {  	s30 =	simm.s32 $0x6180;
	s3 =	sadd.s32 s29, s2;
	v0 =	vadd.f32 v2, v0  }
0x468: {  	s31 =	sand.u32 $0xFF80, s30;
	v2 =	vld [tilespmem:s3+$0x0]  }
0x469: {  	s2 =	sadd.s32 s31, s2;
	v0 =	vadd.f32 v3, v0  }
0x46a: {  	v3 =	vld [tilespmem:s2+$0x0]  }
0x46b: {  	v0 =	vadd.f32 v1, v0;
	_ =	sdelay $0x1  }
0x46c: {  	v0 =	vadd.f32 v2, v0  }
0x46d: {  	s3 =	simm.s32 $0x10  }
0x46e: {  	s4 =	simm.s32 $0x20;
	s5 =	sand.u32 $0x70, s3;
	s2 =	simm.s32 $0x5600;
	v0 =	vadd.f32 v3, v0  }
.LBB2_58:
0x46f: {  	p0 =	sne.s32 s4, $0x670;
	s5 =	sor.u32 $0x5C80, s5;
	s6 =	sand.u32 $0xFF80, s3  }
0x470: {  	s7 =	sadd.s32 $0x680, s3;
	s6 =	sadd.s32 s6, s5;
	[tilespmem:s2+$0x0] =	vst v0  }
0x471: {  	v0 =	vld [tilespmem:s6+$0x0];
	s6 =	sand.u32 $0xFF80, s7  }
0x472: {  	s7 =	sadd.s32 $0xD00, s3;
	s6 =	sadd.s32 s6, s5  }
0x473: {  	v1 =	vld [tilespmem:s6+$0x0];
	s6 =	sand.u32 $0xFF80, s7  }
0x474: {  	s7 =	sadd.s32 $0x1380, s3;
	s6 =	sadd.s32 s6, s5  }
0x475: {  	v2 =	vld [tilespmem:s6+$0x0];
	s6 =	sand.u32 $0xFF80, s7  }
0x476: {  	s7 =	sadd.s32 $0x1A00, s3;
	v0 =	vadd.f32 $0.0e+00, v0;
	s6 =	sadd.s32 s6, s5  }
0x477: {  	v3 =	vld [tilespmem:s6+$0x0];
	s6 =	sand.u32 $0xFF80, s7  }
0x478: {  	s7 =	sadd.s32 $0x2080, s3;
	v0 =	vadd.f32 v1, v0;
	s6 =	sadd.s32 s6, s5  }
0x479: {  	v1 =	vld [tilespmem:s6+$0x0];
	s6 =	sand.u32 $0xFF80, s7  }
0x47a: {  	s7 =	sadd.s32 $0x2700, s3;
	v0 =	vadd.f32 v2, v0;
	s6 =	sadd.s32 s6, s5  }
0x47b: {  	v2 =	vld [tilespmem:s6+$0x0];
	s6 =	sand.u32 $0xFF80, s7  }
0x47c: {  	s7 =	sadd.s32 $0x2D80, s3;
	v0 =	vadd.f32 v3, v0;
	s6 =	sadd.s32 s6, s5  }
0x47d: {  	v3 =	vld [tilespmem:s6+$0x0];
	s6 =	sand.u32 $0xFF80, s7  }
0x47e: {  	s7 =	sadd.s32 $0x3400, s3;
	v0 =	vadd.f32 v1, v0;
	s6 =	sadd.s32 s6, s5  }
0x47f: {  	v1 =	vld [tilespmem:s6+$0x0];
	s6 =	sand.u32 $0xFF80, s7  }
0x480: {  	s7 =	sadd.s32 $0x3A80, s3;
	v0 =	vadd.f32 v2, v0;
	s6 =	sadd.s32 s6, s5  }
0x481: {  	v2 =	vld [tilespmem:s6+$0x0];
	s6 =	sand.u32 $0xFF80, s7  }
0x482: {  	s7 =	sadd.s32 $0x4100, s3;
	v0 =	vadd.f32 v3, v0;
	s6 =	sadd.s32 s6, s5  }
0x483: {  	v3 =	vld [tilespmem:s6+$0x0];
	s6 =	sand.u32 $0xFF80, s7  }
0x484: {  	s7 =	sadd.s32 $0x4780, s3;
	v0 =	vadd.f32 v1, v0;
	s6 =	sadd.s32 s6, s5  }
0x485: {  	v1 =	vld [tilespmem:s6+$0x0];
	s6 =	sand.u32 $0xFF80, s7  }
0x486: {  	s7 =	sadd.s32 $0x4E00, s3;
	v0 =	vadd.f32 v2, v0;
	s6 =	sadd.s32 s6, s5  }
0x487: {  	v2 =	vld [tilespmem:s6+$0x0];
	s6 =	sand.u32 $0xFF80, s7  }
0x488: {  	s7 =	sadd.s32 $0x5480, s3;
	v0 =	vadd.f32 v3, v0;
	s6 =	sadd.s32 s6, s5  }
0x489: {  	v3 =	vld [tilespmem:s6+$0x0];
	s6 =	sand.u32 $0xFF80, s7  }
0x48a: {  	s7 =	sadd.s32 $0x5B00, s3;
	v0 =	vadd.f32 v1, v0;
	s6 =	sadd.s32 s6, s5  }
0x48b: {  	v1 =	vld [tilespmem:s6+$0x0];
	s6 =	sand.u32 $0xFF80, s7  }
0x48c: {  	s7 =	sadd.s32 $0x6180, s3;
	s3 =	smov.u32 s4;
	v0 =	vadd.f32 v2, v0;
	s6 =	sadd.s32 s6, s5  }
0x48d: {  	v2 =	vld [tilespmem:s6+$0x0];
	s6 =	sand.u32 $0xFF80, s7  }
0x48e: {  	v0 =	vadd.f32 v3, v0;
	s5 =	sadd.s32 s6, s5  }
0x48f: {  	v3 =	vld [tilespmem:s5+$0x0]  }
.Ltmp28:
0x490: {  	v0 =	vadd.f32 v1, v0;
	(pc) =	sbr.rel @p0 .LBB2_58-.Ltmp28, $3  }
0x491: {  	_ = 	snop  }
0x492: {  	v0 =	vadd.f32 v2, v0;
	_ =	sdelay $0x1  }
0x493: {  	s2 =	sadd.s32 $0x10, s2;
	s4 =	sadd.s32 $0x10, s4;
	s5 =	sand.u32 $0x70, s3;
	v0 =	vadd.f32 v3, v0  }
0x494: {  	s4 =	sor.u32 $0x5C80, s5;
	s22 =	sand.u32 $0xFF80, s3  }
0x495: {  	s6 =	sadd.s32 $0x680, s3;
	s5 =	sadd.s32 s22, s4;
	[tilespmem:s2+$0x0] =	vst v0  }
0x496: {  	s23 =	sand.u32 $0xFF80, s6;
	v0 =	vld [tilespmem:s5+$0x0]  }
0x497: {  	s24 =	sadd.s32 $0xD00, s3;
	s5 =	sadd.s32 s23, s4  }
0x498: {  	s25 =	sand.u32 $0xFF80, s24;
	v1 =	vld [tilespmem:s5+$0x0]  }
0x499: {  	s26 =	sadd.s32 $0x1380, s3;
	s5 =	sadd.s32 s25, s4  }
0x49a: {  	s28 =	sand.u32 $0xFF80, s26;
	v2 =	vld [tilespmem:s5+$0x0]  }
0x49b: {  	s29 =	sadd.s32 $0x1A00, s3;
	s5 =	sadd.s32 s28, s4;
	v0 =	vadd.f32 $0.0e+00, v0  }
0x49c: {  	s30 =	sand.u32 $0xFF80, s29;
	v3 =	vld [tilespmem:s5+$0x0]  }
0x49d: {  	s31 =	sadd.s32 $0x2080, s3;
	s5 =	sadd.s32 s30, s4;
	v0 =	vadd.f32 v1, v0  }
0x49e: {  	s6 =	sand.u32 $0xFF80, s31;
	v52 =	vld [tilespmem:s5+$0x0]  }
0x49f: {  	s7 =	sadd.s32 $0x2700, s3;
	s5 =	sadd.s32 s6, s4;
	v0 =	vadd.f32 v2, v0  }
0x4a0: {  	s8 =	sand.u32 $0xFF80, s7;
	v53 =	vld [tilespmem:s5+$0x0]  }
0x4a1: {  	s9 =	sadd.s32 $0x2D80, s3;
	s5 =	sadd.s32 s8, s4;
	v0 =	vadd.f32 v3, v0  }
0x4a2: {  	s10 =	sand.u32 $0xFF80, s9;
	v54 =	vld [tilespmem:s5+$0x0]  }
0x4a3: {  	s11 =	sadd.s32 $0x3400, s3;
	s5 =	sadd.s32 s10, s4;
	v0 =	vadd.f32 v52, v0  }
0x4a4: {  	s12 =	sand.u32 $0xFF80, s11;
	v55 =	vld [tilespmem:s5+$0x0]  }
0x4a5: {  	s13 =	sadd.s32 $0x3A80, s3;
	s5 =	sadd.s32 s12, s4;
	v0 =	vadd.f32 v53, v0  }
0x4a6: {  	s14 =	sand.u32 $0xFF80, s13;
	v56 =	vld [tilespmem:s5+$0x0]  }
0x4a7: {  	s15 =	sadd.s32 $0x4100, s3;
	s5 =	sadd.s32 s14, s4;
	v0 =	vadd.f32 v54, v0  }
0x4a8: {  	s16 =	sand.u32 $0xFF80, s15;
	v57 =	vld [tilespmem:s5+$0x0]  }
0x4a9: {  	s17 =	sadd.s32 $0x4780, s3;
	s5 =	sadd.s32 s16, s4;
	v0 =	vadd.f32 v55, v0  }
0x4aa: {  	s18 =	sand.u32 $0xFF80, s17;
	v58 =	vld [tilespmem:s5+$0x0]  }
0x4ab: {  	s19 =	sadd.s32 $0x4E00, s3;
	s5 =	sadd.s32 s18, s4;
	v0 =	vadd.f32 v56, v0  }
0x4ac: {  	s20 =	sand.u32 $0xFF80, s19;
	v59 =	vld [tilespmem:s5+$0x0]  }
0x4ad: {  	s21 =	sadd.s32 $0x5480, s3;
	s5 =	sadd.s32 s20, s4;
	v0 =	vadd.f32 v57, v0  }
0x4ae: {  	s22 =	sand.u32 $0xFF80, s21;
	v60 =	vld [tilespmem:s5+$0x0]  }
0x4af: {  	s23 =	sadd.s32 $0x5B00, s3;
	s5 =	sadd.s32 s22, s4;
	v0 =	vadd.f32 v58, v0  }
0x4b0: {  	s24 =	sand.u32 $0xFF80, s23;
	v61 =	vld [tilespmem:s5+$0x0]  }
0x4b1: {  	s25 =	sadd.s32 $0x6180, s3;
	s5 =	sadd.s32 s24, s4;
	v0 =	vadd.f32 v59, v0  }
0x4b2: {  	s3 =	sand.u32 $0xFF80, s25;
	v62 =	vld [tilespmem:s5+$0x0]  }
0x4b3: {  	s3 =	sadd.s32 s3, s4;
	v0 =	vadd.f32 v60, v0  }
0x4b4: {  	v63 =	vld [tilespmem:s3+$0x0]  }
0x4b5: {  	v0 =	vadd.f32 v61, v0;
	_ =	sdelay $0x1  }
0x4b6: {  	v0 =	vadd.f32 v62, v0;
	_ =	sdelay $0x1  }
0x4b7: {  	v0 =	vadd.f32 v63, v0  }
0x4b8: {  	s26 =	sadd.s32 $0x10, s2  }
0x4b9: {  	s29 =	simm.s32 $0x5600;
	s28 =	simm.s32 $0x0;
	s30 =	simm.s32 $0x1;
	[tilespmem:s26+$0x0] =	vst v0  }
0x4ba: {  	[hbm4b:s0+s28] =	stream.linear.scatter [tilespmem:s29], [sflag:$0x1], $0x680, $0x38;
	[tilespmem:$0x17E90] =	vst v63  }
0x4bb: {  	_ =	swait.ge [sflag:s30], $0x680  }
0x4bc: {  	[sflag:s30] =	ssyncset.done $0x0  }
0x4bd: {  	[sflag:s30] =	ssyncadd.s32 $0xFFFFF980  }
0x4be: {  	_ =	sfence.sel $0x180000  }
0x4bf: {  	[bflag:$0x0] =	sbarrier.arrive $0xFFFF  }
0x4c0: {  	_ =	strace $0x90000047  }
0x4c1: {  	s31 =	sadd.s32 $0x100000, s1;
	[bflag:$0x2] =	sbarrier.arrive $0xFFFF  }
0x4c2: {  	[sflag:s31] =	ssyncadd.tile.s32 $0x1;
	_ =	shalt  }
.Lfunc_end2:
_tile_overlayer_lowered:
.L_overlay_start_2:
0x4c3: {  	(tag) =	ssettag $0x2  }
0x4c4: {  	s0 =	rddreg [dreg:$0x0];
	s2 =	stileid.u32  }
0x4c5: {  	s1 =	rddreg [dreg:$0x1];
	p0 =	sne.s32 s2, $0x0  }
0x4c6: {  	s3 =	rddreg [dreg:$0x2];
	[bflag:$0x3] =	sbarrier.arrive $0xFFFF;
	s2 =	simm.s32 @!p0 $0x1C01  }
0x4c7: {  	[timem:s3], [sflag:s2] =	dma.local @!p0 [hbm:s0], s1  }
0x4c8: {  	s0 =	simm.s32 @!p0 $0x1  }
0x4c9: {  	_ =	swait.ge @!p0 [sflag:s0], s1  }
0x4ca: {  	s1 =	ssub.s32 @!p0 $0x0, s1;
	[sflag:s0] =	ssyncset.done @!p0 $0x0  }
0x4cb: {  	[sflag:s0] =	ssyncadd.s32 @!p0 s1  }
0x4cc: {  	[bflag:$0x3] =	sbarrier.arrive $0xFFFF  }
0x4cd: {  	_ =	shalt  }

</sc_bundles>
